<compile_context>
chip_gen: v7x
topology: tpu7x:2x2x1
jax: 0.10.2.dev20260603
libtpu: 0.0.44.dev20260713+nightly
codegen_flags: <defaults>
</compile_context>

<pallas_src>
import functools

import jax
import jax.numpy as jnp
from jax import lax
from jax.experimental import pallas as pl
from jax.experimental.pallas import tpu as pltpu
from jax.experimental.pallas import tpu_sc as plsc

B, L, D = 4096, 50, 64
NW = 32
RPW = B // NW
K = 8
NPH = RPW // K


@jax.jit
def _poi_gather(x, table):
    mesh = plsc.VectorSubcoreMesh(core_axis_name="c", subcore_axis_name="s")

    @functools.partial(
        pl.kernel,
        out_type=jax.ShapeDtypeStruct((B, 56, 128), jnp.float32),
        mesh=mesh,
        compiler_params=pltpu.CompilerParams(use_tc_tiling_on_sc=False),
        scratch_types=[
            pltpu.VMEM((RPW, L), jnp.int32),
            pltpu.VMEM((2, K, L, D), jnp.float32),
            pltpu.SemaphoreType.DMA,
            pltpu.SemaphoreType.DMA,
        ],
    )
    def k(x_hbm, table_hbm, out_hbm, idx_v, rows_v, g_sem, o_sem):
        wid = lax.axis_index("s") * 2 + lax.axis_index("c")
        base = wid * RPW
        pltpu.sync_copy(x_hbm.at[pl.ds(base, RPW)], idx_v)

        def fire(p, bank):
            for b in range(K):
                pltpu.async_copy(
                    table_hbm.at[idx_v.at[p * K + b]], rows_v.at[bank, b],
                    g_sem)

        def wait_gathers():
            for _ in range(K):
                pltpu.make_async_copy(
                    table_hbm.at[idx_v.at[0]], rows_v.at[0, 0], g_sem).wait()

        def puts(p, bank):
            for b in range(K):
                pltpu.async_copy(
                    rows_v.at[bank, b],
                    out_hbm.at[base + p * K + b, pl.ds(0, L), pl.ds(0, D)],
                    o_sem)

        def wait_puts():
            for _ in range(K):
                pltpu.make_async_copy(
                    rows_v.at[0, 0],
                    out_hbm.at[0, pl.ds(0, L), pl.ds(0, D)], o_sem).wait()

        fire(0, 0)

        def body(i, carry):
            for q in range(2):
                p = 2 * i + q

                @pl.when(p > 0)
                def _drain():
                    wait_puts()

                @pl.when(p < NPH - 1)
                def _prefetch():
                    fire(p + 1, 1 - q)

                wait_gathers()
                puts(p, q)
            return carry

        lax.fori_loop(0, NPH // 2, body, 0)
        wait_puts()

    return k(x, table)


def kernel(x, POI):
    big = _poi_gather(x.astype(jnp.int32), POI)
    return big[:, :L, :D]

# --- scband reference (transcript-rebuilt; emitter-appended) ---
"""Pipeline reference for scband-poi-emb-23476291240226 (READ-ONLY COPY).

The authoritative reference and input builder live on the scoring server;
editing this copy changes nothing except your own understanding.
"""

import jax, jax.numpy as jnp
import numpy as np

def setup_inputs(seed: int = 0) -> dict:
    key = jax.random.key(seed)
    k1, k2 = jax.random.split(key)
    x = jax.random.randint(k1, (4096, 50), 0, 100000, dtype=jnp.int64)
    POI = jax.random.normal(k2, (100000, 64), dtype=jnp.float32)
    return {"x": x, "POI": POI}

def reference(x, POI):
    # Original: for each batch row of indices, gather rows of the POI table
    # (POI[np.ix_(locs)] == POI[locs] row-gather), then stack -> [B, L, d].
    # torch.double cast is represented as float32 here (jax x64 disabled by default).
    out = jnp.take(POI, x, axis=0)
    return out

if __name__ == "__main__":
    import jax
    _d = setup_inputs()
    print(jax.jit(kernel)(*tuple(_d.values())))

</pallas_src>

<mosaic_0001>
#map = affine_map<(d0, d1) -> (0, 0)>
#map1 = affine_map<(d0, d1) -> (0, 0, 0)>
module attributes {stable_mosaic.version = 14 : i64} {
  func.func @k(%arg0: i32, %arg1: i32, %arg2: memref<4096x50xi32, #tpu.memory_space<hbm>>, %arg3: memref<100000x64xf32, #tpu.memory_space<hbm>>, %arg4: memref<4096x56x128xf32, #tpu.memory_space<hbm>>, %arg5: memref<128x50xi32, #tpu.memory_space<vmem>>, %arg6: memref<2x8x50x64xf32, #tpu.memory_space<vmem>>, %arg7: memref<!tpu.dma_semaphore, #tpu.memory_space<semaphore_mem>>, %arg8: memref<!tpu.dma_semaphore, #tpu.memory_space<semaphore_mem>>) attributes {dimension_semantics = [#tpu.dimension_semantics<core_parallel>, #tpu.dimension_semantics<subcore_parallel>], iteration_bounds = array<i64: 2, 16>, scalar_prefetch = 0 : i64, scratch_operands = 4 : i64, tpu.core_type = #tpu.core_type<sc_vector_subcore>, window_params = [{transform_indices = #map}, {transform_indices = #map}, {transform_indices = #map1}]} {
    %mul3A = arith.constant 2 : i32
    %mul3A_0 = arith.muli %arg1, %mul3A : i32
    %add3A = arith.addi %mul3A_0, %arg0 : i32
    %mul3A_1 = arith.constant 128 : i32
    %mul3A_2 = arith.muli %add3A, %mul3A_1 : i32
    "tpu.region"() ({
      %run_scoped3A = tpu.sem_alloc : memref<!tpu.dma_semaphore, #tpu.memory_space<semaphore_mem>>
      %dma_start3A_262 = arith.constant 0 : i32
      %dma_start3A_263 = tpu.memref_slice %arg2[%mul3A_2, %dma_start3A_262] : memref<4096x50xi32, #tpu.memory_space<hbm>> -> memref<128x50xi32, #tpu.memory_space<hbm>>
      %dma_start3A_264 = arith.constant 0 : i32
      %dma_start3A_265 = tpu.memref_slice %arg2[%mul3A_2, %dma_start3A_264] : memref<4096x50xi32, #tpu.memory_space<hbm>> -> memref<128x50xi32, #tpu.memory_space<hbm>>
      tpu.enqueue_dma source(%dma_start3A_265 : memref<128x50xi32, #tpu.memory_space<hbm>>) target(%arg5 : memref<128x50xi32, #tpu.memory_space<vmem>>) target_semaphore(%run_scoped3A : memref<!tpu.dma_semaphore, #tpu.memory_space<semaphore_mem>>)
      %dma_wait3A_266 = arith.constant 0 : i32
      %dma_wait3A_267 = tpu.memref_slice %arg2[%mul3A_2, %dma_wait3A_266] : memref<4096x50xi32, #tpu.memory_space<hbm>> -> memref<128x50xi32, #tpu.memory_space<hbm>>
      %dma_wait3A_268 = arith.constant 0 : i32
      %dma_wait3A_269 = tpu.memref_slice %arg2[%mul3A_2, %dma_wait3A_268] : memref<4096x50xi32, #tpu.memory_space<hbm>> -> memref<128x50xi32, #tpu.memory_space<hbm>>
      tpu.wait_dma2 semaphore(%run_scoped3A : memref<!tpu.dma_semaphore, #tpu.memory_space<semaphore_mem>>) src(%dma_wait3A_269 : memref<128x50xi32, #tpu.memory_space<hbm>>) dst(%arg5 : memref<128x50xi32, #tpu.memory_space<vmem>>)
      tpu.yield
    }) : () -> ()
    %dma_start3A = arith.constant 0 : i32
    %dma_start3A_3 = arith.constant 0 : i32
    %dma_start3A_4 = arith.constant 0 : i32
    %dma_start3A_5 = arith.constant 0 : i32
    %dma_start3A_6 = arith.constant 0 : i32
    %dma_start3A_7 = tpu.memref_slice %arg6[%dma_start3A_3, %dma_start3A_4, %dma_start3A_5, %dma_start3A_6] : memref<2x8x50x64xf32, #tpu.memory_space<vmem>> -> memref<1x1x50x64xf32, #tpu.memory_space<vmem>>
    %dma_start3A_8 = tpu.memref_squeeze %dma_start3A_7 : memref<1x1x50x64xf32, #tpu.memory_space<vmem>> -> memref<50x64xf32, #tpu.memory_space<vmem>>
    %dma_start3A_9 = arith.constant 0 : i32
    %dma_start3A_10 = tpu.memref_slice %arg5[%dma_start3A, %dma_start3A_9] : memref<128x50xi32, #tpu.memory_space<vmem>> -> memref<1x50xi32, #tpu.memory_space<vmem>>
    %dma_start3A_11 = tpu.memref_squeeze %dma_start3A_10 : memref<1x50xi32, #tpu.memory_space<vmem>> -> memref<50xi32, #tpu.memory_space<vmem>>
    %dma_start3A_12 = arith.constant 0 : i32
    %dma_start3A_13 = arith.constant 0 : i32
    %dma_start3A_14 = tpu.memref_slice %arg3[%dma_start3A_12, %dma_start3A_13] : memref<100000x64xf32, #tpu.memory_space<hbm>> -> memref<100000x64xf32, #tpu.memory_space<hbm>>
    tpu.enqueue_indirect_dma source(%dma_start3A_14 : memref<100000x64xf32, #tpu.memory_space<hbm>>) target(%dma_start3A_8 : memref<50x64xf32, #tpu.memory_space<vmem>>) offsets(%dma_start3A_11 : memref<50xi32, #tpu.memory_space<vmem>>) semaphore(%arg7 : memref<!tpu.dma_semaphore, #tpu.memory_space<semaphore_mem>>)
    %dma_start3A_15 = arith.constant 1 : i32
    %dma_start3A_16 = arith.constant 0 : i32
    %dma_start3A_17 = arith.constant 1 : i32
    %dma_start3A_18 = arith.constant 0 : i32
    %dma_start3A_19 = arith.constant 0 : i32
    %dma_start3A_20 = tpu.memref_slice %arg6[%dma_start3A_16, %dma_start3A_17, %dma_start3A_18, %dma_start3A_19] : memref<2x8x50x64xf32, #tpu.memory_space<vmem>> -> memref<1x1x50x64xf32, #tpu.memory_space<vmem>>
    %dma_start3A_21 = tpu.memref_squeeze %dma_start3A_20 : memref<1x1x50x64xf32, #tpu.memory_space<vmem>> -> memref<50x64xf32, #tpu.memory_space<vmem>>
    %dma_start3A_22 = arith.constant 0 : i32
    %dma_start3A_23 = tpu.memref_slice %arg5[%dma_start3A_15, %dma_start3A_22] : memref<128x50xi32, #tpu.memory_space<vmem>> -> memref<1x50xi32, #tpu.memory_space<vmem>>
    %dma_start3A_24 = tpu.memref_squeeze %dma_start3A_23 : memref<1x50xi32, #tpu.memory_space<vmem>> -> memref<50xi32, #tpu.memory_space<vmem>>
    %dma_start3A_25 = arith.constant 0 : i32
    %dma_start3A_26 = arith.constant 0 : i32
    %dma_start3A_27 = tpu.memref_slice %arg3[%dma_start3A_25, %dma_start3A_26] : memref<100000x64xf32, #tpu.memory_space<hbm>> -> memref<100000x64xf32, #tpu.memory_space<hbm>>
    tpu.enqueue_indirect_dma source(%dma_start3A_27 : memref<100000x64xf32, #tpu.memory_space<hbm>>) target(%dma_start3A_21 : memref<50x64xf32, #tpu.memory_space<vmem>>) offsets(%dma_start3A_24 : memref<50xi32, #tpu.memory_space<vmem>>) semaphore(%arg7 : memref<!tpu.dma_semaphore, #tpu.memory_space<semaphore_mem>>)
    %dma_start3A_28 = arith.constant 2 : i32
    %dma_start3A_29 = arith.constant 0 : i32
    %dma_start3A_30 = arith.constant 2 : i32
    %dma_start3A_31 = arith.constant 0 : i32
    %dma_start3A_32 = arith.constant 0 : i32
    %dma_start3A_33 = tpu.memref_slice %arg6[%dma_start3A_29, %dma_start3A_30, %dma_start3A_31, %dma_start3A_32] : memref<2x8x50x64xf32, #tpu.memory_space<vmem>> -> memref<1x1x50x64xf32, #tpu.memory_space<vmem>>
    %dma_start3A_34 = tpu.memref_squeeze %dma_start3A_33 : memref<1x1x50x64xf32, #tpu.memory_space<vmem>> -> memref<50x64xf32, #tpu.memory_space<vmem>>
    %dma_start3A_35 = arith.constant 0 : i32
    %dma_start3A_36 = tpu.memref_slice %arg5[%dma_start3A_28, %dma_start3A_35] : memref<128x50xi32, #tpu.memory_space<vmem>> -> memref<1x50xi32, #tpu.memory_space<vmem>>
    %dma_start3A_37 = tpu.memref_squeeze %dma_start3A_36 : memref<1x50xi32, #tpu.memory_space<vmem>> -> memref<50xi32, #tpu.memory_space<vmem>>
    %dma_start3A_38 = arith.constant 0 : i32
    %dma_start3A_39 = arith.constant 0 : i32
    %dma_start3A_40 = tpu.memref_slice %arg3[%dma_start3A_38, %dma_start3A_39] : memref<100000x64xf32, #tpu.memory_space<hbm>> -> memref<100000x64xf32, #tpu.memory_space<hbm>>
    tpu.enqueue_indirect_dma source(%dma_start3A_40 : memref<100000x64xf32, #tpu.memory_space<hbm>>) target(%dma_start3A_34 : memref<50x64xf32, #tpu.memory_space<vmem>>) offsets(%dma_start3A_37 : memref<50xi32, #tpu.memory_space<vmem>>) semaphore(%arg7 : memref<!tpu.dma_semaphore, #tpu.memory_space<semaphore_mem>>)
    %dma_start3A_41 = arith.constant 3 : i32
    %dma_start3A_42 = arith.constant 0 : i32
    %dma_start3A_43 = arith.constant 3 : i32
    %dma_start3A_44 = arith.constant 0 : i32
    %dma_start3A_45 = arith.constant 0 : i32
    %dma_start3A_46 = tpu.memref_slice %arg6[%dma_start3A_42, %dma_start3A_43, %dma_start3A_44, %dma_start3A_45] : memref<2x8x50x64xf32, #tpu.memory_space<vmem>> -> memref<1x1x50x64xf32, #tpu.memory_space<vmem>>
    %dma_start3A_47 = tpu.memref_squeeze %dma_start3A_46 : memref<1x1x50x64xf32, #tpu.memory_space<vmem>> -> memref<50x64xf32, #tpu.memory_space<vmem>>
    %dma_start3A_48 = arith.constant 0 : i32
    %dma_start3A_49 = tpu.memref_slice %arg5[%dma_start3A_41, %dma_start3A_48] : memref<128x50xi32, #tpu.memory_space<vmem>> -> memref<1x50xi32, #tpu.memory_space<vmem>>
    %dma_start3A_50 = tpu.memref_squeeze %dma_start3A_49 : memref<1x50xi32, #tpu.memory_space<vmem>> -> memref<50xi32, #tpu.memory_space<vmem>>
    %dma_start3A_51 = arith.constant 0 : i32
    %dma_start3A_52 = arith.constant 0 : i32
    %dma_start3A_53 = tpu.memref_slice %arg3[%dma_start3A_51, %dma_start3A_52] : memref<100000x64xf32, #tpu.memory_space<hbm>> -> memref<100000x64xf32, #tpu.memory_space<hbm>>
    tpu.enqueue_indirect_dma source(%dma_start3A_53 : memref<100000x64xf32, #tpu.memory_space<hbm>>) target(%dma_start3A_47 : memref<50x64xf32, #tpu.memory_space<vmem>>) offsets(%dma_start3A_50 : memref<50xi32, #tpu.memory_space<vmem>>) semaphore(%arg7 : memref<!tpu.dma_semaphore, #tpu.memory_space<semaphore_mem>>)
    %dma_start3A_54 = arith.constant 4 : i32
    %dma_start3A_55 = arith.constant 0 : i32
    %dma_start3A_56 = arith.constant 4 : i32
    %dma_start3A_57 = arith.constant 0 : i32
    %dma_start3A_58 = arith.constant 0 : i32
    %dma_start3A_59 = tpu.memref_slice %arg6[%dma_start3A_55, %dma_start3A_56, %dma_start3A_57, %dma_start3A_58] : memref<2x8x50x64xf32, #tpu.memory_space<vmem>> -> memref<1x1x50x64xf32, #tpu.memory_space<vmem>>
    %dma_start3A_60 = tpu.memref_squeeze %dma_start3A_59 : memref<1x1x50x64xf32, #tpu.memory_space<vmem>> -> memref<50x64xf32, #tpu.memory_space<vmem>>
    %dma_start3A_61 = arith.constant 0 : i32
    %dma_start3A_62 = tpu.memref_slice %arg5[%dma_start3A_54, %dma_start3A_61] : memref<128x50xi32, #tpu.memory_space<vmem>> -> memref<1x50xi32, #tpu.memory_space<vmem>>
    %dma_start3A_63 = tpu.memref_squeeze %dma_start3A_62 : memref<1x50xi32, #tpu.memory_space<vmem>> -> memref<50xi32, #tpu.memory_space<vmem>>
    %dma_start3A_64 = arith.constant 0 : i32
    %dma_start3A_65 = arith.constant 0 : i32
    %dma_start3A_66 = tpu.memref_slice %arg3[%dma_start3A_64, %dma_start3A_65] : memref<100000x64xf32, #tpu.memory_space<hbm>> -> memref<100000x64xf32, #tpu.memory_space<hbm>>
    tpu.enqueue_indirect_dma source(%dma_start3A_66 : memref<100000x64xf32, #tpu.memory_space<hbm>>) target(%dma_start3A_60 : memref<50x64xf32, #tpu.memory_space<vmem>>) offsets(%dma_start3A_63 : memref<50xi32, #tpu.memory_space<vmem>>) semaphore(%arg7 : memref<!tpu.dma_semaphore, #tpu.memory_space<semaphore_mem>>)
    %dma_start3A_67 = arith.constant 5 : i32
    %dma_start3A_68 = arith.constant 0 : i32
    %dma_start3A_69 = arith.constant 5 : i32
    %dma_start3A_70 = arith.constant 0 : i32
    %dma_start3A_71 = arith.constant 0 : i32
    %dma_start3A_72 = tpu.memref_slice %arg6[%dma_start3A_68, %dma_start3A_69, %dma_start3A_70, %dma_start3A_71] : memref<2x8x50x64xf32, #tpu.memory_space<vmem>> -> memref<1x1x50x64xf32, #tpu.memory_space<vmem>>
    %dma_start3A_73 = tpu.memref_squeeze %dma_start3A_72 : memref<1x1x50x64xf32, #tpu.memory_space<vmem>> -> memref<50x64xf32, #tpu.memory_space<vmem>>
    %dma_start3A_74 = arith.constant 0 : i32
    %dma_start3A_75 = tpu.memref_slice %arg5[%dma_start3A_67, %dma_start3A_74] : memref<128x50xi32, #tpu.memory_space<vmem>> -> memref<1x50xi32, #tpu.memory_space<vmem>>
    %dma_start3A_76 = tpu.memref_squeeze %dma_start3A_75 : memref<1x50xi32, #tpu.memory_space<vmem>> -> memref<50xi32, #tpu.memory_space<vmem>>
    %dma_start3A_77 = arith.constant 0 : i32
    %dma_start3A_78 = arith.constant 0 : i32
    %dma_start3A_79 = tpu.memref_slice %arg3[%dma_start3A_77, %dma_start3A_78] : memref<100000x64xf32, #tpu.memory_space<hbm>> -> memref<100000x64xf32, #tpu.memory_space<hbm>>
    tpu.enqueue_indirect_dma source(%dma_start3A_79 : memref<100000x64xf32, #tpu.memory_space<hbm>>) target(%dma_start3A_73 : memref<50x64xf32, #tpu.memory_space<vmem>>) offsets(%dma_start3A_76 : memref<50xi32, #tpu.memory_space<vmem>>) semaphore(%arg7 : memref<!tpu.dma_semaphore, #tpu.memory_space<semaphore_mem>>)
    %dma_start3A_80 = arith.constant 6 : i32
    %dma_start3A_81 = arith.constant 0 : i32
    %dma_start3A_82 = arith.constant 6 : i32
    %dma_start3A_83 = arith.constant 0 : i32
    %dma_start3A_84 = arith.constant 0 : i32
    %dma_start3A_85 = tpu.memref_slice %arg6[%dma_start3A_81, %dma_start3A_82, %dma_start3A_83, %dma_start3A_84] : memref<2x8x50x64xf32, #tpu.memory_space<vmem>> -> memref<1x1x50x64xf32, #tpu.memory_space<vmem>>
    %dma_start3A_86 = tpu.memref_squeeze %dma_start3A_85 : memref<1x1x50x64xf32, #tpu.memory_space<vmem>> -> memref<50x64xf32, #tpu.memory_space<vmem>>
    %dma_start3A_87 = arith.constant 0 : i32
    %dma_start3A_88 = tpu.memref_slice %arg5[%dma_start3A_80, %dma_start3A_87] : memref<128x50xi32, #tpu.memory_space<vmem>> -> memref<1x50xi32, #tpu.memory_space<vmem>>
    %dma_start3A_89 = tpu.memref_squeeze %dma_start3A_88 : memref<1x50xi32, #tpu.memory_space<vmem>> -> memref<50xi32, #tpu.memory_space<vmem>>
    %dma_start3A_90 = arith.constant 0 : i32
    %dma_start3A_91 = arith.constant 0 : i32
    %dma_start3A_92 = tpu.memref_slice %arg3[%dma_start3A_90, %dma_start3A_91] : memref<100000x64xf32, #tpu.memory_space<hbm>> -> memref<100000x64xf32, #tpu.memory_space<hbm>>
    tpu.enqueue_indirect_dma source(%dma_start3A_92 : memref<100000x64xf32, #tpu.memory_space<hbm>>) target(%dma_start3A_86 : memref<50x64xf32, #tpu.memory_space<vmem>>) offsets(%dma_start3A_89 : memref<50xi32, #tpu.memory_space<vmem>>) semaphore(%arg7 : memref<!tpu.dma_semaphore, #tpu.memory_space<semaphore_mem>>)
    %dma_start3A_93 = arith.constant 7 : i32
    %dma_start3A_94 = arith.constant 0 : i32
    %dma_start3A_95 = arith.constant 7 : i32
    %dma_start3A_96 = arith.constant 0 : i32
    %dma_start3A_97 = arith.constant 0 : i32
    %dma_start3A_98 = tpu.memref_slice %arg6[%dma_start3A_94, %dma_start3A_95, %dma_start3A_96, %dma_start3A_97] : memref<2x8x50x64xf32, #tpu.memory_space<vmem>> -> memref<1x1x50x64xf32, #tpu.memory_space<vmem>>
    %dma_start3A_99 = tpu.memref_squeeze %dma_start3A_98 : memref<1x1x50x64xf32, #tpu.memory_space<vmem>> -> memref<50x64xf32, #tpu.memory_space<vmem>>
    %dma_start3A_100 = arith.constant 0 : i32
    %dma_start3A_101 = tpu.memref_slice %arg5[%dma_start3A_93, %dma_start3A_100] : memref<128x50xi32, #tpu.memory_space<vmem>> -> memref<1x50xi32, #tpu.memory_space<vmem>>
    %dma_start3A_102 = tpu.memref_squeeze %dma_start3A_101 : memref<1x50xi32, #tpu.memory_space<vmem>> -> memref<50xi32, #tpu.memory_space<vmem>>
    %dma_start3A_103 = arith.constant 0 : i32
    %dma_start3A_104 = arith.constant 0 : i32
    %dma_start3A_105 = tpu.memref_slice %arg3[%dma_start3A_103, %dma_start3A_104] : memref<100000x64xf32, #tpu.memory_space<hbm>> -> memref<100000x64xf32, #tpu.memory_space<hbm>>
    tpu.enqueue_indirect_dma source(%dma_start3A_105 : memref<100000x64xf32, #tpu.memory_space<hbm>>) target(%dma_start3A_99 : memref<50x64xf32, #tpu.memory_space<vmem>>) offsets(%dma_start3A_102 : memref<50xi32, #tpu.memory_space<vmem>>) semaphore(%arg7 : memref<!tpu.dma_semaphore, #tpu.memory_space<semaphore_mem>>)
    %scan3A = arith.constant 0 : i32
    %scan3A_106 = arith.constant 0 : i32
    %scan3A_107 = arith.constant 8 : i32
    %scan3A_108 = arith.addi %scan3A_106, %scan3A_107 : i32
    %scan3A_109 = arith.constant 1 : i32
    scf.for %scan3A_262 = %scan3A_106 to %scan3A_108 step %scan3A_109  : i32 {
      %mul3A_263 = arith.constant 2 : i32
      %mul3A_264 = arith.muli %mul3A_263, %scan3A_262 : i32
      %add3A_265 = arith.constant 0 : i32
      %add3A_266 = arith.addi %mul3A_264, %add3A_265 : i32
      %gt3A = arith.constant 0 : i32
      %gt3A_267 = arith.cmpi sgt, %add3A_266, %gt3A : i32
      %convert_element_type3A = arith.extui %gt3A_267 : i1 to i32
      %cond3A = arith.constant 0 : i32
      %cond3A_268 = arith.cmpi ne, %convert_element_type3A, %cond3A : i32
      scf.if %cond3A_268 {
        %dma_wait3A_863 = arith.constant 0 : i32
        %dma_wait3A_864 = arith.constant 0 : i32
        %dma_wait3A_865 = arith.constant 0 : i32
        %dma_wait3A_866 = arith.constant 0 : i32
        %dma_wait3A_867 = arith.constant 0 : i32
        %dma_wait3A_868 = tpu.memref_slice %arg6[%dma_wait3A_863, %dma_wait3A_864, %dma_wait3A_866, %dma_wait3A_867] : memref<2x8x50x64xf32, #tpu.memory_space<vmem>> -> memref<1x1x50x64xf32, #tpu.memory_space<vmem>>
        %dma_wait3A_869 = tpu.memref_squeeze %dma_wait3A_868 : memref<1x1x50x64xf32, #tpu.memory_space<vmem>> -> memref<50x64xf32, #tpu.memory_space<vmem>>
        %dma_wait3A_870 = arith.constant 0 : i32
        %dma_wait3A_871 = arith.constant 0 : i32
        %dma_wait3A_872 = tpu.memref_slice %arg4[%dma_wait3A_865, %dma_wait3A_870, %dma_wait3A_871] : memref<4096x56x128xf32, #tpu.memory_space<hbm>> -> memref<1x50x64xf32, #tpu.memory_space<hbm>>
        %dma_wait3A_873 = tpu.memref_squeeze %dma_wait3A_872 : memref<1x50x64xf32, #tpu.memory_space<hbm>> -> memref<50x64xf32, #tpu.memory_space<hbm>>
        %dma_wait3A_874 = arith.constant 0 : i32
        %dma_wait3A_875 = arith.constant 0 : i32
        %dma_wait3A_876 = tpu.memref_slice %arg4[%dma_wait3A_865, %dma_wait3A_874, %dma_wait3A_875] : memref<4096x56x128xf32, #tpu.memory_space<hbm>> -> memref<1x50x64xf32, #tpu.memory_space<hbm>>
        %dma_wait3A_877 = tpu.memref_squeeze %dma_wait3A_876 : memref<1x50x64xf32, #tpu.memory_space<hbm>> -> memref<50x64xf32, #tpu.memory_space<hbm>>
        %dma_wait3A_878 = arith.constant 0 : i32
        %dma_wait3A_879 = arith.constant 0 : i32
        %dma_wait3A_880 = tpu.memref_slice %arg6[%dma_wait3A_863, %dma_wait3A_864, %dma_wait3A_878, %dma_wait3A_879] : memref<2x8x50x64xf32, #tpu.memory_space<vmem>> -> memref<1x1x50x64xf32, #tpu.memory_space<vmem>>
        %dma_wait3A_881 = tpu.memref_squeeze %dma_wait3A_880 : memref<1x1x50x64xf32, #tpu.memory_space<vmem>> -> memref<50x64xf32, #tpu.memory_space<vmem>>
        tpu.wait_dma2 semaphore(%arg8 : memref<!tpu.dma_semaphore, #tpu.memory_space<semaphore_mem>>) src(%dma_wait3A_881 : memref<50x64xf32, #tpu.memory_space<vmem>>) dst(%dma_wait3A_877 : memref<50x64xf32, #tpu.memory_space<hbm>>)
        %dma_wait3A_882 = arith.constant 0 : i32
        %dma_wait3A_883 = arith.constant 0 : i32
        %dma_wait3A_884 = arith.constant 0 : i32
        %dma_wait3A_885 = arith.constant 0 : i32
        %dma_wait3A_886 = arith.constant 0 : i32
        %dma_wait3A_887 = tpu.memref_slice %arg6[%dma_wait3A_882, %dma_wait3A_883, %dma_wait3A_885, %dma_wait3A_886] : memref<2x8x50x64xf32, #tpu.memory_space<vmem>> -> memref<1x1x50x64xf32, #tpu.memory_space<vmem>>
        %dma_wait3A_888 = tpu.memref_squeeze %dma_wait3A_887 : memref<1x1x50x64xf32, #tpu.memory_space<vmem>> -> memref<50x64xf32, #tpu.memory_space<vmem>>
        %dma_wait3A_889 = arith.constant 0 : i32
        %dma_wait3A_890 = arith.constant 0 : i32
        %dma_wait3A_891 = tpu.memref_slice %arg4[%dma_wait3A_884, %dma_wait3A_889, %dma_wait3A_890] : memref<4096x56x128xf32, #tpu.memory_space<hbm>> -> memref<1x50x64xf32, #tpu.memory_space<hbm>>
        %dma_wait3A_892 = tpu.memref_squeeze %dma_wait3A_891 : memref<1x50x64xf32, #tpu.memory_space<hbm>> -> memref<50x64xf32, #tpu.memory_space<hbm>>
        %dma_wait3A_893 = arith.constant 0 : i32
        %dma_wait3A_894 = arith.constant 0 : i32
        %dma_wait3A_895 = tpu.memref_slice %arg4[%dma_wait3A_884, %dma_wait3A_893, %dma_wait3A_894] : memref<4096x56x128xf32, #tpu.memory_space<hbm>> -> memref<1x50x64xf32, #tpu.memory_space<hbm>>
        %dma_wait3A_896 = tpu.memref_squeeze %dma_wait3A_895 : memref<1x50x64xf32, #tpu.memory_space<hbm>> -> memref<50x64xf32, #tpu.memory_space<hbm>>
        %dma_wait3A_897 = arith.constant 0 : i32
        %dma_wait3A_898 = arith.constant 0 : i32
        %dma_wait3A_899 = tpu.memref_slice %arg6[%dma_wait3A_882, %dma_wait3A_883, %dma_wait3A_897, %dma_wait3A_898] : memref<2x8x50x64xf32, #tpu.memory_space<vmem>> -> memref<1x1x50x64xf32, #tpu.memory_space<vmem>>
        %dma_wait3A_900 = tpu.memref_squeeze %dma_wait3A_899 : memref<1x1x50x64xf32, #tpu.memory_space<vmem>> -> memref<50x64xf32, #tpu.memory_space<vmem>>
        tpu.wait_dma2 semaphore(%arg8 : memref<!tpu.dma_semaphore, #tpu.memory_space<semaphore_mem>>) src(%dma_wait3A_900 : memref<50x64xf32, #tpu.memory_space<vmem>>) dst(%dma_wait3A_896 : memref<50x64xf32, #tpu.memory_space<hbm>>)
        %dma_wait3A_901 = arith.constant 0 : i32
        %dma_wait3A_902 = arith.constant 0 : i32
        %dma_wait3A_903 = arith.constant 0 : i32
        %dma_wait3A_904 = arith.constant 0 : i32
        %dma_wait3A_905 = arith.constant 0 : i32
        %dma_wait3A_906 = tpu.memref_slice %arg6[%dma_wait3A_901, %dma_wait3A_902, %dma_wait3A_904, %dma_wait3A_905] : memref<2x8x50x64xf32, #tpu.memory_space<vmem>> -> memref<1x1x50x64xf32, #tpu.memory_space<vmem>>
        %dma_wait3A_907 = tpu.memref_squeeze %dma_wait3A_906 : memref<1x1x50x64xf32, #tpu.memory_space<vmem>> -> memref<50x64xf32, #tpu.memory_space<vmem>>
        %dma_wait3A_908 = arith.constant 0 : i32
        %dma_wait3A_909 = arith.constant 0 : i32
        %dma_wait3A_910 = tpu.memref_slice %arg4[%dma_wait3A_903, %dma_wait3A_908, %dma_wait3A_909] : memref<4096x56x128xf32, #tpu.memory_space<hbm>> -> memref<1x50x64xf32, #tpu.memory_space<hbm>>
        %dma_wait3A_911 = tpu.memref_squeeze %dma_wait3A_910 : memref<1x50x64xf32, #tpu.memory_space<hbm>> -> memref<50x64xf32, #tpu.memory_space<hbm>>
        %dma_wait3A_912 = arith.constant 0 : i32
        %dma_wait3A_913 = arith.constant 0 : i32
        %dma_wait3A_914 = tpu.memref_slice %arg4[%dma_wait3A_903, %dma_wait3A_912, %dma_wait3A_913] : memref<4096x56x128xf32, #tpu.memory_space<hbm>> -> memref<1x50x64xf32, #tpu.memory_space<hbm>>
        %dma_wait3A_915 = tpu.memref_squeeze %dma_wait3A_914 : memref<1x50x64xf32, #tpu.memory_space<hbm>> -> memref<50x64xf32, #tpu.memory_space<hbm>>
        %dma_wait3A_916 = arith.constant 0 : i32
        %dma_wait3A_917 = arith.constant 0 : i32
        %dma_wait3A_918 = tpu.memref_slice %arg6[%dma_wait3A_901, %dma_wait3A_902, %dma_wait3A_916, %dma_wait3A_917] : memref<2x8x50x64xf32, #tpu.memory_space<vmem>> -> memref<1x1x50x64xf32, #tpu.memory_space<vmem>>
        %dma_wait3A_919 = tpu.memref_squeeze %dma_wait3A_918 : memref<1x1x50x64xf32, #tpu.memory_space<vmem>> -> memref<50x64xf32, #tpu.memory_space<vmem>>
        tpu.wait_dma2 semaphore(%arg8 : memref<!tpu.dma_semaphore, #tpu.memory_space<semaphore_mem>>) src(%dma_wait3A_919 : memref<50x64xf32, #tpu.memory_space<vmem>>) dst(%dma_wait3A_915 : memref<50x64xf32, #tpu.memory_space<hbm>>)
        %dma_wait3A_920 = arith.constant 0 : i32
        %dma_wait3A_921 = arith.constant 0 : i32
        %dma_wait3A_922 = arith.constant 0 : i32
        %dma_wait3A_923 = arith.constant 0 : i32
        %dma_wait3A_924 = arith.constant 0 : i32
        %dma_wait3A_925 = tpu.memref_slice %arg6[%dma_wait3A_920, %dma_wait3A_921, %dma_wait3A_923, %dma_wait3A_924] : memref<2x8x50x64xf32, #tpu.memory_space<vmem>> -> memref<1x1x50x64xf32, #tpu.memory_space<vmem>>
        %dma_wait3A_926 = tpu.memref_squeeze %dma_wait3A_925 : memref<1x1x50x64xf32, #tpu.memory_space<vmem>> -> memref<50x64xf32, #tpu.memory_space<vmem>>
        %dma_wait3A_927 = arith.constant 0 : i32
        %dma_wait3A_928 = arith.constant 0 : i32
        %dma_wait3A_929 = tpu.memref_slice %arg4[%dma_wait3A_922, %dma_wait3A_927, %dma_wait3A_928] : memref<4096x56x128xf32, #tpu.memory_space<hbm>> -> memref<1x50x64xf32, #tpu.memory_space<hbm>>
        %dma_wait3A_930 = tpu.memref_squeeze %dma_wait3A_929 : memref<1x50x64xf32, #tpu.memory_space<hbm>> -> memref<50x64xf32, #tpu.memory_space<hbm>>
        %dma_wait3A_931 = arith.constant 0 : i32
        %dma_wait3A_932 = arith.constant 0 : i32
        %dma_wait3A_933 = tpu.memref_slice %arg4[%dma_wait3A_922, %dma_wait3A_931, %dma_wait3A_932] : memref<4096x56x128xf32, #tpu.memory_space<hbm>> -> memref<1x50x64xf32, #tpu.memory_space<hbm>>
        %dma_wait3A_934 = tpu.memref_squeeze %dma_wait3A_933 : memref<1x50x64xf32, #tpu.memory_space<hbm>> -> memref<50x64xf32, #tpu.memory_space<hbm>>
        %dma_wait3A_935 = arith.constant 0 : i32
        %dma_wait3A_936 = arith.constant 0 : i32
        %dma_wait3A_937 = tpu.memref_slice %arg6[%dma_wait3A_920, %dma_wait3A_921, %dma_wait3A_935, %dma_wait3A_936] : memref<2x8x50x64xf32, #tpu.memory_space<vmem>> -> memref<1x1x50x64xf32, #tpu.memory_space<vmem>>
        %dma_wait3A_938 = tpu.memref_squeeze %dma_wait3A_937 : memref<1x1x50x64xf32, #tpu.memory_space<vmem>> -> memref<50x64xf32, #tpu.memory_space<vmem>>
        tpu.wait_dma2 semaphore(%arg8 : memref<!tpu.dma_semaphore, #tpu.memory_space<semaphore_mem>>) src(%dma_wait3A_938 : memref<50x64xf32, #tpu.memory_space<vmem>>) dst(%dma_wait3A_934 : memref<50x64xf32, #tpu.memory_space<hbm>>)
        %dma_wait3A_939 = arith.constant 0 : i32
        %dma_wait3A_940 = arith.constant 0 : i32
        %dma_wait3A_941 = arith.constant 0 : i32
        %dma_wait3A_942 = arith.constant 0 : i32
        %dma_wait3A_943 = arith.constant 0 : i32
        %dma_wait3A_944 = tpu.memref_slice %arg6[%dma_wait3A_939, %dma_wait3A_940, %dma_wait3A_942, %dma_wait3A_943] : memref<2x8x50x64xf32, #tpu.memory_space<vmem>> -> memref<1x1x50x64xf32, #tpu.memory_space<vmem>>
        %dma_wait3A_945 = tpu.memref_squeeze %dma_wait3A_944 : memref<1x1x50x64xf32, #tpu.memory_space<vmem>> -> memref<50x64xf32, #tpu.memory_space<vmem>>
        %dma_wait3A_946 = arith.constant 0 : i32
        %dma_wait3A_947 = arith.constant 0 : i32
        %dma_wait3A_948 = tpu.memref_slice %arg4[%dma_wait3A_941, %dma_wait3A_946, %dma_wait3A_947] : memref<4096x56x128xf32, #tpu.memory_space<hbm>> -> memref<1x50x64xf32, #tpu.memory_space<hbm>>
        %dma_wait3A_949 = tpu.memref_squeeze %dma_wait3A_948 : memref<1x50x64xf32, #tpu.memory_space<hbm>> -> memref<50x64xf32, #tpu.memory_space<hbm>>
        %dma_wait3A_950 = arith.constant 0 : i32
        %dma_wait3A_951 = arith.constant 0 : i32
        %dma_wait3A_952 = tpu.memref_slice %arg4[%dma_wait3A_941, %dma_wait3A_950, %dma_wait3A_951] : memref<4096x56x128xf32, #tpu.memory_space<hbm>> -> memref<1x50x64xf32, #tpu.memory_space<hbm>>
        %dma_wait3A_953 = tpu.memref_squeeze %dma_wait3A_952 : memref<1x50x64xf32, #tpu.memory_space<hbm>> -> memref<50x64xf32, #tpu.memory_space<hbm>>
        %dma_wait3A_954 = arith.constant 0 : i32
        %dma_wait3A_955 = arith.constant 0 : i32
        %dma_wait3A_956 = tpu.memref_slice %arg6[%dma_wait3A_939, %dma_wait3A_940, %dma_wait3A_954, %dma_wait3A_955] : memref<2x8x50x64xf32, #tpu.memory_space<vmem>> -> memref<1x1x50x64xf32, #tpu.memory_space<vmem>>
        %dma_wait3A_957 = tpu.memref_squeeze %dma_wait3A_956 : memref<1x1x50x64xf32, #tpu.memory_space<vmem>> -> memref<50x64xf32, #tpu.memory_space<vmem>>
        tpu.wait_dma2 semaphore(%arg8 : memref<!tpu.dma_semaphore, #tpu.memory_space<semaphore_mem>>) src(%dma_wait3A_957 : memref<50x64xf32, #tpu.memory_space<vmem>>) dst(%dma_wait3A_953 : memref<50x64xf32, #tpu.memory_space<hbm>>)
        %dma_wait3A_958 = arith.constant 0 : i32
        %dma_wait3A_959 = arith.constant 0 : i32
        %dma_wait3A_960 = arith.constant 0 : i32
        %dma_wait3A_961 = arith.constant 0 : i32
        %dma_wait3A_962 = arith.constant 0 : i32
        %dma_wait3A_963 = tpu.memref_slice %arg6[%dma_wait3A_958, %dma_wait3A_959, %dma_wait3A_961, %dma_wait3A_962] : memref<2x8x50x64xf32, #tpu.memory_space<vmem>> -> memref<1x1x50x64xf32, #tpu.memory_space<vmem>>
        %dma_wait3A_964 = tpu.memref_squeeze %dma_wait3A_963 : memref<1x1x50x64xf32, #tpu.memory_space<vmem>> -> memref<50x64xf32, #tpu.memory_space<vmem>>
        %dma_wait3A_965 = arith.constant 0 : i32
        %dma_wait3A_966 = arith.constant 0 : i32
        %dma_wait3A_967 = tpu.memref_slice %arg4[%dma_wait3A_960, %dma_wait3A_965, %dma_wait3A_966] : memref<4096x56x128xf32, #tpu.memory_space<hbm>> -> memref<1x50x64xf32, #tpu.memory_space<hbm>>
        %dma_wait3A_968 = tpu.memref_squeeze %dma_wait3A_967 : memref<1x50x64xf32, #tpu.memory_space<hbm>> -> memref<50x64xf32, #tpu.memory_space<hbm>>
        %dma_wait3A_969 = arith.constant 0 : i32
        %dma_wait3A_970 = arith.constant 0 : i32
        %dma_wait3A_971 = tpu.memref_slice %arg4[%dma_wait3A_960, %dma_wait3A_969, %dma_wait3A_970] : memref<4096x56x128xf32, #tpu.memory_space<hbm>> -> memref<1x50x64xf32, #tpu.memory_space<hbm>>
        %dma_wait3A_972 = tpu.memref_squeeze %dma_wait3A_971 : memref<1x50x64xf32, #tpu.memory_space<hbm>> -> memref<50x64xf32, #tpu.memory_space<hbm>>
        %dma_wait3A_973 = arith.constant 0 : i32
        %dma_wait3A_974 = arith.constant 0 : i32
        %dma_wait3A_975 = tpu.memref_slice %arg6[%dma_wait3A_958, %dma_wait3A_959, %dma_wait3A_973, %dma_wait3A_974] : memref<2x8x50x64xf32, #tpu.memory_space<vmem>> -> memref<1x1x50x64xf32, #tpu.memory_space<vmem>>
        %dma_wait3A_976 = tpu.memref_squeeze %dma_wait3A_975 : memref<1x1x50x64xf32, #tpu.memory_space<vmem>> -> memref<50x64xf32, #tpu.memory_space<vmem>>
        tpu.wait_dma2 semaphore(%arg8 : memref<!tpu.dma_semaphore, #tpu.memory_space<semaphore_mem>>) src(%dma_wait3A_976 : memref<50x64xf32, #tpu.memory_space<vmem>>) dst(%dma_wait3A_972 : memref<50x64xf32, #tpu.memory_space<hbm>>)
        %dma_wait3A_977 = arith.constant 0 : i32
        %dma_wait3A_978 = arith.constant 0 : i32
        %dma_wait3A_979 = arith.constant 0 : i32
        %dma_wait3A_980 = arith.constant 0 : i32
        %dma_wait3A_981 = arith.constant 0 : i32
        %dma_wait3A_982 = tpu.memref_slice %arg6[%dma_wait3A_977, %dma_wait3A_978, %dma_wait3A_980, %dma_wait3A_981] : memref<2x8x50x64xf32, #tpu.memory_space<vmem>> -> memref<1x1x50x64xf32, #tpu.memory_space<vmem>>
        %dma_wait3A_983 = tpu.memref_squeeze %dma_wait3A_982 : memref<1x1x50x64xf32, #tpu.memory_space<vmem>> -> memref<50x64xf32, #tpu.memory_space<vmem>>
        %dma_wait3A_984 = arith.constant 0 : i32
        %dma_wait3A_985 = arith.constant 0 : i32
        %dma_wait3A_986 = tpu.memref_slice %arg4[%dma_wait3A_979, %dma_wait3A_984, %dma_wait3A_985] : memref<4096x56x128xf32, #tpu.memory_space<hbm>> -> memref<1x50x64xf32, #tpu.memory_space<hbm>>
        %dma_wait3A_987 = tpu.memref_squeeze %dma_wait3A_986 : memref<1x50x64xf32, #tpu.memory_space<hbm>> -> memref<50x64xf32, #tpu.memory_space<hbm>>
        %dma_wait3A_988 = arith.constant 0 : i32
        %dma_wait3A_989 = arith.constant 0 : i32
        %dma_wait3A_990 = tpu.memref_slice %arg4[%dma_wait3A_979, %dma_wait3A_988, %dma_wait3A_989] : memref<4096x56x128xf32, #tpu.memory_space<hbm>> -> memref<1x50x64xf32, #tpu.memory_space<hbm>>
        %dma_wait3A_991 = tpu.memref_squeeze %dma_wait3A_990 : memref<1x50x64xf32, #tpu.memory_space<hbm>> -> memref<50x64xf32, #tpu.memory_space<hbm>>
        %dma_wait3A_992 = arith.constant 0 : i32
        %dma_wait3A_993 = arith.constant 0 : i32
        %dma_wait3A_994 = tpu.memref_slice %arg6[%dma_wait3A_977, %dma_wait3A_978, %dma_wait3A_992, %dma_wait3A_993] : memref<2x8x50x64xf32, #tpu.memory_space<vmem>> -> memref<1x1x50x64xf32, #tpu.memory_space<vmem>>
        %dma_wait3A_995 = tpu.memref_squeeze %dma_wait3A_994 : memref<1x1x50x64xf32, #tpu.memory_space<vmem>> -> memref<50x64xf32, #tpu.memory_space<vmem>>
        tpu.wait_dma2 semaphore(%arg8 : memref<!tpu.dma_semaphore, #tpu.memory_space<semaphore_mem>>) src(%dma_wait3A_995 : memref<50x64xf32, #tpu.memory_space<vmem>>) dst(%dma_wait3A_991 : memref<50x64xf32, #tpu.memory_space<hbm>>)
        %dma_wait3A_996 = arith.constant 0 : i32
        %dma_wait3A_997 = arith.constant 0 : i32
        %dma_wait3A_998 = arith.constant 0 : i32
        %dma_wait3A_999 = arith.constant 0 : i32
        %dma_wait3A_1000 = arith.constant 0 : i32
        %dma_wait3A_1001 = tpu.memref_slice %arg6[%dma_wait3A_996, %dma_wait3A_997, %dma_wait3A_999, %dma_wait3A_1000] : memref<2x8x50x64xf32, #tpu.memory_space<vmem>> -> memref<1x1x50x64xf32, #tpu.memory_space<vmem>>
        %dma_wait3A_1002 = tpu.memref_squeeze %dma_wait3A_1001 : memref<1x1x50x64xf32, #tpu.memory_space<vmem>> -> memref<50x64xf32, #tpu.memory_space<vmem>>
        %dma_wait3A_1003 = arith.constant 0 : i32
        %dma_wait3A_1004 = arith.constant 0 : i32
        %dma_wait3A_1005 = tpu.memref_slice %arg4[%dma_wait3A_998, %dma_wait3A_1003, %dma_wait3A_1004] : memref<4096x56x128xf32, #tpu.memory_space<hbm>> -> memref<1x50x64xf32, #tpu.memory_space<hbm>>
        %dma_wait3A_1006 = tpu.memref_squeeze %dma_wait3A_1005 : memref<1x50x64xf32, #tpu.memory_space<hbm>> -> memref<50x64xf32, #tpu.memory_space<hbm>>
        %dma_wait3A_1007 = arith.constant 0 : i32
        %dma_wait3A_1008 = arith.constant 0 : i32
        %dma_wait3A_1009 = tpu.memref_slice %arg4[%dma_wait3A_998, %dma_wait3A_1007, %dma_wait3A_1008] : memref<4096x56x128xf32, #tpu.memory_space<hbm>> -> memref<1x50x64xf32, #tpu.memory_space<hbm>>
        %dma_wait3A_1010 = tpu.memref_squeeze %dma_wait3A_1009 : memref<1x50x64xf32, #tpu.memory_space<hbm>> -> memref<50x64xf32, #tpu.memory_space<hbm>>
        %dma_wait3A_1011 = arith.constant 0 : i32
        %dma_wait3A_1012 = arith.constant 0 : i32
        %dma_wait3A_1013 = tpu.memref_slice %arg6[%dma_wait3A_996, %dma_wait3A_997, %dma_wait3A_1011, %dma_wait3A_1012] : memref<2x8x50x64xf32, #tpu.memory_space<vmem>> -> memref<1x1x50x64xf32, #tpu.memory_space<vmem>>
        %dma_wait3A_1014 = tpu.memref_squeeze %dma_wait3A_1013 : memref<1x1x50x64xf32, #tpu.memory_space<vmem>> -> memref<50x64xf32, #tpu.memory_space<vmem>>
        tpu.wait_dma2 semaphore(%arg8 : memref<!tpu.dma_semaphore, #tpu.memory_space<semaphore_mem>>) src(%dma_wait3A_1014 : memref<50x64xf32, #tpu.memory_space<vmem>>) dst(%dma_wait3A_1010 : memref<50x64xf32, #tpu.memory_space<hbm>>)
      } else {
      }
      %lt3A = arith.constant 15 : i32
      %lt3A_269 = arith.cmpi slt, %add3A_266, %lt3A : i32
      %convert_element_type3A_270 = arith.extui %lt3A_269 : i1 to i32
      %cond3A_271 = arith.constant 0 : i32
      %cond3A_272 = arith.cmpi ne, %convert_element_type3A_270, %cond3A_271 : i32
      scf.if %cond3A_272 {
        %add3A_863 = arith.constant 1 : i32
        %add3A_864 = arith.addi %add3A_266, %add3A_863 : i32
        %mul3A_865 = arith.constant 8 : i32
        %mul3A_866 = arith.muli %add3A_864, %mul3A_865 : i32
        %add3A_867 = arith.constant 0 : i32
        %add3A_868 = arith.addi %mul3A_866, %add3A_867 : i32
        %dma_start3A_869 = arith.constant 1 : i32
        %dma_start3A_870 = arith.constant 0 : i32
        %dma_start3A_871 = arith.constant 0 : i32
        %dma_start3A_872 = arith.constant 0 : i32
        %dma_start3A_873 = tpu.memref_slice %arg6[%dma_start3A_869, %dma_start3A_870, %dma_start3A_871, %dma_start3A_872] : memref<2x8x50x64xf32, #tpu.memory_space<vmem>> -> memref<1x1x50x64xf32, #tpu.memory_space<vmem>>
        %dma_start3A_874 = tpu.memref_squeeze %dma_start3A_873 : memref<1x1x50x64xf32, #tpu.memory_space<vmem>> -> memref<50x64xf32, #tpu.memory_space<vmem>>
        %dma_start3A_875 = arith.constant 0 : i32
        %dma_start3A_876 = tpu.memref_slice %arg5[%add3A_868, %dma_start3A_875] : memref<128x50xi32, #tpu.memory_space<vmem>> -> memref<1x50xi32, #tpu.memory_space<vmem>>
        %dma_start3A_877 = tpu.memref_squeeze %dma_start3A_876 : memref<1x50xi32, #tpu.memory_space<vmem>> -> memref<50xi32, #tpu.memory_space<vmem>>
        %dma_start3A_878 = arith.constant 0 : i32
        %dma_start3A_879 = arith.constant 0 : i32
        %dma_start3A_880 = tpu.memref_slice %arg3[%dma_start3A_878, %dma_start3A_879] : memref<100000x64xf32, #tpu.memory_space<hbm>> -> memref<100000x64xf32, #tpu.memory_space<hbm>>
        tpu.enqueue_indirect_dma source(%dma_start3A_880 : memref<100000x64xf32, #tpu.memory_space<hbm>>) target(%dma_start3A_874 : memref<50x64xf32, #tpu.memory_space<vmem>>) offsets(%dma_start3A_877 : memref<50xi32, #tpu.memory_space<vmem>>) semaphore(%arg7 : memref<!tpu.dma_semaphore, #tpu.memory_space<semaphore_mem>>)
        %mul3A_881 = arith.constant 8 : i32
        %mul3A_882 = arith.muli %add3A_864, %mul3A_881 : i32
        %add3A_883 = arith.constant 1 : i32
        %add3A_884 = arith.addi %mul3A_882, %add3A_883 : i32
        %dma_start3A_885 = arith.constant 1 : i32
        %dma_start3A_886 = arith.constant 1 : i32
        %dma_start3A_887 = arith.constant 0 : i32
        %dma_start3A_888 = arith.constant 0 : i32
        %dma_start3A_889 = tpu.memref_slice %arg6[%dma_start3A_885, %dma_start3A_886, %dma_start3A_887, %dma_start3A_888] : memref<2x8x50x64xf32, #tpu.memory_space<vmem>> -> memref<1x1x50x64xf32, #tpu.memory_space<vmem>>
        %dma_start3A_890 = tpu.memref_squeeze %dma_start3A_889 : memref<1x1x50x64xf32, #tpu.memory_space<vmem>> -> memref<50x64xf32, #tpu.memory_space<vmem>>
        %dma_start3A_891 = arith.constant 0 : i32
        %dma_start3A_892 = tpu.memref_slice %arg5[%add3A_884, %dma_start3A_891] : memref<128x50xi32, #tpu.memory_space<vmem>> -> memref<1x50xi32, #tpu.memory_space<vmem>>
        %dma_start3A_893 = tpu.memref_squeeze %dma_start3A_892 : memref<1x50xi32, #tpu.memory_space<vmem>> -> memref<50xi32, #tpu.memory_space<vmem>>
        %dma_start3A_894 = arith.constant 0 : i32
        %dma_start3A_895 = arith.constant 0 : i32
        %dma_start3A_896 = tpu.memref_slice %arg3[%dma_start3A_894, %dma_start3A_895] : memref<100000x64xf32, #tpu.memory_space<hbm>> -> memref<100000x64xf32, #tpu.memory_space<hbm>>
        tpu.enqueue_indirect_dma source(%dma_start3A_896 : memref<100000x64xf32, #tpu.memory_space<hbm>>) target(%dma_start3A_890 : memref<50x64xf32, #tpu.memory_space<vmem>>) offsets(%dma_start3A_893 : memref<50xi32, #tpu.memory_space<vmem>>) semaphore(%arg7 : memref<!tpu.dma_semaphore, #tpu.memory_space<semaphore_mem>>)
        %mul3A_897 = arith.constant 8 : i32
        %mul3A_898 = arith.muli %add3A_864, %mul3A_897 : i32
        %add3A_899 = arith.constant 2 : i32
        %add3A_900 = arith.addi %mul3A_898, %add3A_899 : i32
        %dma_start3A_901 = arith.constant 1 : i32
        %dma_start3A_902 = arith.constant 2 : i32
        %dma_start3A_903 = arith.constant 0 : i32
        %dma_start3A_904 = arith.constant 0 : i32
        %dma_start3A_905 = tpu.memref_slice %arg6[%dma_start3A_901, %dma_start3A_902, %dma_start3A_903, %dma_start3A_904] : memref<2x8x50x64xf32, #tpu.memory_space<vmem>> -> memref<1x1x50x64xf32, #tpu.memory_space<vmem>>
        %dma_start3A_906 = tpu.memref_squeeze %dma_start3A_905 : memref<1x1x50x64xf32, #tpu.memory_space<vmem>> -> memref<50x64xf32, #tpu.memory_space<vmem>>
        %dma_start3A_907 = arith.constant 0 : i32
        %dma_start3A_908 = tpu.memref_slice %arg5[%add3A_900, %dma_start3A_907] : memref<128x50xi32, #tpu.memory_space<vmem>> -> memref<1x50xi32, #tpu.memory_space<vmem>>
        %dma_start3A_909 = tpu.memref_squeeze %dma_start3A_908 : memref<1x50xi32, #tpu.memory_space<vmem>> -> memref<50xi32, #tpu.memory_space<vmem>>
        %dma_start3A_910 = arith.constant 0 : i32
        %dma_start3A_911 = arith.constant 0 : i32
        %dma_start3A_912 = tpu.memref_slice %arg3[%dma_start3A_910, %dma_start3A_911] : memref<100000x64xf32, #tpu.memory_space<hbm>> -> memref<100000x64xf32, #tpu.memory_space<hbm>>
        tpu.enqueue_indirect_dma source(%dma_start3A_912 : memref<100000x64xf32, #tpu.memory_space<hbm>>) target(%dma_start3A_906 : memref<50x64xf32, #tpu.memory_space<vmem>>) offsets(%dma_start3A_909 : memref<50xi32, #tpu.memory_space<vmem>>) semaphore(%arg7 : memref<!tpu.dma_semaphore, #tpu.memory_space<semaphore_mem>>)
        %mul3A_913 = arith.constant 8 : i32
        %mul3A_914 = arith.muli %add3A_864, %mul3A_913 : i32
        %add3A_915 = arith.constant 3 : i32
        %add3A_916 = arith.addi %mul3A_914, %add3A_915 : i32
        %dma_start3A_917 = arith.constant 1 : i32
        %dma_start3A_918 = arith.constant 3 : i32
        %dma_start3A_919 = arith.constant 0 : i32
        %dma_start3A_920 = arith.constant 0 : i32
        %dma_start3A_921 = tpu.memref_slice %arg6[%dma_start3A_917, %dma_start3A_918, %dma_start3A_919, %dma_start3A_920] : memref<2x8x50x64xf32, #tpu.memory_space<vmem>> -> memref<1x1x50x64xf32, #tpu.memory_space<vmem>>
        %dma_start3A_922 = tpu.memref_squeeze %dma_start3A_921 : memref<1x1x50x64xf32, #tpu.memory_space<vmem>> -> memref<50x64xf32, #tpu.memory_space<vmem>>
        %dma_start3A_923 = arith.constant 0 : i32
        %dma_start3A_924 = tpu.memref_slice %arg5[%add3A_916, %dma_start3A_923] : memref<128x50xi32, #tpu.memory_space<vmem>> -> memref<1x50xi32, #tpu.memory_space<vmem>>
        %dma_start3A_925 = tpu.memref_squeeze %dma_start3A_924 : memref<1x50xi32, #tpu.memory_space<vmem>> -> memref<50xi32, #tpu.memory_space<vmem>>
        %dma_start3A_926 = arith.constant 0 : i32
        %dma_start3A_927 = arith.constant 0 : i32
        %dma_start3A_928 = tpu.memref_slice %arg3[%dma_start3A_926, %dma_start3A_927] : memref<100000x64xf32, #tpu.memory_space<hbm>> -> memref<100000x64xf32, #tpu.memory_space<hbm>>
        tpu.enqueue_indirect_dma source(%dma_start3A_928 : memref<100000x64xf32, #tpu.memory_space<hbm>>) target(%dma_start3A_922 : memref<50x64xf32, #tpu.memory_space<vmem>>) offsets(%dma_start3A_925 : memref<50xi32, #tpu.memory_space<vmem>>) semaphore(%arg7 : memref<!tpu.dma_semaphore, #tpu.memory_space<semaphore_mem>>)
        %mul3A_929 = arith.constant 8 : i32
        %mul3A_930 = arith.muli %add3A_864, %mul3A_929 : i32
        %add3A_931 = arith.constant 4 : i32
        %add3A_932 = arith.addi %mul3A_930, %add3A_931 : i32
        %dma_start3A_933 = arith.constant 1 : i32
        %dma_start3A_934 = arith.constant 4 : i32
        %dma_start3A_935 = arith.constant 0 : i32
        %dma_start3A_936 = arith.constant 0 : i32
        %dma_start3A_937 = tpu.memref_slice %arg6[%dma_start3A_933, %dma_start3A_934, %dma_start3A_935, %dma_start3A_936] : memref<2x8x50x64xf32, #tpu.memory_space<vmem>> -> memref<1x1x50x64xf32, #tpu.memory_space<vmem>>
        %dma_start3A_938 = tpu.memref_squeeze %dma_start3A_937 : memref<1x1x50x64xf32, #tpu.memory_space<vmem>> -> memref<50x64xf32, #tpu.memory_space<vmem>>
        %dma_start3A_939 = arith.constant 0 : i32
        %dma_start3A_940 = tpu.memref_slice %arg5[%add3A_932, %dma_start3A_939] : memref<128x50xi32, #tpu.memory_space<vmem>> -> memref<1x50xi32, #tpu.memory_space<vmem>>
        %dma_start3A_941 = tpu.memref_squeeze %dma_start3A_940 : memref<1x50xi32, #tpu.memory_space<vmem>> -> memref<50xi32, #tpu.memory_space<vmem>>
        %dma_start3A_942 = arith.constant 0 : i32
        %dma_start3A_943 = arith.constant 0 : i32
        %dma_start3A_944 = tpu.memref_slice %arg3[%dma_start3A_942, %dma_start3A_943] : memref<100000x64xf32, #tpu.memory_space<hbm>> -> memref<100000x64xf32, #tpu.memory_space<hbm>>
        tpu.enqueue_indirect_dma source(%dma_start3A_944 : memref<100000x64xf32, #tpu.memory_space<hbm>>) target(%dma_start3A_938 : memref<50x64xf32, #tpu.memory_space<vmem>>) offsets(%dma_start3A_941 : memref<50xi32, #tpu.memory_space<vmem>>) semaphore(%arg7 : memref<!tpu.dma_semaphore, #tpu.memory_space<semaphore_mem>>)
        %mul3A_945 = arith.constant 8 : i32
        %mul3A_946 = arith.muli %add3A_864, %mul3A_945 : i32
        %add3A_947 = arith.constant 5 : i32
        %add3A_948 = arith.addi %mul3A_946, %add3A_947 : i32
        %dma_start3A_949 = arith.constant 1 : i32
        %dma_start3A_950 = arith.constant 5 : i32
        %dma_start3A_951 = arith.constant 0 : i32
        %dma_start3A_952 = arith.constant 0 : i32
        %dma_start3A_953 = tpu.memref_slice %arg6[%dma_start3A_949, %dma_start3A_950, %dma_start3A_951, %dma_start3A_952] : memref<2x8x50x64xf32, #tpu.memory_space<vmem>> -> memref<1x1x50x64xf32, #tpu.memory_space<vmem>>
        %dma_start3A_954 = tpu.memref_squeeze %dma_start3A_953 : memref<1x1x50x64xf32, #tpu.memory_space<vmem>> -> memref<50x64xf32, #tpu.memory_space<vmem>>
        %dma_start3A_955 = arith.constant 0 : i32
        %dma_start3A_956 = tpu.memref_slice %arg5[%add3A_948, %dma_start3A_955] : memref<128x50xi32, #tpu.memory_space<vmem>> -> memref<1x50xi32, #tpu.memory_space<vmem>>
        %dma_start3A_957 = tpu.memref_squeeze %dma_start3A_956 : memref<1x50xi32, #tpu.memory_space<vmem>> -> memref<50xi32, #tpu.memory_space<vmem>>
        %dma_start3A_958 = arith.constant 0 : i32
        %dma_start3A_959 = arith.constant 0 : i32
        %dma_start3A_960 = tpu.memref_slice %arg3[%dma_start3A_958, %dma_start3A_959] : memref<100000x64xf32, #tpu.memory_space<hbm>> -> memref<100000x64xf32, #tpu.memory_space<hbm>>
        tpu.enqueue_indirect_dma source(%dma_start3A_960 : memref<100000x64xf32, #tpu.memory_space<hbm>>) target(%dma_start3A_954 : memref<50x64xf32, #tpu.memory_space<vmem>>) offsets(%dma_start3A_957 : memref<50xi32, #tpu.memory_space<vmem>>) semaphore(%arg7 : memref<!tpu.dma_semaphore, #tpu.memory_space<semaphore_mem>>)
        %mul3A_961 = arith.constant 8 : i32
        %mul3A_962 = arith.muli %add3A_864, %mul3A_961 : i32
        %add3A_963 = arith.constant 6 : i32
        %add3A_964 = arith.addi %mul3A_962, %add3A_963 : i32
        %dma_start3A_965 = arith.constant 1 : i32
        %dma_start3A_966 = arith.constant 6 : i32
        %dma_start3A_967 = arith.constant 0 : i32
        %dma_start3A_968 = arith.constant 0 : i32
        %dma_start3A_969 = tpu.memref_slice %arg6[%dma_start3A_965, %dma_start3A_966, %dma_start3A_967, %dma_start3A_968] : memref<2x8x50x64xf32, #tpu.memory_space<vmem>> -> memref<1x1x50x64xf32, #tpu.memory_space<vmem>>
        %dma_start3A_970 = tpu.memref_squeeze %dma_start3A_969 : memref<1x1x50x64xf32, #tpu.memory_space<vmem>> -> memref<50x64xf32, #tpu.memory_space<vmem>>
        %dma_start3A_971 = arith.constant 0 : i32
        %dma_start3A_972 = tpu.memref_slice %arg5[%add3A_964, %dma_start3A_971] : memref<128x50xi32, #tpu.memory_space<vmem>> -> memref<1x50xi32, #tpu.memory_space<vmem>>
        %dma_start3A_973 = tpu.memref_squeeze %dma_start3A_972 : memref<1x50xi32, #tpu.memory_space<vmem>> -> memref<50xi32, #tpu.memory_space<vmem>>
        %dma_start3A_974 = arith.constant 0 : i32
        %dma_start3A_975 = arith.constant 0 : i32
        %dma_start3A_976 = tpu.memref_slice %arg3[%dma_start3A_974, %dma_start3A_975] : memref<100000x64xf32, #tpu.memory_space<hbm>> -> memref<100000x64xf32, #tpu.memory_space<hbm>>
        tpu.enqueue_indirect_dma source(%dma_start3A_976 : memref<100000x64xf32, #tpu.memory_space<hbm>>) target(%dma_start3A_970 : memref<50x64xf32, #tpu.memory_space<vmem>>) offsets(%dma_start3A_973 : memref<50xi32, #tpu.memory_space<vmem>>) semaphore(%arg7 : memref<!tpu.dma_semaphore, #tpu.memory_space<semaphore_mem>>)
        %mul3A_977 = arith.constant 8 : i32
        %mul3A_978 = arith.muli %add3A_864, %mul3A_977 : i32
        %add3A_979 = arith.constant 7 : i32
        %add3A_980 = arith.addi %mul3A_978, %add3A_979 : i32
        %dma_start3A_981 = arith.constant 1 : i32
        %dma_start3A_982 = arith.constant 7 : i32
        %dma_start3A_983 = arith.constant 0 : i32
        %dma_start3A_984 = arith.constant 0 : i32
        %dma_start3A_985 = tpu.memref_slice %arg6[%dma_start3A_981, %dma_start3A_982, %dma_start3A_983, %dma_start3A_984] : memref<2x8x50x64xf32, #tpu.memory_space<vmem>> -> memref<1x1x50x64xf32, #tpu.memory_space<vmem>>
        %dma_start3A_986 = tpu.memref_squeeze %dma_start3A_985 : memref<1x1x50x64xf32, #tpu.memory_space<vmem>> -> memref<50x64xf32, #tpu.memory_space<vmem>>
        %dma_start3A_987 = arith.constant 0 : i32
        %dma_start3A_988 = tpu.memref_slice %arg5[%add3A_980, %dma_start3A_987] : memref<128x50xi32, #tpu.memory_space<vmem>> -> memref<1x50xi32, #tpu.memory_space<vmem>>
        %dma_start3A_989 = tpu.memref_squeeze %dma_start3A_988 : memref<1x50xi32, #tpu.memory_space<vmem>> -> memref<50xi32, #tpu.memory_space<vmem>>
        %dma_start3A_990 = arith.constant 0 : i32
        %dma_start3A_991 = arith.constant 0 : i32
        %dma_start3A_992 = tpu.memref_slice %arg3[%dma_start3A_990, %dma_start3A_991] : memref<100000x64xf32, #tpu.memory_space<hbm>> -> memref<100000x64xf32, #tpu.memory_space<hbm>>
        tpu.enqueue_indirect_dma source(%dma_start3A_992 : memref<100000x64xf32, #tpu.memory_space<hbm>>) target(%dma_start3A_986 : memref<50x64xf32, #tpu.memory_space<vmem>>) offsets(%dma_start3A_989 : memref<50xi32, #tpu.memory_space<vmem>>) semaphore(%arg7 : memref<!tpu.dma_semaphore, #tpu.memory_space<semaphore_mem>>)
      } else {
      }
      %dma_wait3A_273 = arith.constant 0 : i32
      %dma_wait3A_274 = arith.constant 0 : i32
      %dma_wait3A_275 = arith.constant 0 : i32
      %dma_wait3A_276 = arith.constant 0 : i32
      %dma_wait3A_277 = arith.constant 0 : i32
      %dma_wait3A_278 = tpu.memref_slice %arg6[%dma_wait3A_274, %dma_wait3A_275, %dma_wait3A_276, %dma_wait3A_277] : memref<2x8x50x64xf32, #tpu.memory_space<vmem>> -> memref<1x1x50x64xf32, #tpu.memory_space<vmem>>
      %dma_wait3A_279 = tpu.memref_squeeze %dma_wait3A_278 : memref<1x1x50x64xf32, #tpu.memory_space<vmem>> -> memref<50x64xf32, #tpu.memory_space<vmem>>
      %dma_wait3A_280 = arith.constant 0 : i32
      %dma_wait3A_281 = tpu.memref_slice %arg5[%dma_wait3A_273, %dma_wait3A_280] : memref<128x50xi32, #tpu.memory_space<vmem>> -> memref<1x50xi32, #tpu.memory_space<vmem>>
      %dma_wait3A_282 = tpu.memref_squeeze %dma_wait3A_281 : memref<1x50xi32, #tpu.memory_space<vmem>> -> memref<50xi32, #tpu.memory_space<vmem>>
      %dma_wait3A_283 = arith.constant 0 : i32
      %dma_wait3A_284 = arith.constant 0 : i32
      %dma_wait3A_285 = tpu.memref_slice %arg3[%dma_wait3A_283, %dma_wait3A_284] : memref<100000x64xf32, #tpu.memory_space<hbm>> -> memref<100000x64xf32, #tpu.memory_space<hbm>>
      tpu.wait_indirect_dma semaphore(%arg7 : memref<!tpu.dma_semaphore, #tpu.memory_space<semaphore_mem>>) src(%dma_wait3A_285 : memref<100000x64xf32, #tpu.memory_space<hbm>>) dst(%dma_wait3A_279 : memref<50x64xf32, #tpu.memory_space<vmem>>)
      %dma_wait3A_286 = arith.constant 0 : i32
      %dma_wait3A_287 = arith.constant 0 : i32
      %dma_wait3A_288 = arith.constant 0 : i32
      %dma_wait3A_289 = arith.constant 0 : i32
      %dma_wait3A_290 = arith.constant 0 : i32
      %dma_wait3A_291 = tpu.memref_slice %arg6[%dma_wait3A_287, %dma_wait3A_288, %dma_wait3A_289, %dma_wait3A_290] : memref<2x8x50x64xf32, #tpu.memory_space<vmem>> -> memref<1x1x50x64xf32, #tpu.memory_space<vmem>>
      %dma_wait3A_292 = tpu.memref_squeeze %dma_wait3A_291 : memref<1x1x50x64xf32, #tpu.memory_space<vmem>> -> memref<50x64xf32, #tpu.memory_space<vmem>>
      %dma_wait3A_293 = arith.constant 0 : i32
      %dma_wait3A_294 = tpu.memref_slice %arg5[%dma_wait3A_286, %dma_wait3A_293] : memref<128x50xi32, #tpu.memory_space<vmem>> -> memref<1x50xi32, #tpu.memory_space<vmem>>
      %dma_wait3A_295 = tpu.memref_squeeze %dma_wait3A_294 : memref<1x50xi32, #tpu.memory_space<vmem>> -> memref<50xi32, #tpu.memory_space<vmem>>
      %dma_wait3A_296 = arith.constant 0 : i32
      %dma_wait3A_297 = arith.constant 0 : i32
      %dma_wait3A_298 = tpu.memref_slice %arg3[%dma_wait3A_296, %dma_wait3A_297] : memref<100000x64xf32, #tpu.memory_space<hbm>> -> memref<100000x64xf32, #tpu.memory_space<hbm>>
      tpu.wait_indirect_dma semaphore(%arg7 : memref<!tpu.dma_semaphore, #tpu.memory_space<semaphore_mem>>) src(%dma_wait3A_298 : memref<100000x64xf32, #tpu.memory_space<hbm>>) dst(%dma_wait3A_292 : memref<50x64xf32, #tpu.memory_space<vmem>>)
      %dma_wait3A_299 = arith.constant 0 : i32
      %dma_wait3A_300 = arith.constant 0 : i32
      %dma_wait3A_301 = arith.constant 0 : i32
      %dma_wait3A_302 = arith.constant 0 : i32
      %dma_wait3A_303 = arith.constant 0 : i32
      %dma_wait3A_304 = tpu.memref_slice %arg6[%dma_wait3A_300, %dma_wait3A_301, %dma_wait3A_302, %dma_wait3A_303] : memref<2x8x50x64xf32, #tpu.memory_space<vmem>> -> memref<1x1x50x64xf32, #tpu.memory_space<vmem>>
      %dma_wait3A_305 = tpu.memref_squeeze %dma_wait3A_304 : memref<1x1x50x64xf32, #tpu.memory_space<vmem>> -> memref<50x64xf32, #tpu.memory_space<vmem>>
      %dma_wait3A_306 = arith.constant 0 : i32
      %dma_wait3A_307 = tpu.memref_slice %arg5[%dma_wait3A_299, %dma_wait3A_306] : memref<128x50xi32, #tpu.memory_space<vmem>> -> memref<1x50xi32, #tpu.memory_space<vmem>>
      %dma_wait3A_308 = tpu.memref_squeeze %dma_wait3A_307 : memref<1x50xi32, #tpu.memory_space<vmem>> -> memref<50xi32, #tpu.memory_space<vmem>>
      %dma_wait3A_309 = arith.constant 0 : i32
      %dma_wait3A_310 = arith.constant 0 : i32
      %dma_wait3A_311 = tpu.memref_slice %arg3[%dma_wait3A_309, %dma_wait3A_310] : memref<100000x64xf32, #tpu.memory_space<hbm>> -> memref<100000x64xf32, #tpu.memory_space<hbm>>
      tpu.wait_indirect_dma semaphore(%arg7 : memref<!tpu.dma_semaphore, #tpu.memory_space<semaphore_mem>>) src(%dma_wait3A_311 : memref<100000x64xf32, #tpu.memory_space<hbm>>) dst(%dma_wait3A_305 : memref<50x64xf32, #tpu.memory_space<vmem>>)
      %dma_wait3A_312 = arith.constant 0 : i32
      %dma_wait3A_313 = arith.constant 0 : i32
      %dma_wait3A_314 = arith.constant 0 : i32
      %dma_wait3A_315 = arith.constant 0 : i32
      %dma_wait3A_316 = arith.constant 0 : i32
      %dma_wait3A_317 = tpu.memref_slice %arg6[%dma_wait3A_313, %dma_wait3A_314, %dma_wait3A_315, %dma_wait3A_316] : memref<2x8x50x64xf32, #tpu.memory_space<vmem>> -> memref<1x1x50x64xf32, #tpu.memory_space<vmem>>
      %dma_wait3A_318 = tpu.memref_squeeze %dma_wait3A_317 : memref<1x1x50x64xf32, #tpu.memory_space<vmem>> -> memref<50x64xf32, #tpu.memory_space<vmem>>
      %dma_wait3A_319 = arith.constant 0 : i32
      %dma_wait3A_320 = tpu.memref_slice %arg5[%dma_wait3A_312, %dma_wait3A_319] : memref<128x50xi32, #tpu.memory_space<vmem>> -> memref<1x50xi32, #tpu.memory_space<vmem>>
      %dma_wait3A_321 = tpu.memref_squeeze %dma_wait3A_320 : memref<1x50xi32, #tpu.memory_space<vmem>> -> memref<50xi32, #tpu.memory_space<vmem>>
      %dma_wait3A_322 = arith.constant 0 : i32
      %dma_wait3A_323 = arith.constant 0 : i32
      %dma_wait3A_324 = tpu.memref_slice %arg3[%dma_wait3A_322, %dma_wait3A_323] : memref<100000x64xf32, #tpu.memory_space<hbm>> -> memref<100000x64xf32, #tpu.memory_space<hbm>>
      tpu.wait_indirect_dma semaphore(%arg7 : memref<!tpu.dma_semaphore, #tpu.memory_space<semaphore_mem>>) src(%dma_wait3A_324 : memref<100000x64xf32, #tpu.memory_space<hbm>>) dst(%dma_wait3A_318 : memref<50x64xf32, #tpu.memory_space<vmem>>)
      %dma_wait3A_325 = arith.constant 0 : i32
      %dma_wait3A_326 = arith.constant 0 : i32
      %dma_wait3A_327 = arith.constant 0 : i32
      %dma_wait3A_328 = arith.constant 0 : i32
      %dma_wait3A_329 = arith.constant 0 : i32
      %dma_wait3A_330 = tpu.memref_slice %arg6[%dma_wait3A_326, %dma_wait3A_327, %dma_wait3A_328, %dma_wait3A_329] : memref<2x8x50x64xf32, #tpu.memory_space<vmem>> -> memref<1x1x50x64xf32, #tpu.memory_space<vmem>>
      %dma_wait3A_331 = tpu.memref_squeeze %dma_wait3A_330 : memref<1x1x50x64xf32, #tpu.memory_space<vmem>> -> memref<50x64xf32, #tpu.memory_space<vmem>>
      %dma_wait3A_332 = arith.constant 0 : i32
      %dma_wait3A_333 = tpu.memref_slice %arg5[%dma_wait3A_325, %dma_wait3A_332] : memref<128x50xi32, #tpu.memory_space<vmem>> -> memref<1x50xi32, #tpu.memory_space<vmem>>
      %dma_wait3A_334 = tpu.memref_squeeze %dma_wait3A_333 : memref<1x50xi32, #tpu.memory_space<vmem>> -> memref<50xi32, #tpu.memory_space<vmem>>
      %dma_wait3A_335 = arith.constant 0 : i32
      %dma_wait3A_336 = arith.constant 0 : i32
      %dma_wait3A_337 = tpu.memref_slice %arg3[%dma_wait3A_335, %dma_wait3A_336] : memref<100000x64xf32, #tpu.memory_space<hbm>> -> memref<100000x64xf32, #tpu.memory_space<hbm>>
      tpu.wait_indirect_dma semaphore(%arg7 : memref<!tpu.dma_semaphore, #tpu.memory_space<semaphore_mem>>) src(%dma_wait3A_337 : memref<100000x64xf32, #tpu.memory_space<hbm>>) dst(%dma_wait3A_331 : memref<50x64xf32, #tpu.memory_space<vmem>>)
      %dma_wait3A_338 = arith.constant 0 : i32
      %dma_wait3A_339 = arith.constant 0 : i32
      %dma_wait3A_340 = arith.constant 0 : i32
      %dma_wait3A_341 = arith.constant 0 : i32
      %dma_wait3A_342 = arith.constant 0 : i32
      %dma_wait3A_343 = tpu.memref_slice %arg6[%dma_wait3A_339, %dma_wait3A_340, %dma_wait3A_341, %dma_wait3A_342] : memref<2x8x50x64xf32, #tpu.memory_space<vmem>> -> memref<1x1x50x64xf32, #tpu.memory_space<vmem>>
      %dma_wait3A_344 = tpu.memref_squeeze %dma_wait3A_343 : memref<1x1x50x64xf32, #tpu.memory_space<vmem>> -> memref<50x64xf32, #tpu.memory_space<vmem>>
      %dma_wait3A_345 = arith.constant 0 : i32
      %dma_wait3A_346 = tpu.memref_slice %arg5[%dma_wait3A_338, %dma_wait3A_345] : memref<128x50xi32, #tpu.memory_space<vmem>> -> memref<1x50xi32, #tpu.memory_space<vmem>>
      %dma_wait3A_347 = tpu.memref_squeeze %dma_wait3A_346 : memref<1x50xi32, #tpu.memory_space<vmem>> -> memref<50xi32, #tpu.memory_space<vmem>>
      %dma_wait3A_348 = arith.constant 0 : i32
      %dma_wait3A_349 = arith.constant 0 : i32
      %dma_wait3A_350 = tpu.memref_slice %arg3[%dma_wait3A_348, %dma_wait3A_349] : memref<100000x64xf32, #tpu.memory_space<hbm>> -> memref<100000x64xf32, #tpu.memory_space<hbm>>
      tpu.wait_indirect_dma semaphore(%arg7 : memref<!tpu.dma_semaphore, #tpu.memory_space<semaphore_mem>>) src(%dma_wait3A_350 : memref<100000x64xf32, #tpu.memory_space<hbm>>) dst(%dma_wait3A_344 : memref<50x64xf32, #tpu.memory_space<vmem>>)
      %dma_wait3A_351 = arith.constant 0 : i32
      %dma_wait3A_352 = arith.constant 0 : i32
      %dma_wait3A_353 = arith.constant 0 : i32
      %dma_wait3A_354 = arith.constant 0 : i32
      %dma_wait3A_355 = arith.constant 0 : i32
      %dma_wait3A_356 = tpu.memref_slice %arg6[%dma_wait3A_352, %dma_wait3A_353, %dma_wait3A_354, %dma_wait3A_355] : memref<2x8x50x64xf32, #tpu.memory_space<vmem>> -> memref<1x1x50x64xf32, #tpu.memory_space<vmem>>
      %dma_wait3A_357 = tpu.memref_squeeze %dma_wait3A_356 : memref<1x1x50x64xf32, #tpu.memory_space<vmem>> -> memref<50x64xf32, #tpu.memory_space<vmem>>
      %dma_wait3A_358 = arith.constant 0 : i32
      %dma_wait3A_359 = tpu.memref_slice %arg5[%dma_wait3A_351, %dma_wait3A_358] : memref<128x50xi32, #tpu.memory_space<vmem>> -> memref<1x50xi32, #tpu.memory_space<vmem>>
      %dma_wait3A_360 = tpu.memref_squeeze %dma_wait3A_359 : memref<1x50xi32, #tpu.memory_space<vmem>> -> memref<50xi32, #tpu.memory_space<vmem>>
      %dma_wait3A_361 = arith.constant 0 : i32
      %dma_wait3A_362 = arith.constant 0 : i32
      %dma_wait3A_363 = tpu.memref_slice %arg3[%dma_wait3A_361, %dma_wait3A_362] : memref<100000x64xf32, #tpu.memory_space<hbm>> -> memref<100000x64xf32, #tpu.memory_space<hbm>>
      tpu.wait_indirect_dma semaphore(%arg7 : memref<!tpu.dma_semaphore, #tpu.memory_space<semaphore_mem>>) src(%dma_wait3A_363 : memref<100000x64xf32, #tpu.memory_space<hbm>>) dst(%dma_wait3A_357 : memref<50x64xf32, #tpu.memory_space<vmem>>)
      %dma_wait3A_364 = arith.constant 0 : i32
      %dma_wait3A_365 = arith.constant 0 : i32
      %dma_wait3A_366 = arith.constant 0 : i32
      %dma_wait3A_367 = arith.constant 0 : i32
      %dma_wait3A_368 = arith.constant 0 : i32
      %dma_wait3A_369 = tpu.memref_slice %arg6[%dma_wait3A_365, %dma_wait3A_366, %dma_wait3A_367, %dma_wait3A_368] : memref<2x8x50x64xf32, #tpu.memory_space<vmem>> -> memref<1x1x50x64xf32, #tpu.memory_space<vmem>>
      %dma_wait3A_370 = tpu.memref_squeeze %dma_wait3A_369 : memref<1x1x50x64xf32, #tpu.memory_space<vmem>> -> memref<50x64xf32, #tpu.memory_space<vmem>>
      %dma_wait3A_371 = arith.constant 0 : i32
      %dma_wait3A_372 = tpu.memref_slice %arg5[%dma_wait3A_364, %dma_wait3A_371] : memref<128x50xi32, #tpu.memory_space<vmem>> -> memref<1x50xi32, #tpu.memory_space<vmem>>
      %dma_wait3A_373 = tpu.memref_squeeze %dma_wait3A_372 : memref<1x50xi32, #tpu.memory_space<vmem>> -> memref<50xi32, #tpu.memory_space<vmem>>
      %dma_wait3A_374 = arith.constant 0 : i32
      %dma_wait3A_375 = arith.constant 0 : i32
      %dma_wait3A_376 = tpu.memref_slice %arg3[%dma_wait3A_374, %dma_wait3A_375] : memref<100000x64xf32, #tpu.memory_space<hbm>> -> memref<100000x64xf32, #tpu.memory_space<hbm>>
      tpu.wait_indirect_dma semaphore(%arg7 : memref<!tpu.dma_semaphore, #tpu.memory_space<semaphore_mem>>) src(%dma_wait3A_376 : memref<100000x64xf32, #tpu.memory_space<hbm>>) dst(%dma_wait3A_370 : memref<50x64xf32, #tpu.memory_space<vmem>>)
      %mul3A_377 = arith.constant 8 : i32
      %mul3A_378 = arith.muli %add3A_266, %mul3A_377 : i32
      %add3A_379 = arith.addi %mul3A_2, %mul3A_378 : i32
      %add3A_380 = arith.constant 0 : i32
      %add3A_381 = arith.addi %add3A_379, %add3A_380 : i32
      %dma_start3A_382 = arith.constant 0 : i32
      %dma_start3A_383 = arith.constant 0 : i32
      %dma_start3A_384 = arith.constant 0 : i32
      %dma_start3A_385 = arith.constant 0 : i32
      %dma_start3A_386 = tpu.memref_slice %arg6[%dma_start3A_382, %dma_start3A_383, %dma_start3A_384, %dma_start3A_385] : memref<2x8x50x64xf32, #tpu.memory_space<vmem>> -> memref<1x1x50x64xf32, #tpu.memory_space<vmem>>
      %dma_start3A_387 = tpu.memref_squeeze %dma_start3A_386 : memref<1x1x50x64xf32, #tpu.memory_space<vmem>> -> memref<50x64xf32, #tpu.memory_space<vmem>>
      %dma_start3A_388 = arith.constant 0 : i32
      %dma_start3A_389 = arith.constant 0 : i32
      %dma_start3A_390 = tpu.memref_slice %arg4[%add3A_381, %dma_start3A_388, %dma_start3A_389] : memref<4096x56x128xf32, #tpu.memory_space<hbm>> -> memref<1x50x64xf32, #tpu.memory_space<hbm>>
      %dma_start3A_391 = tpu.memref_squeeze %dma_start3A_390 : memref<1x50x64xf32, #tpu.memory_space<hbm>> -> memref<50x64xf32, #tpu.memory_space<hbm>>
      %dma_start3A_392 = arith.constant 0 : i32
      %dma_start3A_393 = arith.constant 0 : i32
      %dma_start3A_394 = tpu.memref_slice %arg4[%add3A_381, %dma_start3A_392, %dma_start3A_393] : memref<4096x56x128xf32, #tpu.memory_space<hbm>> -> memref<1x50x64xf32, #tpu.memory_space<hbm>>
      %dma_start3A_395 = tpu.memref_squeeze %dma_start3A_394 : memref<1x50x64xf32, #tpu.memory_space<hbm>> -> memref<50x64xf32, #tpu.memory_space<hbm>>
      %dma_start3A_396 = arith.constant 0 : i32
      %dma_start3A_397 = arith.constant 0 : i32
      %dma_start3A_398 = tpu.memref_slice %arg6[%dma_start3A_382, %dma_start3A_383, %dma_start3A_396, %dma_start3A_397] : memref<2x8x50x64xf32, #tpu.memory_space<vmem>> -> memref<1x1x50x64xf32, #tpu.memory_space<vmem>>
      %dma_start3A_399 = tpu.memref_squeeze %dma_start3A_398 : memref<1x1x50x64xf32, #tpu.memory_space<vmem>> -> memref<50x64xf32, #tpu.memory_space<vmem>>
      tpu.enqueue_dma source(%dma_start3A_399 : memref<50x64xf32, #tpu.memory_space<vmem>>) target(%dma_start3A_395 : memref<50x64xf32, #tpu.memory_space<hbm>>) target_semaphore(%arg8 : memref<!tpu.dma_semaphore, #tpu.memory_space<semaphore_mem>>)
      %mul3A_400 = arith.constant 8 : i32
      %mul3A_401 = arith.muli %add3A_266, %mul3A_400 : i32
      %add3A_402 = arith.addi %mul3A_2, %mul3A_401 : i32
      %add3A_403 = arith.constant 1 : i32
      %add3A_404 = arith.addi %add3A_402, %add3A_403 : i32
      %dma_start3A_405 = arith.constant 0 : i32
      %dma_start3A_406 = arith.constant 1 : i32
      %dma_start3A_407 = arith.constant 0 : i32
      %dma_start3A_408 = arith.constant 0 : i32
      %dma_start3A_409 = tpu.memref_slice %arg6[%dma_start3A_405, %dma_start3A_406, %dma_start3A_407, %dma_start3A_408] : memref<2x8x50x64xf32, #tpu.memory_space<vmem>> -> memref<1x1x50x64xf32, #tpu.memory_space<vmem>>
      %dma_start3A_410 = tpu.memref_squeeze %dma_start3A_409 : memref<1x1x50x64xf32, #tpu.memory_space<vmem>> -> memref<50x64xf32, #tpu.memory_space<vmem>>
      %dma_start3A_411 = arith.constant 0 : i32
      %dma_start3A_412 = arith.constant 0 : i32
      %dma_start3A_413 = tpu.memref_slice %arg4[%add3A_404, %dma_start3A_411, %dma_start3A_412] : memref<4096x56x128xf32, #tpu.memory_space<hbm>> -> memref<1x50x64xf32, #tpu.memory_space<hbm>>
      %dma_start3A_414 = tpu.memref_squeeze %dma_start3A_413 : memref<1x50x64xf32, #tpu.memory_space<hbm>> -> memref<50x64xf32, #tpu.memory_space<hbm>>
      %dma_start3A_415 = arith.constant 0 : i32
      %dma_start3A_416 = arith.constant 0 : i32
      %dma_start3A_417 = tpu.memref_slice %arg4[%add3A_404, %dma_start3A_415, %dma_start3A_416] : memref<4096x56x128xf32, #tpu.memory_space<hbm>> -> memref<1x50x64xf32, #tpu.memory_space<hbm>>
      %dma_start3A_418 = tpu.memref_squeeze %dma_start3A_417 : memref<1x50x64xf32, #tpu.memory_space<hbm>> -> memref<50x64xf32, #tpu.memory_space<hbm>>
      %dma_start3A_419 = arith.constant 0 : i32
      %dma_start3A_420 = arith.constant 0 : i32
      %dma_start3A_421 = tpu.memref_slice %arg6[%dma_start3A_405, %dma_start3A_406, %dma_start3A_419, %dma_start3A_420] : memref<2x8x50x64xf32, #tpu.memory_space<vmem>> -> memref<1x1x50x64xf32, #tpu.memory_space<vmem>>
      %dma_start3A_422 = tpu.memref_squeeze %dma_start3A_421 : memref<1x1x50x64xf32, #tpu.memory_space<vmem>> -> memref<50x64xf32, #tpu.memory_space<vmem>>
      tpu.enqueue_dma source(%dma_start3A_422 : memref<50x64xf32, #tpu.memory_space<vmem>>) target(%dma_start3A_418 : memref<50x64xf32, #tpu.memory_space<hbm>>) target_semaphore(%arg8 : memref<!tpu.dma_semaphore, #tpu.memory_space<semaphore_mem>>)
      %mul3A_423 = arith.constant 8 : i32
      %mul3A_424 = arith.muli %add3A_266, %mul3A_423 : i32
      %add3A_425 = arith.addi %mul3A_2, %mul3A_424 : i32
      %add3A_426 = arith.constant 2 : i32
      %add3A_427 = arith.addi %add3A_425, %add3A_426 : i32
      %dma_start3A_428 = arith.constant 0 : i32
      %dma_start3A_429 = arith.constant 2 : i32
      %dma_start3A_430 = arith.constant 0 : i32
      %dma_start3A_431 = arith.constant 0 : i32
      %dma_start3A_432 = tpu.memref_slice %arg6[%dma_start3A_428, %dma_start3A_429, %dma_start3A_430, %dma_start3A_431] : memref<2x8x50x64xf32, #tpu.memory_space<vmem>> -> memref<1x1x50x64xf32, #tpu.memory_space<vmem>>
      %dma_start3A_433 = tpu.memref_squeeze %dma_start3A_432 : memref<1x1x50x64xf32, #tpu.memory_space<vmem>> -> memref<50x64xf32, #tpu.memory_space<vmem>>
      %dma_start3A_434 = arith.constant 0 : i32
      %dma_start3A_435 = arith.constant 0 : i32
      %dma_start3A_436 = tpu.memref_slice %arg4[%add3A_427, %dma_start3A_434, %dma_start3A_435] : memref<4096x56x128xf32, #tpu.memory_space<hbm>> -> memref<1x50x64xf32, #tpu.memory_space<hbm>>
      %dma_start3A_437 = tpu.memref_squeeze %dma_start3A_436 : memref<1x50x64xf32, #tpu.memory_space<hbm>> -> memref<50x64xf32, #tpu.memory_space<hbm>>
      %dma_start3A_438 = arith.constant 0 : i32
      %dma_start3A_439 = arith.constant 0 : i32
      %dma_start3A_440 = tpu.memref_slice %arg4[%add3A_427, %dma_start3A_438, %dma_start3A_439] : memref<4096x56x128xf32, #tpu.memory_space<hbm>> -> memref<1x50x64xf32, #tpu.memory_space<hbm>>
      %dma_start3A_441 = tpu.memref_squeeze %dma_start3A_440 : memref<1x50x64xf32, #tpu.memory_space<hbm>> -> memref<50x64xf32, #tpu.memory_space<hbm>>
      %dma_start3A_442 = arith.constant 0 : i32
      %dma_start3A_443 = arith.constant 0 : i32
      %dma_start3A_444 = tpu.memref_slice %arg6[%dma_start3A_428, %dma_start3A_429, %dma_start3A_442, %dma_start3A_443] : memref<2x8x50x64xf32, #tpu.memory_space<vmem>> -> memref<1x1x50x64xf32, #tpu.memory_space<vmem>>
      %dma_start3A_445 = tpu.memref_squeeze %dma_start3A_444 : memref<1x1x50x64xf32, #tpu.memory_space<vmem>> -> memref<50x64xf32, #tpu.memory_space<vmem>>
      tpu.enqueue_dma source(%dma_start3A_445 : memref<50x64xf32, #tpu.memory_space<vmem>>) target(%dma_start3A_441 : memref<50x64xf32, #tpu.memory_space<hbm>>) target_semaphore(%arg8 : memref<!tpu.dma_semaphore, #tpu.memory_space<semaphore_mem>>)
      %mul3A_446 = arith.constant 8 : i32
      %mul3A_447 = arith.muli %add3A_266, %mul3A_446 : i32
      %add3A_448 = arith.addi %mul3A_2, %mul3A_447 : i32
      %add3A_449 = arith.constant 3 : i32
      %add3A_450 = arith.addi %add3A_448, %add3A_449 : i32
      %dma_start3A_451 = arith.constant 0 : i32
      %dma_start3A_452 = arith.constant 3 : i32
      %dma_start3A_453 = arith.constant 0 : i32
      %dma_start3A_454 = arith.constant 0 : i32
      %dma_start3A_455 = tpu.memref_slice %arg6[%dma_start3A_451, %dma_start3A_452, %dma_start3A_453, %dma_start3A_454] : memref<2x8x50x64xf32, #tpu.memory_space<vmem>> -> memref<1x1x50x64xf32, #tpu.memory_space<vmem>>
      %dma_start3A_456 = tpu.memref_squeeze %dma_start3A_455 : memref<1x1x50x64xf32, #tpu.memory_space<vmem>> -> memref<50x64xf32, #tpu.memory_space<vmem>>
      %dma_start3A_457 = arith.constant 0 : i32
      %dma_start3A_458 = arith.constant 0 : i32
      %dma_start3A_459 = tpu.memref_slice %arg4[%add3A_450, %dma_start3A_457, %dma_start3A_458] : memref<4096x56x128xf32, #tpu.memory_space<hbm>> -> memref<1x50x64xf32, #tpu.memory_space<hbm>>
      %dma_start3A_460 = tpu.memref_squeeze %dma_start3A_459 : memref<1x50x64xf32, #tpu.memory_space<hbm>> -> memref<50x64xf32, #tpu.memory_space<hbm>>
      %dma_start3A_461 = arith.constant 0 : i32
      %dma_start3A_462 = arith.constant 0 : i32
      %dma_start3A_463 = tpu.memref_slice %arg4[%add3A_450, %dma_start3A_461, %dma_start3A_462] : memref<4096x56x128xf32, #tpu.memory_space<hbm>> -> memref<1x50x64xf32, #tpu.memory_space<hbm>>
      %dma_start3A_464 = tpu.memref_squeeze %dma_start3A_463 : memref<1x50x64xf32, #tpu.memory_space<hbm>> -> memref<50x64xf32, #tpu.memory_space<hbm>>
      %dma_start3A_465 = arith.constant 0 : i32
      %dma_start3A_466 = arith.constant 0 : i32
      %dma_start3A_467 = tpu.memref_slice %arg6[%dma_start3A_451, %dma_start3A_452, %dma_start3A_465, %dma_start3A_466] : memref<2x8x50x64xf32, #tpu.memory_space<vmem>> -> memref<1x1x50x64xf32, #tpu.memory_space<vmem>>
      %dma_start3A_468 = tpu.memref_squeeze %dma_start3A_467 : memref<1x1x50x64xf32, #tpu.memory_space<vmem>> -> memref<50x64xf32, #tpu.memory_space<vmem>>
      tpu.enqueue_dma source(%dma_start3A_468 : memref<50x64xf32, #tpu.memory_space<vmem>>) target(%dma_start3A_464 : memref<50x64xf32, #tpu.memory_space<hbm>>) target_semaphore(%arg8 : memref<!tpu.dma_semaphore, #tpu.memory_space<semaphore_mem>>)
      %mul3A_469 = arith.constant 8 : i32
      %mul3A_470 = arith.muli %add3A_266, %mul3A_469 : i32
      %add3A_471 = arith.addi %mul3A_2, %mul3A_470 : i32
      %add3A_472 = arith.constant 4 : i32
      %add3A_473 = arith.addi %add3A_471, %add3A_472 : i32
      %dma_start3A_474 = arith.constant 0 : i32
      %dma_start3A_475 = arith.constant 4 : i32
      %dma_start3A_476 = arith.constant 0 : i32
      %dma_start3A_477 = arith.constant 0 : i32
      %dma_start3A_478 = tpu.memref_slice %arg6[%dma_start3A_474, %dma_start3A_475, %dma_start3A_476, %dma_start3A_477] : memref<2x8x50x64xf32, #tpu.memory_space<vmem>> -> memref<1x1x50x64xf32, #tpu.memory_space<vmem>>
      %dma_start3A_479 = tpu.memref_squeeze %dma_start3A_478 : memref<1x1x50x64xf32, #tpu.memory_space<vmem>> -> memref<50x64xf32, #tpu.memory_space<vmem>>
      %dma_start3A_480 = arith.constant 0 : i32
      %dma_start3A_481 = arith.constant 0 : i32
      %dma_start3A_482 = tpu.memref_slice %arg4[%add3A_473, %dma_start3A_480, %dma_start3A_481] : memref<4096x56x128xf32, #tpu.memory_space<hbm>> -> memref<1x50x64xf32, #tpu.memory_space<hbm>>
      %dma_start3A_483 = tpu.memref_squeeze %dma_start3A_482 : memref<1x50x64xf32, #tpu.memory_space<hbm>> -> memref<50x64xf32, #tpu.memory_space<hbm>>
      %dma_start3A_484 = arith.constant 0 : i32
      %dma_start3A_485 = arith.constant 0 : i32
      %dma_start3A_486 = tpu.memref_slice %arg4[%add3A_473, %dma_start3A_484, %dma_start3A_485] : memref<4096x56x128xf32, #tpu.memory_space<hbm>> -> memref<1x50x64xf32, #tpu.memory_space<hbm>>
      %dma_start3A_487 = tpu.memref_squeeze %dma_start3A_486 : memref<1x50x64xf32, #tpu.memory_space<hbm>> -> memref<50x64xf32, #tpu.memory_space<hbm>>
      %dma_start3A_488 = arith.constant 0 : i32
      %dma_start3A_489 = arith.constant 0 : i32
      %dma_start3A_490 = tpu.memref_slice %arg6[%dma_start3A_474, %dma_start3A_475, %dma_start3A_488, %dma_start3A_489] : memref<2x8x50x64xf32, #tpu.memory_space<vmem>> -> memref<1x1x50x64xf32, #tpu.memory_space<vmem>>
      %dma_start3A_491 = tpu.memref_squeeze %dma_start3A_490 : memref<1x1x50x64xf32, #tpu.memory_space<vmem>> -> memref<50x64xf32, #tpu.memory_space<vmem>>
      tpu.enqueue_dma source(%dma_start3A_491 : memref<50x64xf32, #tpu.memory_space<vmem>>) target(%dma_start3A_487 : memref<50x64xf32, #tpu.memory_space<hbm>>) target_semaphore(%arg8 : memref<!tpu.dma_semaphore, #tpu.memory_space<semaphore_mem>>)
      %mul3A_492 = arith.constant 8 : i32
      %mul3A_493 = arith.muli %add3A_266, %mul3A_492 : i32
      %add3A_494 = arith.addi %mul3A_2, %mul3A_493 : i32
      %add3A_495 = arith.constant 5 : i32
      %add3A_496 = arith.addi %add3A_494, %add3A_495 : i32
      %dma_start3A_497 = arith.constant 0 : i32
      %dma_start3A_498 = arith.constant 5 : i32
      %dma_start3A_499 = arith.constant 0 : i32
      %dma_start3A_500 = arith.constant 0 : i32
      %dma_start3A_501 = tpu.memref_slice %arg6[%dma_start3A_497, %dma_start3A_498, %dma_start3A_499, %dma_start3A_500] : memref<2x8x50x64xf32, #tpu.memory_space<vmem>> -> memref<1x1x50x64xf32, #tpu.memory_space<vmem>>
      %dma_start3A_502 = tpu.memref_squeeze %dma_start3A_501 : memref<1x1x50x64xf32, #tpu.memory_space<vmem>> -> memref<50x64xf32, #tpu.memory_space<vmem>>
      %dma_start3A_503 = arith.constant 0 : i32
      %dma_start3A_504 = arith.constant 0 : i32
      %dma_start3A_505 = tpu.memref_slice %arg4[%add3A_496, %dma_start3A_503, %dma_start3A_504] : memref<4096x56x128xf32, #tpu.memory_space<hbm>> -> memref<1x50x64xf32, #tpu.memory_space<hbm>>
      %dma_start3A_506 = tpu.memref_squeeze %dma_start3A_505 : memref<1x50x64xf32, #tpu.memory_space<hbm>> -> memref<50x64xf32, #tpu.memory_space<hbm>>
      %dma_start3A_507 = arith.constant 0 : i32
      %dma_start3A_508 = arith.constant 0 : i32
      %dma_start3A_509 = tpu.memref_slice %arg4[%add3A_496, %dma_start3A_507, %dma_start3A_508] : memref<4096x56x128xf32, #tpu.memory_space<hbm>> -> memref<1x50x64xf32, #tpu.memory_space<hbm>>
      %dma_start3A_510 = tpu.memref_squeeze %dma_start3A_509 : memref<1x50x64xf32, #tpu.memory_space<hbm>> -> memref<50x64xf32, #tpu.memory_space<hbm>>
      %dma_start3A_511 = arith.constant 0 : i32
      %dma_start3A_512 = arith.constant 0 : i32
      %dma_start3A_513 = tpu.memref_slice %arg6[%dma_start3A_497, %dma_start3A_498, %dma_start3A_511, %dma_start3A_512] : memref<2x8x50x64xf32, #tpu.memory_space<vmem>> -> memref<1x1x50x64xf32, #tpu.memory_space<vmem>>
      %dma_start3A_514 = tpu.memref_squeeze %dma_start3A_513 : memref<1x1x50x64xf32, #tpu.memory_space<vmem>> -> memref<50x64xf32, #tpu.memory_space<vmem>>
      tpu.enqueue_dma source(%dma_start3A_514 : memref<50x64xf32, #tpu.memory_space<vmem>>) target(%dma_start3A_510 : memref<50x64xf32, #tpu.memory_space<hbm>>) target_semaphore(%arg8 : memref<!tpu.dma_semaphore, #tpu.memory_space<semaphore_mem>>)
      %mul3A_515 = arith.constant 8 : i32
      %mul3A_516 = arith.muli %add3A_266, %mul3A_515 : i32
      %add3A_517 = arith.addi %mul3A_2, %mul3A_516 : i32
      %add3A_518 = arith.constant 6 : i32
      %add3A_519 = arith.addi %add3A_517, %add3A_518 : i32
      %dma_start3A_520 = arith.constant 0 : i32
      %dma_start3A_521 = arith.constant 6 : i32
      %dma_start3A_522 = arith.constant 0 : i32
      %dma_start3A_523 = arith.constant 0 : i32
      %dma_start3A_524 = tpu.memref_slice %arg6[%dma_start3A_520, %dma_start3A_521, %dma_start3A_522, %dma_start3A_523] : memref<2x8x50x64xf32, #tpu.memory_space<vmem>> -> memref<1x1x50x64xf32, #tpu.memory_space<vmem>>
      %dma_start3A_525 = tpu.memref_squeeze %dma_start3A_524 : memref<1x1x50x64xf32, #tpu.memory_space<vmem>> -> memref<50x64xf32, #tpu.memory_space<vmem>>
      %dma_start3A_526 = arith.constant 0 : i32
      %dma_start3A_527 = arith.constant 0 : i32
      %dma_start3A_528 = tpu.memref_slice %arg4[%add3A_519, %dma_start3A_526, %dma_start3A_527] : memref<4096x56x128xf32, #tpu.memory_space<hbm>> -> memref<1x50x64xf32, #tpu.memory_space<hbm>>
      %dma_start3A_529 = tpu.memref_squeeze %dma_start3A_528 : memref<1x50x64xf32, #tpu.memory_space<hbm>> -> memref<50x64xf32, #tpu.memory_space<hbm>>
      %dma_start3A_530 = arith.constant 0 : i32
      %dma_start3A_531 = arith.constant 0 : i32
      %dma_start3A_532 = tpu.memref_slice %arg4[%add3A_519, %dma_start3A_530, %dma_start3A_531] : memref<4096x56x128xf32, #tpu.memory_space<hbm>> -> memref<1x50x64xf32, #tpu.memory_space<hbm>>
      %dma_start3A_533 = tpu.memref_squeeze %dma_start3A_532 : memref<1x50x64xf32, #tpu.memory_space<hbm>> -> memref<50x64xf32, #tpu.memory_space<hbm>>
      %dma_start3A_534 = arith.constant 0 : i32
      %dma_start3A_535 = arith.constant 0 : i32
      %dma_start3A_536 = tpu.memref_slice %arg6[%dma_start3A_520, %dma_start3A_521, %dma_start3A_534, %dma_start3A_535] : memref<2x8x50x64xf32, #tpu.memory_space<vmem>> -> memref<1x1x50x64xf32, #tpu.memory_space<vmem>>
      %dma_start3A_537 = tpu.memref_squeeze %dma_start3A_536 : memref<1x1x50x64xf32, #tpu.memory_space<vmem>> -> memref<50x64xf32, #tpu.memory_space<vmem>>
      tpu.enqueue_dma source(%dma_start3A_537 : memref<50x64xf32, #tpu.memory_space<vmem>>) target(%dma_start3A_533 : memref<50x64xf32, #tpu.memory_space<hbm>>) target_semaphore(%arg8 : memref<!tpu.dma_semaphore, #tpu.memory_space<semaphore_mem>>)
      %mul3A_538 = arith.constant 8 : i32
      %mul3A_539 = arith.muli %add3A_266, %mul3A_538 : i32
      %add3A_540 = arith.addi %mul3A_2, %mul3A_539 : i32
      %add3A_541 = arith.constant 7 : i32
      %add3A_542 = arith.addi %add3A_540, %add3A_541 : i32
      %dma_start3A_543 = arith.constant 0 : i32
      %dma_start3A_544 = arith.constant 7 : i32
      %dma_start3A_545 = arith.constant 0 : i32
      %dma_start3A_546 = arith.constant 0 : i32
      %dma_start3A_547 = tpu.memref_slice %arg6[%dma_start3A_543, %dma_start3A_544, %dma_start3A_545, %dma_start3A_546] : memref<2x8x50x64xf32, #tpu.memory_space<vmem>> -> memref<1x1x50x64xf32, #tpu.memory_space<vmem>>
      %dma_start3A_548 = tpu.memref_squeeze %dma_start3A_547 : memref<1x1x50x64xf32, #tpu.memory_space<vmem>> -> memref<50x64xf32, #tpu.memory_space<vmem>>
      %dma_start3A_549 = arith.constant 0 : i32
      %dma_start3A_550 = arith.constant 0 : i32
      %dma_start3A_551 = tpu.memref_slice %arg4[%add3A_542, %dma_start3A_549, %dma_start3A_550] : memref<4096x56x128xf32, #tpu.memory_space<hbm>> -> memref<1x50x64xf32, #tpu.memory_space<hbm>>
      %dma_start3A_552 = tpu.memref_squeeze %dma_start3A_551 : memref<1x50x64xf32, #tpu.memory_space<hbm>> -> memref<50x64xf32, #tpu.memory_space<hbm>>
      %dma_start3A_553 = arith.constant 0 : i32
      %dma_start3A_554 = arith.constant 0 : i32
      %dma_start3A_555 = tpu.memref_slice %arg4[%add3A_542, %dma_start3A_553, %dma_start3A_554] : memref<4096x56x128xf32, #tpu.memory_space<hbm>> -> memref<1x50x64xf32, #tpu.memory_space<hbm>>
      %dma_start3A_556 = tpu.memref_squeeze %dma_start3A_555 : memref<1x50x64xf32, #tpu.memory_space<hbm>> -> memref<50x64xf32, #tpu.memory_space<hbm>>
      %dma_start3A_557 = arith.constant 0 : i32
      %dma_start3A_558 = arith.constant 0 : i32
      %dma_start3A_559 = tpu.memref_slice %arg6[%dma_start3A_543, %dma_start3A_544, %dma_start3A_557, %dma_start3A_558] : memref<2x8x50x64xf32, #tpu.memory_space<vmem>> -> memref<1x1x50x64xf32, #tpu.memory_space<vmem>>
      %dma_start3A_560 = tpu.memref_squeeze %dma_start3A_559 : memref<1x1x50x64xf32, #tpu.memory_space<vmem>> -> memref<50x64xf32, #tpu.memory_space<vmem>>
      tpu.enqueue_dma source(%dma_start3A_560 : memref<50x64xf32, #tpu.memory_space<vmem>>) target(%dma_start3A_556 : memref<50x64xf32, #tpu.memory_space<hbm>>) target_semaphore(%arg8 : memref<!tpu.dma_semaphore, #tpu.memory_space<semaphore_mem>>)
      %mul3A_561 = arith.constant 2 : i32
      %mul3A_562 = arith.muli %mul3A_561, %scan3A_262 : i32
      %add3A_563 = arith.constant 1 : i32
      %add3A_564 = arith.addi %mul3A_562, %add3A_563 : i32
      %gt3A_565 = arith.constant 0 : i32
      %gt3A_566 = arith.cmpi sgt, %add3A_564, %gt3A_565 : i32
      %convert_element_type3A_567 = arith.extui %gt3A_566 : i1 to i32
      %cond3A_568 = arith.constant 0 : i32
      %cond3A_569 = arith.cmpi ne, %convert_element_type3A_567, %cond3A_568 : i32
      scf.if %cond3A_569 {
        %dma_wait3A_863 = arith.constant 0 : i32
        %dma_wait3A_864 = arith.constant 0 : i32
        %dma_wait3A_865 = arith.constant 0 : i32
        %dma_wait3A_866 = arith.constant 0 : i32
        %dma_wait3A_867 = arith.constant 0 : i32
        %dma_wait3A_868 = tpu.memref_slice %arg6[%dma_wait3A_863, %dma_wait3A_864, %dma_wait3A_866, %dma_wait3A_867] : memref<2x8x50x64xf32, #tpu.memory_space<vmem>> -> memref<1x1x50x64xf32, #tpu.memory_space<vmem>>
        %dma_wait3A_869 = tpu.memref_squeeze %dma_wait3A_868 : memref<1x1x50x64xf32, #tpu.memory_space<vmem>> -> memref<50x64xf32, #tpu.memory_space<vmem>>
        %dma_wait3A_870 = arith.constant 0 : i32
        %dma_wait3A_871 = arith.constant 0 : i32
        %dma_wait3A_872 = tpu.memref_slice %arg4[%dma_wait3A_865, %dma_wait3A_870, %dma_wait3A_871] : memref<4096x56x128xf32, #tpu.memory_space<hbm>> -> memref<1x50x64xf32, #tpu.memory_space<hbm>>
        %dma_wait3A_873 = tpu.memref_squeeze %dma_wait3A_872 : memref<1x50x64xf32, #tpu.memory_space<hbm>> -> memref<50x64xf32, #tpu.memory_space<hbm>>
        %dma_wait3A_874 = arith.constant 0 : i32
        %dma_wait3A_875 = arith.constant 0 : i32
        %dma_wait3A_876 = tpu.memref_slice %arg4[%dma_wait3A_865, %dma_wait3A_874, %dma_wait3A_875] : memref<4096x56x128xf32, #tpu.memory_space<hbm>> -> memref<1x50x64xf32, #tpu.memory_space<hbm>>
        %dma_wait3A_877 = tpu.memref_squeeze %dma_wait3A_876 : memref<1x50x64xf32, #tpu.memory_space<hbm>> -> memref<50x64xf32, #tpu.memory_space<hbm>>
        %dma_wait3A_878 = arith.constant 0 : i32
        %dma_wait3A_879 = arith.constant 0 : i32
        %dma_wait3A_880 = tpu.memref_slice %arg6[%dma_wait3A_863, %dma_wait3A_864, %dma_wait3A_878, %dma_wait3A_879] : memref<2x8x50x64xf32, #tpu.memory_space<vmem>> -> memref<1x1x50x64xf32, #tpu.memory_space<vmem>>
        %dma_wait3A_881 = tpu.memref_squeeze %dma_wait3A_880 : memref<1x1x50x64xf32, #tpu.memory_space<vmem>> -> memref<50x64xf32, #tpu.memory_space<vmem>>
        tpu.wait_dma2 semaphore(%arg8 : memref<!tpu.dma_semaphore, #tpu.memory_space<semaphore_mem>>) src(%dma_wait3A_881 : memref<50x64xf32, #tpu.memory_space<vmem>>) dst(%dma_wait3A_877 : memref<50x64xf32, #tpu.memory_space<hbm>>)
        %dma_wait3A_882 = arith.constant 0 : i32
        %dma_wait3A_883 = arith.constant 0 : i32
        %dma_wait3A_884 = arith.constant 0 : i32
        %dma_wait3A_885 = arith.constant 0 : i32
        %dma_wait3A_886 = arith.constant 0 : i32
        %dma_wait3A_887 = tpu.memref_slice %arg6[%dma_wait3A_882, %dma_wait3A_883, %dma_wait3A_885, %dma_wait3A_886] : memref<2x8x50x64xf32, #tpu.memory_space<vmem>> -> memref<1x1x50x64xf32, #tpu.memory_space<vmem>>
        %dma_wait3A_888 = tpu.memref_squeeze %dma_wait3A_887 : memref<1x1x50x64xf32, #tpu.memory_space<vmem>> -> memref<50x64xf32, #tpu.memory_space<vmem>>
        %dma_wait3A_889 = arith.constant 0 : i32
        %dma_wait3A_890 = arith.constant 0 : i32
        %dma_wait3A_891 = tpu.memref_slice %arg4[%dma_wait3A_884, %dma_wait3A_889, %dma_wait3A_890] : memref<4096x56x128xf32, #tpu.memory_space<hbm>> -> memref<1x50x64xf32, #tpu.memory_space<hbm>>
        %dma_wait3A_892 = tpu.memref_squeeze %dma_wait3A_891 : memref<1x50x64xf32, #tpu.memory_space<hbm>> -> memref<50x64xf32, #tpu.memory_space<hbm>>
        %dma_wait3A_893 = arith.constant 0 : i32
        %dma_wait3A_894 = arith.constant 0 : i32
        %dma_wait3A_895 = tpu.memref_slice %arg4[%dma_wait3A_884, %dma_wait3A_893, %dma_wait3A_894] : memref<4096x56x128xf32, #tpu.memory_space<hbm>> -> memref<1x50x64xf32, #tpu.memory_space<hbm>>
        %dma_wait3A_896 = tpu.memref_squeeze %dma_wait3A_895 : memref<1x50x64xf32, #tpu.memory_space<hbm>> -> memref<50x64xf32, #tpu.memory_space<hbm>>
        %dma_wait3A_897 = arith.constant 0 : i32
        %dma_wait3A_898 = arith.constant 0 : i32
        %dma_wait3A_899 = tpu.memref_slice %arg6[%dma_wait3A_882, %dma_wait3A_883, %dma_wait3A_897, %dma_wait3A_898] : memref<2x8x50x64xf32, #tpu.memory_space<vmem>> -> memref<1x1x50x64xf32, #tpu.memory_space<vmem>>
        %dma_wait3A_900 = tpu.memref_squeeze %dma_wait3A_899 : memref<1x1x50x64xf32, #tpu.memory_space<vmem>> -> memref<50x64xf32, #tpu.memory_space<vmem>>
        tpu.wait_dma2 semaphore(%arg8 : memref<!tpu.dma_semaphore, #tpu.memory_space<semaphore_mem>>) src(%dma_wait3A_900 : memref<50x64xf32, #tpu.memory_space<vmem>>) dst(%dma_wait3A_896 : memref<50x64xf32, #tpu.memory_space<hbm>>)
        %dma_wait3A_901 = arith.constant 0 : i32
        %dma_wait3A_902 = arith.constant 0 : i32
        %dma_wait3A_903 = arith.constant 0 : i32
        %dma_wait3A_904 = arith.constant 0 : i32
        %dma_wait3A_905 = arith.constant 0 : i32
        %dma_wait3A_906 = tpu.memref_slice %arg6[%dma_wait3A_901, %dma_wait3A_902, %dma_wait3A_904, %dma_wait3A_905] : memref<2x8x50x64xf32, #tpu.memory_space<vmem>> -> memref<1x1x50x64xf32, #tpu.memory_space<vmem>>
        %dma_wait3A_907 = tpu.memref_squeeze %dma_wait3A_906 : memref<1x1x50x64xf32, #tpu.memory_space<vmem>> -> memref<50x64xf32, #tpu.memory_space<vmem>>
        %dma_wait3A_908 = arith.constant 0 : i32
        %dma_wait3A_909 = arith.constant 0 : i32
        %dma_wait3A_910 = tpu.memref_slice %arg4[%dma_wait3A_903, %dma_wait3A_908, %dma_wait3A_909] : memref<4096x56x128xf32, #tpu.memory_space<hbm>> -> memref<1x50x64xf32, #tpu.memory_space<hbm>>
        %dma_wait3A_911 = tpu.memref_squeeze %dma_wait3A_910 : memref<1x50x64xf32, #tpu.memory_space<hbm>> -> memref<50x64xf32, #tpu.memory_space<hbm>>
        %dma_wait3A_912 = arith.constant 0 : i32
        %dma_wait3A_913 = arith.constant 0 : i32
        %dma_wait3A_914 = tpu.memref_slice %arg4[%dma_wait3A_903, %dma_wait3A_912, %dma_wait3A_913] : memref<4096x56x128xf32, #tpu.memory_space<hbm>> -> memref<1x50x64xf32, #tpu.memory_space<hbm>>
        %dma_wait3A_915 = tpu.memref_squeeze %dma_wait3A_914 : memref<1x50x64xf32, #tpu.memory_space<hbm>> -> memref<50x64xf32, #tpu.memory_space<hbm>>
        %dma_wait3A_916 = arith.constant 0 : i32
        %dma_wait3A_917 = arith.constant 0 : i32
        %dma_wait3A_918 = tpu.memref_slice %arg6[%dma_wait3A_901, %dma_wait3A_902, %dma_wait3A_916, %dma_wait3A_917] : memref<2x8x50x64xf32, #tpu.memory_space<vmem>> -> memref<1x1x50x64xf32, #tpu.memory_space<vmem>>
        %dma_wait3A_919 = tpu.memref_squeeze %dma_wait3A_918 : memref<1x1x50x64xf32, #tpu.memory_space<vmem>> -> memref<50x64xf32, #tpu.memory_space<vmem>>
        tpu.wait_dma2 semaphore(%arg8 : memref<!tpu.dma_semaphore, #tpu.memory_space<semaphore_mem>>) src(%dma_wait3A_919 : memref<50x64xf32, #tpu.memory_space<vmem>>) dst(%dma_wait3A_915 : memref<50x64xf32, #tpu.memory_space<hbm>>)
        %dma_wait3A_920 = arith.constant 0 : i32
        %dma_wait3A_921 = arith.constant 0 : i32
        %dma_wait3A_922 = arith.constant 0 : i32
        %dma_wait3A_923 = arith.constant 0 : i32
        %dma_wait3A_924 = arith.constant 0 : i32
        %dma_wait3A_925 = tpu.memref_slice %arg6[%dma_wait3A_920, %dma_wait3A_921, %dma_wait3A_923, %dma_wait3A_924] : memref<2x8x50x64xf32, #tpu.memory_space<vmem>> -> memref<1x1x50x64xf32, #tpu.memory_space<vmem>>
        %dma_wait3A_926 = tpu.memref_squeeze %dma_wait3A_925 : memref<1x1x50x64xf32, #tpu.memory_space<vmem>> -> memref<50x64xf32, #tpu.memory_space<vmem>>
        %dma_wait3A_927 = arith.constant 0 : i32
        %dma_wait3A_928 = arith.constant 0 : i32
        %dma_wait3A_929 = tpu.memref_slice %arg4[%dma_wait3A_922, %dma_wait3A_927, %dma_wait3A_928] : memref<4096x56x128xf32, #tpu.memory_space<hbm>> -> memref<1x50x64xf32, #tpu.memory_space<hbm>>
        %dma_wait3A_930 = tpu.memref_squeeze %dma_wait3A_929 : memref<1x50x64xf32, #tpu.memory_space<hbm>> -> memref<50x64xf32, #tpu.memory_space<hbm>>
        %dma_wait3A_931 = arith.constant 0 : i32
        %dma_wait3A_932 = arith.constant 0 : i32
        %dma_wait3A_933 = tpu.memref_slice %arg4[%dma_wait3A_922, %dma_wait3A_931, %dma_wait3A_932] : memref<4096x56x128xf32, #tpu.memory_space<hbm>> -> memref<1x50x64xf32, #tpu.memory_space<hbm>>
        %dma_wait3A_934 = tpu.memref_squeeze %dma_wait3A_933 : memref<1x50x64xf32, #tpu.memory_space<hbm>> -> memref<50x64xf32, #tpu.memory_space<hbm>>
        %dma_wait3A_935 = arith.constant 0 : i32
        %dma_wait3A_936 = arith.constant 0 : i32
        %dma_wait3A_937 = tpu.memref_slice %arg6[%dma_wait3A_920, %dma_wait3A_921, %dma_wait3A_935, %dma_wait3A_936] : memref<2x8x50x64xf32, #tpu.memory_space<vmem>> -> memref<1x1x50x64xf32, #tpu.memory_space<vmem>>
        %dma_wait3A_938 = tpu.memref_squeeze %dma_wait3A_937 : memref<1x1x50x64xf32, #tpu.memory_space<vmem>> -> memref<50x64xf32, #tpu.memory_space<vmem>>
        tpu.wait_dma2 semaphore(%arg8 : memref<!tpu.dma_semaphore, #tpu.memory_space<semaphore_mem>>) src(%dma_wait3A_938 : memref<50x64xf32, #tpu.memory_space<vmem>>) dst(%dma_wait3A_934 : memref<50x64xf32, #tpu.memory_space<hbm>>)
        %dma_wait3A_939 = arith.constant 0 : i32
        %dma_wait3A_940 = arith.constant 0 : i32
        %dma_wait3A_941 = arith.constant 0 : i32
        %dma_wait3A_942 = arith.constant 0 : i32
        %dma_wait3A_943 = arith.constant 0 : i32
        %dma_wait3A_944 = tpu.memref_slice %arg6[%dma_wait3A_939, %dma_wait3A_940, %dma_wait3A_942, %dma_wait3A_943] : memref<2x8x50x64xf32, #tpu.memory_space<vmem>> -> memref<1x1x50x64xf32, #tpu.memory_space<vmem>>
        %dma_wait3A_945 = tpu.memref_squeeze %dma_wait3A_944 : memref<1x1x50x64xf32, #tpu.memory_space<vmem>> -> memref<50x64xf32, #tpu.memory_space<vmem>>
        %dma_wait3A_946 = arith.constant 0 : i32
        %dma_wait3A_947 = arith.constant 0 : i32
        %dma_wait3A_948 = tpu.memref_slice %arg4[%dma_wait3A_941, %dma_wait3A_946, %dma_wait3A_947] : memref<4096x56x128xf32, #tpu.memory_space<hbm>> -> memref<1x50x64xf32, #tpu.memory_space<hbm>>
        %dma_wait3A_949 = tpu.memref_squeeze %dma_wait3A_948 : memref<1x50x64xf32, #tpu.memory_space<hbm>> -> memref<50x64xf32, #tpu.memory_space<hbm>>
        %dma_wait3A_950 = arith.constant 0 : i32
        %dma_wait3A_951 = arith.constant 0 : i32
        %dma_wait3A_952 = tpu.memref_slice %arg4[%dma_wait3A_941, %dma_wait3A_950, %dma_wait3A_951] : memref<4096x56x128xf32, #tpu.memory_space<hbm>> -> memref<1x50x64xf32, #tpu.memory_space<hbm>>
        %dma_wait3A_953 = tpu.memref_squeeze %dma_wait3A_952 : memref<1x50x64xf32, #tpu.memory_space<hbm>> -> memref<50x64xf32, #tpu.memory_space<hbm>>
        %dma_wait3A_954 = arith.constant 0 : i32
        %dma_wait3A_955 = arith.constant 0 : i32
        %dma_wait3A_956 = tpu.memref_slice %arg6[%dma_wait3A_939, %dma_wait3A_940, %dma_wait3A_954, %dma_wait3A_955] : memref<2x8x50x64xf32, #tpu.memory_space<vmem>> -> memref<1x1x50x64xf32, #tpu.memory_space<vmem>>
        %dma_wait3A_957 = tpu.memref_squeeze %dma_wait3A_956 : memref<1x1x50x64xf32, #tpu.memory_space<vmem>> -> memref<50x64xf32, #tpu.memory_space<vmem>>
        tpu.wait_dma2 semaphore(%arg8 : memref<!tpu.dma_semaphore, #tpu.memory_space<semaphore_mem>>) src(%dma_wait3A_957 : memref<50x64xf32, #tpu.memory_space<vmem>>) dst(%dma_wait3A_953 : memref<50x64xf32, #tpu.memory_space<hbm>>)
        %dma_wait3A_958 = arith.constant 0 : i32
        %dma_wait3A_959 = arith.constant 0 : i32
        %dma_wait3A_960 = arith.constant 0 : i32
        %dma_wait3A_961 = arith.constant 0 : i32
        %dma_wait3A_962 = arith.constant 0 : i32
        %dma_wait3A_963 = tpu.memref_slice %arg6[%dma_wait3A_958, %dma_wait3A_959, %dma_wait3A_961, %dma_wait3A_962] : memref<2x8x50x64xf32, #tpu.memory_space<vmem>> -> memref<1x1x50x64xf32, #tpu.memory_space<vmem>>
        %dma_wait3A_964 = tpu.memref_squeeze %dma_wait3A_963 : memref<1x1x50x64xf32, #tpu.memory_space<vmem>> -> memref<50x64xf32, #tpu.memory_space<vmem>>
        %dma_wait3A_965 = arith.constant 0 : i32
        %dma_wait3A_966 = arith.constant 0 : i32
        %dma_wait3A_967 = tpu.memref_slice %arg4[%dma_wait3A_960, %dma_wait3A_965, %dma_wait3A_966] : memref<4096x56x128xf32, #tpu.memory_space<hbm>> -> memref<1x50x64xf32, #tpu.memory_space<hbm>>
        %dma_wait3A_968 = tpu.memref_squeeze %dma_wait3A_967 : memref<1x50x64xf32, #tpu.memory_space<hbm>> -> memref<50x64xf32, #tpu.memory_space<hbm>>
        %dma_wait3A_969 = arith.constant 0 : i32
        %dma_wait3A_970 = arith.constant 0 : i32
        %dma_wait3A_971 = tpu.memref_slice %arg4[%dma_wait3A_960, %dma_wait3A_969, %dma_wait3A_970] : memref<4096x56x128xf32, #tpu.memory_space<hbm>> -> memref<1x50x64xf32, #tpu.memory_space<hbm>>
        %dma_wait3A_972 = tpu.memref_squeeze %dma_wait3A_971 : memref<1x50x64xf32, #tpu.memory_space<hbm>> -> memref<50x64xf32, #tpu.memory_space<hbm>>
        %dma_wait3A_973 = arith.constant 0 : i32
        %dma_wait3A_974 = arith.constant 0 : i32
        %dma_wait3A_975 = tpu.memref_slice %arg6[%dma_wait3A_958, %dma_wait3A_959, %dma_wait3A_973, %dma_wait3A_974] : memref<2x8x50x64xf32, #tpu.memory_space<vmem>> -> memref<1x1x50x64xf32, #tpu.memory_space<vmem>>
        %dma_wait3A_976 = tpu.memref_squeeze %dma_wait3A_975 : memref<1x1x50x64xf32, #tpu.memory_space<vmem>> -> memref<50x64xf32, #tpu.memory_space<vmem>>
        tpu.wait_dma2 semaphore(%arg8 : memref<!tpu.dma_semaphore, #tpu.memory_space<semaphore_mem>>) src(%dma_wait3A_976 : memref<50x64xf32, #tpu.memory_space<vmem>>) dst(%dma_wait3A_972 : memref<50x64xf32, #tpu.memory_space<hbm>>)
        %dma_wait3A_977 = arith.constant 0 : i32
        %dma_wait3A_978 = arith.constant 0 : i32
        %dma_wait3A_979 = arith.constant 0 : i32
        %dma_wait3A_980 = arith.constant 0 : i32
        %dma_wait3A_981 = arith.constant 0 : i32
        %dma_wait3A_982 = tpu.memref_slice %arg6[%dma_wait3A_977, %dma_wait3A_978, %dma_wait3A_980, %dma_wait3A_981] : memref<2x8x50x64xf32, #tpu.memory_space<vmem>> -> memref<1x1x50x64xf32, #tpu.memory_space<vmem>>
        %dma_wait3A_983 = tpu.memref_squeeze %dma_wait3A_982 : memref<1x1x50x64xf32, #tpu.memory_space<vmem>> -> memref<50x64xf32, #tpu.memory_space<vmem>>
        %dma_wait3A_984 = arith.constant 0 : i32
        %dma_wait3A_985 = arith.constant 0 : i32
        %dma_wait3A_986 = tpu.memref_slice %arg4[%dma_wait3A_979, %dma_wait3A_984, %dma_wait3A_985] : memref<4096x56x128xf32, #tpu.memory_space<hbm>> -> memref<1x50x64xf32, #tpu.memory_space<hbm>>
        %dma_wait3A_987 = tpu.memref_squeeze %dma_wait3A_986 : memref<1x50x64xf32, #tpu.memory_space<hbm>> -> memref<50x64xf32, #tpu.memory_space<hbm>>
        %dma_wait3A_988 = arith.constant 0 : i32
        %dma_wait3A_989 = arith.constant 0 : i32
        %dma_wait3A_990 = tpu.memref_slice %arg4[%dma_wait3A_979, %dma_wait3A_988, %dma_wait3A_989] : memref<4096x56x128xf32, #tpu.memory_space<hbm>> -> memref<1x50x64xf32, #tpu.memory_space<hbm>>
        %dma_wait3A_991 = tpu.memref_squeeze %dma_wait3A_990 : memref<1x50x64xf32, #tpu.memory_space<hbm>> -> memref<50x64xf32, #tpu.memory_space<hbm>>
        %dma_wait3A_992 = arith.constant 0 : i32
        %dma_wait3A_993 = arith.constant 0 : i32
        %dma_wait3A_994 = tpu.memref_slice %arg6[%dma_wait3A_977, %dma_wait3A_978, %dma_wait3A_992, %dma_wait3A_993] : memref<2x8x50x64xf32, #tpu.memory_space<vmem>> -> memref<1x1x50x64xf32, #tpu.memory_space<vmem>>
        %dma_wait3A_995 = tpu.memref_squeeze %dma_wait3A_994 : memref<1x1x50x64xf32, #tpu.memory_space<vmem>> -> memref<50x64xf32, #tpu.memory_space<vmem>>
        tpu.wait_dma2 semaphore(%arg8 : memref<!tpu.dma_semaphore, #tpu.memory_space<semaphore_mem>>) src(%dma_wait3A_995 : memref<50x64xf32, #tpu.memory_space<vmem>>) dst(%dma_wait3A_991 : memref<50x64xf32, #tpu.memory_space<hbm>>)
        %dma_wait3A_996 = arith.constant 0 : i32
        %dma_wait3A_997 = arith.constant 0 : i32
        %dma_wait3A_998 = arith.constant 0 : i32
        %dma_wait3A_999 = arith.constant 0 : i32
        %dma_wait3A_1000 = arith.constant 0 : i32
        %dma_wait3A_1001 = tpu.memref_slice %arg6[%dma_wait3A_996, %dma_wait3A_997, %dma_wait3A_999, %dma_wait3A_1000] : memref<2x8x50x64xf32, #tpu.memory_space<vmem>> -> memref<1x1x50x64xf32, #tpu.memory_space<vmem>>
        %dma_wait3A_1002 = tpu.memref_squeeze %dma_wait3A_1001 : memref<1x1x50x64xf32, #tpu.memory_space<vmem>> -> memref<50x64xf32, #tpu.memory_space<vmem>>
        %dma_wait3A_1003 = arith.constant 0 : i32
        %dma_wait3A_1004 = arith.constant 0 : i32
        %dma_wait3A_1005 = tpu.memref_slice %arg4[%dma_wait3A_998, %dma_wait3A_1003, %dma_wait3A_1004] : memref<4096x56x128xf32, #tpu.memory_space<hbm>> -> memref<1x50x64xf32, #tpu.memory_space<hbm>>
        %dma_wait3A_1006 = tpu.memref_squeeze %dma_wait3A_1005 : memref<1x50x64xf32, #tpu.memory_space<hbm>> -> memref<50x64xf32, #tpu.memory_space<hbm>>
        %dma_wait3A_1007 = arith.constant 0 : i32
        %dma_wait3A_1008 = arith.constant 0 : i32
        %dma_wait3A_1009 = tpu.memref_slice %arg4[%dma_wait3A_998, %dma_wait3A_1007, %dma_wait3A_1008] : memref<4096x56x128xf32, #tpu.memory_space<hbm>> -> memref<1x50x64xf32, #tpu.memory_space<hbm>>
        %dma_wait3A_1010 = tpu.memref_squeeze %dma_wait3A_1009 : memref<1x50x64xf32, #tpu.memory_space<hbm>> -> memref<50x64xf32, #tpu.memory_space<hbm>>
        %dma_wait3A_1011 = arith.constant 0 : i32
        %dma_wait3A_1012 = arith.constant 0 : i32
        %dma_wait3A_1013 = tpu.memref_slice %arg6[%dma_wait3A_996, %dma_wait3A_997, %dma_wait3A_1011, %dma_wait3A_1012] : memref<2x8x50x64xf32, #tpu.memory_space<vmem>> -> memref<1x1x50x64xf32, #tpu.memory_space<vmem>>
        %dma_wait3A_1014 = tpu.memref_squeeze %dma_wait3A_1013 : memref<1x1x50x64xf32, #tpu.memory_space<vmem>> -> memref<50x64xf32, #tpu.memory_space<vmem>>
        tpu.wait_dma2 semaphore(%arg8 : memref<!tpu.dma_semaphore, #tpu.memory_space<semaphore_mem>>) src(%dma_wait3A_1014 : memref<50x64xf32, #tpu.memory_space<vmem>>) dst(%dma_wait3A_1010 : memref<50x64xf32, #tpu.memory_space<hbm>>)
      } else {
      }
      %lt3A_570 = arith.constant 15 : i32
      %lt3A_571 = arith.cmpi slt, %add3A_564, %lt3A_570 : i32
      %convert_element_type3A_572 = arith.extui %lt3A_571 : i1 to i32
      %cond3A_573 = arith.constant 0 : i32
      %cond3A_574 = arith.cmpi ne, %convert_element_type3A_572, %cond3A_573 : i32
      scf.if %cond3A_574 {
        %add3A_863 = arith.constant 1 : i32
        %add3A_864 = arith.addi %add3A_564, %add3A_863 : i32
        %mul3A_865 = arith.constant 8 : i32
        %mul3A_866 = arith.muli %add3A_864, %mul3A_865 : i32
        %add3A_867 = arith.constant 0 : i32
        %add3A_868 = arith.addi %mul3A_866, %add3A_867 : i32
        %dma_start3A_869 = arith.constant 0 : i32
        %dma_start3A_870 = arith.constant 0 : i32
        %dma_start3A_871 = arith.constant 0 : i32
        %dma_start3A_872 = arith.constant 0 : i32
        %dma_start3A_873 = tpu.memref_slice %arg6[%dma_start3A_869, %dma_start3A_870, %dma_start3A_871, %dma_start3A_872] : memref<2x8x50x64xf32, #tpu.memory_space<vmem>> -> memref<1x1x50x64xf32, #tpu.memory_space<vmem>>
        %dma_start3A_874 = tpu.memref_squeeze %dma_start3A_873 : memref<1x1x50x64xf32, #tpu.memory_space<vmem>> -> memref<50x64xf32, #tpu.memory_space<vmem>>
        %dma_start3A_875 = arith.constant 0 : i32
        %dma_start3A_876 = tpu.memref_slice %arg5[%add3A_868, %dma_start3A_875] : memref<128x50xi32, #tpu.memory_space<vmem>> -> memref<1x50xi32, #tpu.memory_space<vmem>>
        %dma_start3A_877 = tpu.memref_squeeze %dma_start3A_876 : memref<1x50xi32, #tpu.memory_space<vmem>> -> memref<50xi32, #tpu.memory_space<vmem>>
        %dma_start3A_878 = arith.constant 0 : i32
        %dma_start3A_879 = arith.constant 0 : i32
        %dma_start3A_880 = tpu.memref_slice %arg3[%dma_start3A_878, %dma_start3A_879] : memref<100000x64xf32, #tpu.memory_space<hbm>> -> memref<100000x64xf32, #tpu.memory_space<hbm>>
        tpu.enqueue_indirect_dma source(%dma_start3A_880 : memref<100000x64xf32, #tpu.memory_space<hbm>>) target(%dma_start3A_874 : memref<50x64xf32, #tpu.memory_space<vmem>>) offsets(%dma_start3A_877 : memref<50xi32, #tpu.memory_space<vmem>>) semaphore(%arg7 : memref<!tpu.dma_semaphore, #tpu.memory_space<semaphore_mem>>)
        %mul3A_881 = arith.constant 8 : i32
        %mul3A_882 = arith.muli %add3A_864, %mul3A_881 : i32
        %add3A_883 = arith.constant 1 : i32
        %add3A_884 = arith.addi %mul3A_882, %add3A_883 : i32
        %dma_start3A_885 = arith.constant 0 : i32
        %dma_start3A_886 = arith.constant 1 : i32
        %dma_start3A_887 = arith.constant 0 : i32
        %dma_start3A_888 = arith.constant 0 : i32
        %dma_start3A_889 = tpu.memref_slice %arg6[%dma_start3A_885, %dma_start3A_886, %dma_start3A_887, %dma_start3A_888] : memref<2x8x50x64xf32, #tpu.memory_space<vmem>> -> memref<1x1x50x64xf32, #tpu.memory_space<vmem>>
        %dma_start3A_890 = tpu.memref_squeeze %dma_start3A_889 : memref<1x1x50x64xf32, #tpu.memory_space<vmem>> -> memref<50x64xf32, #tpu.memory_space<vmem>>
        %dma_start3A_891 = arith.constant 0 : i32
        %dma_start3A_892 = tpu.memref_slice %arg5[%add3A_884, %dma_start3A_891] : memref<128x50xi32, #tpu.memory_space<vmem>> -> memref<1x50xi32, #tpu.memory_space<vmem>>
        %dma_start3A_893 = tpu.memref_squeeze %dma_start3A_892 : memref<1x50xi32, #tpu.memory_space<vmem>> -> memref<50xi32, #tpu.memory_space<vmem>>
        %dma_start3A_894 = arith.constant 0 : i32
        %dma_start3A_895 = arith.constant 0 : i32
        %dma_start3A_896 = tpu.memref_slice %arg3[%dma_start3A_894, %dma_start3A_895] : memref<100000x64xf32, #tpu.memory_space<hbm>> -> memref<100000x64xf32, #tpu.memory_space<hbm>>
        tpu.enqueue_indirect_dma source(%dma_start3A_896 : memref<100000x64xf32, #tpu.memory_space<hbm>>) target(%dma_start3A_890 : memref<50x64xf32, #tpu.memory_space<vmem>>) offsets(%dma_start3A_893 : memref<50xi32, #tpu.memory_space<vmem>>) semaphore(%arg7 : memref<!tpu.dma_semaphore, #tpu.memory_space<semaphore_mem>>)
        %mul3A_897 = arith.constant 8 : i32
        %mul3A_898 = arith.muli %add3A_864, %mul3A_897 : i32
        %add3A_899 = arith.constant 2 : i32
        %add3A_900 = arith.addi %mul3A_898, %add3A_899 : i32
        %dma_start3A_901 = arith.constant 0 : i32
        %dma_start3A_902 = arith.constant 2 : i32
        %dma_start3A_903 = arith.constant 0 : i32
        %dma_start3A_904 = arith.constant 0 : i32
        %dma_start3A_905 = tpu.memref_slice %arg6[%dma_start3A_901, %dma_start3A_902, %dma_start3A_903, %dma_start3A_904] : memref<2x8x50x64xf32, #tpu.memory_space<vmem>> -> memref<1x1x50x64xf32, #tpu.memory_space<vmem>>
        %dma_start3A_906 = tpu.memref_squeeze %dma_start3A_905 : memref<1x1x50x64xf32, #tpu.memory_space<vmem>> -> memref<50x64xf32, #tpu.memory_space<vmem>>
        %dma_start3A_907 = arith.constant 0 : i32
        %dma_start3A_908 = tpu.memref_slice %arg5[%add3A_900, %dma_start3A_907] : memref<128x50xi32, #tpu.memory_space<vmem>> -> memref<1x50xi32, #tpu.memory_space<vmem>>
        %dma_start3A_909 = tpu.memref_squeeze %dma_start3A_908 : memref<1x50xi32, #tpu.memory_space<vmem>> -> memref<50xi32, #tpu.memory_space<vmem>>
        %dma_start3A_910 = arith.constant 0 : i32
        %dma_start3A_911 = arith.constant 0 : i32
        %dma_start3A_912 = tpu.memref_slice %arg3[%dma_start3A_910, %dma_start3A_911] : memref<100000x64xf32, #tpu.memory_space<hbm>> -> memref<100000x64xf32, #tpu.memory_space<hbm>>
        tpu.enqueue_indirect_dma source(%dma_start3A_912 : memref<100000x64xf32, #tpu.memory_space<hbm>>) target(%dma_start3A_906 : memref<50x64xf32, #tpu.memory_space<vmem>>) offsets(%dma_start3A_909 : memref<50xi32, #tpu.memory_space<vmem>>) semaphore(%arg7 : memref<!tpu.dma_semaphore, #tpu.memory_space<semaphore_mem>>)
        %mul3A_913 = arith.constant 8 : i32
        %mul3A_914 = arith.muli %add3A_864, %mul3A_913 : i32
        %add3A_915 = arith.constant 3 : i32
        %add3A_916 = arith.addi %mul3A_914, %add3A_915 : i32
        %dma_start3A_917 = arith.constant 0 : i32
        %dma_start3A_918 = arith.constant 3 : i32
        %dma_start3A_919 = arith.constant 0 : i32
        %dma_start3A_920 = arith.constant 0 : i32
        %dma_start3A_921 = tpu.memref_slice %arg6[%dma_start3A_917, %dma_start3A_918, %dma_start3A_919, %dma_start3A_920] : memref<2x8x50x64xf32, #tpu.memory_space<vmem>> -> memref<1x1x50x64xf32, #tpu.memory_space<vmem>>
        %dma_start3A_922 = tpu.memref_squeeze %dma_start3A_921 : memref<1x1x50x64xf32, #tpu.memory_space<vmem>> -> memref<50x64xf32, #tpu.memory_space<vmem>>
        %dma_start3A_923 = arith.constant 0 : i32
        %dma_start3A_924 = tpu.memref_slice %arg5[%add3A_916, %dma_start3A_923] : memref<128x50xi32, #tpu.memory_space<vmem>> -> memref<1x50xi32, #tpu.memory_space<vmem>>
        %dma_start3A_925 = tpu.memref_squeeze %dma_start3A_924 : memref<1x50xi32, #tpu.memory_space<vmem>> -> memref<50xi32, #tpu.memory_space<vmem>>
        %dma_start3A_926 = arith.constant 0 : i32
        %dma_start3A_927 = arith.constant 0 : i32
        %dma_start3A_928 = tpu.memref_slice %arg3[%dma_start3A_926, %dma_start3A_927] : memref<100000x64xf32, #tpu.memory_space<hbm>> -> memref<100000x64xf32, #tpu.memory_space<hbm>>
        tpu.enqueue_indirect_dma source(%dma_start3A_928 : memref<100000x64xf32, #tpu.memory_space<hbm>>) target(%dma_start3A_922 : memref<50x64xf32, #tpu.memory_space<vmem>>) offsets(%dma_start3A_925 : memref<50xi32, #tpu.memory_space<vmem>>) semaphore(%arg7 : memref<!tpu.dma_semaphore, #tpu.memory_space<semaphore_mem>>)
        %mul3A_929 = arith.constant 8 : i32
        %mul3A_930 = arith.muli %add3A_864, %mul3A_929 : i32
        %add3A_931 = arith.constant 4 : i32
        %add3A_932 = arith.addi %mul3A_930, %add3A_931 : i32
        %dma_start3A_933 = arith.constant 0 : i32
        %dma_start3A_934 = arith.constant 4 : i32
        %dma_start3A_935 = arith.constant 0 : i32
        %dma_start3A_936 = arith.constant 0 : i32
        %dma_start3A_937 = tpu.memref_slice %arg6[%dma_start3A_933, %dma_start3A_934, %dma_start3A_935, %dma_start3A_936] : memref<2x8x50x64xf32, #tpu.memory_space<vmem>> -> memref<1x1x50x64xf32, #tpu.memory_space<vmem>>
        %dma_start3A_938 = tpu.memref_squeeze %dma_start3A_937 : memref<1x1x50x64xf32, #tpu.memory_space<vmem>> -> memref<50x64xf32, #tpu.memory_space<vmem>>
        %dma_start3A_939 = arith.constant 0 : i32
        %dma_start3A_940 = tpu.memref_slice %arg5[%add3A_932, %dma_start3A_939] : memref<128x50xi32, #tpu.memory_space<vmem>> -> memref<1x50xi32, #tpu.memory_space<vmem>>
        %dma_start3A_941 = tpu.memref_squeeze %dma_start3A_940 : memref<1x50xi32, #tpu.memory_space<vmem>> -> memref<50xi32, #tpu.memory_space<vmem>>
        %dma_start3A_942 = arith.constant 0 : i32
        %dma_start3A_943 = arith.constant 0 : i32
        %dma_start3A_944 = tpu.memref_slice %arg3[%dma_start3A_942, %dma_start3A_943] : memref<100000x64xf32, #tpu.memory_space<hbm>> -> memref<100000x64xf32, #tpu.memory_space<hbm>>
        tpu.enqueue_indirect_dma source(%dma_start3A_944 : memref<100000x64xf32, #tpu.memory_space<hbm>>) target(%dma_start3A_938 : memref<50x64xf32, #tpu.memory_space<vmem>>) offsets(%dma_start3A_941 : memref<50xi32, #tpu.memory_space<vmem>>) semaphore(%arg7 : memref<!tpu.dma_semaphore, #tpu.memory_space<semaphore_mem>>)
        %mul3A_945 = arith.constant 8 : i32
        %mul3A_946 = arith.muli %add3A_864, %mul3A_945 : i32
        %add3A_947 = arith.constant 5 : i32
        %add3A_948 = arith.addi %mul3A_946, %add3A_947 : i32
        %dma_start3A_949 = arith.constant 0 : i32
        %dma_start3A_950 = arith.constant 5 : i32
        %dma_start3A_951 = arith.constant 0 : i32
        %dma_start3A_952 = arith.constant 0 : i32
        %dma_start3A_953 = tpu.memref_slice %arg6[%dma_start3A_949, %dma_start3A_950, %dma_start3A_951, %dma_start3A_952] : memref<2x8x50x64xf32, #tpu.memory_space<vmem>> -> memref<1x1x50x64xf32, #tpu.memory_space<vmem>>
        %dma_start3A_954 = tpu.memref_squeeze %dma_start3A_953 : memref<1x1x50x64xf32, #tpu.memory_space<vmem>> -> memref<50x64xf32, #tpu.memory_space<vmem>>
        %dma_start3A_955 = arith.constant 0 : i32
        %dma_start3A_956 = tpu.memref_slice %arg5[%add3A_948, %dma_start3A_955] : memref<128x50xi32, #tpu.memory_space<vmem>> -> memref<1x50xi32, #tpu.memory_space<vmem>>
        %dma_start3A_957 = tpu.memref_squeeze %dma_start3A_956 : memref<1x50xi32, #tpu.memory_space<vmem>> -> memref<50xi32, #tpu.memory_space<vmem>>
        %dma_start3A_958 = arith.constant 0 : i32
        %dma_start3A_959 = arith.constant 0 : i32
        %dma_start3A_960 = tpu.memref_slice %arg3[%dma_start3A_958, %dma_start3A_959] : memref<100000x64xf32, #tpu.memory_space<hbm>> -> memref<100000x64xf32, #tpu.memory_space<hbm>>
        tpu.enqueue_indirect_dma source(%dma_start3A_960 : memref<100000x64xf32, #tpu.memory_space<hbm>>) target(%dma_start3A_954 : memref<50x64xf32, #tpu.memory_space<vmem>>) offsets(%dma_start3A_957 : memref<50xi32, #tpu.memory_space<vmem>>) semaphore(%arg7 : memref<!tpu.dma_semaphore, #tpu.memory_space<semaphore_mem>>)
        %mul3A_961 = arith.constant 8 : i32
        %mul3A_962 = arith.muli %add3A_864, %mul3A_961 : i32
        %add3A_963 = arith.constant 6 : i32
        %add3A_964 = arith.addi %mul3A_962, %add3A_963 : i32
        %dma_start3A_965 = arith.constant 0 : i32
        %dma_start3A_966 = arith.constant 6 : i32
        %dma_start3A_967 = arith.constant 0 : i32
        %dma_start3A_968 = arith.constant 0 : i32
        %dma_start3A_969 = tpu.memref_slice %arg6[%dma_start3A_965, %dma_start3A_966, %dma_start3A_967, %dma_start3A_968] : memref<2x8x50x64xf32, #tpu.memory_space<vmem>> -> memref<1x1x50x64xf32, #tpu.memory_space<vmem>>
        %dma_start3A_970 = tpu.memref_squeeze %dma_start3A_969 : memref<1x1x50x64xf32, #tpu.memory_space<vmem>> -> memref<50x64xf32, #tpu.memory_space<vmem>>
        %dma_start3A_971 = arith.constant 0 : i32
        %dma_start3A_972 = tpu.memref_slice %arg5[%add3A_964, %dma_start3A_971] : memref<128x50xi32, #tpu.memory_space<vmem>> -> memref<1x50xi32, #tpu.memory_space<vmem>>
        %dma_start3A_973 = tpu.memref_squeeze %dma_start3A_972 : memref<1x50xi32, #tpu.memory_space<vmem>> -> memref<50xi32, #tpu.memory_space<vmem>>
        %dma_start3A_974 = arith.constant 0 : i32
        %dma_start3A_975 = arith.constant 0 : i32
        %dma_start3A_976 = tpu.memref_slice %arg3[%dma_start3A_974, %dma_start3A_975] : memref<100000x64xf32, #tpu.memory_space<hbm>> -> memref<100000x64xf32, #tpu.memory_space<hbm>>
        tpu.enqueue_indirect_dma source(%dma_start3A_976 : memref<100000x64xf32, #tpu.memory_space<hbm>>) target(%dma_start3A_970 : memref<50x64xf32, #tpu.memory_space<vmem>>) offsets(%dma_start3A_973 : memref<50xi32, #tpu.memory_space<vmem>>) semaphore(%arg7 : memref<!tpu.dma_semaphore, #tpu.memory_space<semaphore_mem>>)
        %mul3A_977 = arith.constant 8 : i32
        %mul3A_978 = arith.muli %add3A_864, %mul3A_977 : i32
        %add3A_979 = arith.constant 7 : i32
        %add3A_980 = arith.addi %mul3A_978, %add3A_979 : i32
        %dma_start3A_981 = arith.constant 0 : i32
        %dma_start3A_982 = arith.constant 7 : i32
        %dma_start3A_983 = arith.constant 0 : i32
        %dma_start3A_984 = arith.constant 0 : i32
        %dma_start3A_985 = tpu.memref_slice %arg6[%dma_start3A_981, %dma_start3A_982, %dma_start3A_983, %dma_start3A_984] : memref<2x8x50x64xf32, #tpu.memory_space<vmem>> -> memref<1x1x50x64xf32, #tpu.memory_space<vmem>>
        %dma_start3A_986 = tpu.memref_squeeze %dma_start3A_985 : memref<1x1x50x64xf32, #tpu.memory_space<vmem>> -> memref<50x64xf32, #tpu.memory_space<vmem>>
        %dma_start3A_987 = arith.constant 0 : i32
        %dma_start3A_988 = tpu.memref_slice %arg5[%add3A_980, %dma_start3A_987] : memref<128x50xi32, #tpu.memory_space<vmem>> -> memref<1x50xi32, #tpu.memory_space<vmem>>
        %dma_start3A_989 = tpu.memref_squeeze %dma_start3A_988 : memref<1x50xi32, #tpu.memory_space<vmem>> -> memref<50xi32, #tpu.memory_space<vmem>>
        %dma_start3A_990 = arith.constant 0 : i32
        %dma_start3A_991 = arith.constant 0 : i32
        %dma_start3A_992 = tpu.memref_slice %arg3[%dma_start3A_990, %dma_start3A_991] : memref<100000x64xf32, #tpu.memory_space<hbm>> -> memref<100000x64xf32, #tpu.memory_space<hbm>>
        tpu.enqueue_indirect_dma source(%dma_start3A_992 : memref<100000x64xf32, #tpu.memory_space<hbm>>) target(%dma_start3A_986 : memref<50x64xf32, #tpu.memory_space<vmem>>) offsets(%dma_start3A_989 : memref<50xi32, #tpu.memory_space<vmem>>) semaphore(%arg7 : memref<!tpu.dma_semaphore, #tpu.memory_space<semaphore_mem>>)
      } else {
      }
      %dma_wait3A_575 = arith.constant 0 : i32
      %dma_wait3A_576 = arith.constant 0 : i32
      %dma_wait3A_577 = arith.constant 0 : i32
      %dma_wait3A_578 = arith.constant 0 : i32
      %dma_wait3A_579 = arith.constant 0 : i32
      %dma_wait3A_580 = tpu.memref_slice %arg6[%dma_wait3A_576, %dma_wait3A_577, %dma_wait3A_578, %dma_wait3A_579] : memref<2x8x50x64xf32, #tpu.memory_space<vmem>> -> memref<1x1x50x64xf32, #tpu.memory_space<vmem>>
      %dma_wait3A_581 = tpu.memref_squeeze %dma_wait3A_580 : memref<1x1x50x64xf32, #tpu.memory_space<vmem>> -> memref<50x64xf32, #tpu.memory_space<vmem>>
      %dma_wait3A_582 = arith.constant 0 : i32
      %dma_wait3A_583 = tpu.memref_slice %arg5[%dma_wait3A_575, %dma_wait3A_582] : memref<128x50xi32, #tpu.memory_space<vmem>> -> memref<1x50xi32, #tpu.memory_space<vmem>>
      %dma_wait3A_584 = tpu.memref_squeeze %dma_wait3A_583 : memref<1x50xi32, #tpu.memory_space<vmem>> -> memref<50xi32, #tpu.memory_space<vmem>>
      %dma_wait3A_585 = arith.constant 0 : i32
      %dma_wait3A_586 = arith.constant 0 : i32
      %dma_wait3A_587 = tpu.memref_slice %arg3[%dma_wait3A_585, %dma_wait3A_586] : memref<100000x64xf32, #tpu.memory_space<hbm>> -> memref<100000x64xf32, #tpu.memory_space<hbm>>
      tpu.wait_indirect_dma semaphore(%arg7 : memref<!tpu.dma_semaphore, #tpu.memory_space<semaphore_mem>>) src(%dma_wait3A_587 : memref<100000x64xf32, #tpu.memory_space<hbm>>) dst(%dma_wait3A_581 : memref<50x64xf32, #tpu.memory_space<vmem>>)
      %dma_wait3A_588 = arith.constant 0 : i32
      %dma_wait3A_589 = arith.constant 0 : i32
      %dma_wait3A_590 = arith.constant 0 : i32
      %dma_wait3A_591 = arith.constant 0 : i32
      %dma_wait3A_592 = arith.constant 0 : i32
      %dma_wait3A_593 = tpu.memref_slice %arg6[%dma_wait3A_589, %dma_wait3A_590, %dma_wait3A_591, %dma_wait3A_592] : memref<2x8x50x64xf32, #tpu.memory_space<vmem>> -> memref<1x1x50x64xf32, #tpu.memory_space<vmem>>
      %dma_wait3A_594 = tpu.memref_squeeze %dma_wait3A_593 : memref<1x1x50x64xf32, #tpu.memory_space<vmem>> -> memref<50x64xf32, #tpu.memory_space<vmem>>
      %dma_wait3A_595 = arith.constant 0 : i32
      %dma_wait3A_596 = tpu.memref_slice %arg5[%dma_wait3A_588, %dma_wait3A_595] : memref<128x50xi32, #tpu.memory_space<vmem>> -> memref<1x50xi32, #tpu.memory_space<vmem>>
      %dma_wait3A_597 = tpu.memref_squeeze %dma_wait3A_596 : memref<1x50xi32, #tpu.memory_space<vmem>> -> memref<50xi32, #tpu.memory_space<vmem>>
      %dma_wait3A_598 = arith.constant 0 : i32
      %dma_wait3A_599 = arith.constant 0 : i32
      %dma_wait3A_600 = tpu.memref_slice %arg3[%dma_wait3A_598, %dma_wait3A_599] : memref<100000x64xf32, #tpu.memory_space<hbm>> -> memref<100000x64xf32, #tpu.memory_space<hbm>>
      tpu.wait_indirect_dma semaphore(%arg7 : memref<!tpu.dma_semaphore, #tpu.memory_space<semaphore_mem>>) src(%dma_wait3A_600 : memref<100000x64xf32, #tpu.memory_space<hbm>>) dst(%dma_wait3A_594 : memref<50x64xf32, #tpu.memory_space<vmem>>)
      %dma_wait3A_601 = arith.constant 0 : i32
      %dma_wait3A_602 = arith.constant 0 : i32
      %dma_wait3A_603 = arith.constant 0 : i32
      %dma_wait3A_604 = arith.constant 0 : i32
      %dma_wait3A_605 = arith.constant 0 : i32
      %dma_wait3A_606 = tpu.memref_slice %arg6[%dma_wait3A_602, %dma_wait3A_603, %dma_wait3A_604, %dma_wait3A_605] : memref<2x8x50x64xf32, #tpu.memory_space<vmem>> -> memref<1x1x50x64xf32, #tpu.memory_space<vmem>>
      %dma_wait3A_607 = tpu.memref_squeeze %dma_wait3A_606 : memref<1x1x50x64xf32, #tpu.memory_space<vmem>> -> memref<50x64xf32, #tpu.memory_space<vmem>>
      %dma_wait3A_608 = arith.constant 0 : i32
      %dma_wait3A_609 = tpu.memref_slice %arg5[%dma_wait3A_601, %dma_wait3A_608] : memref<128x50xi32, #tpu.memory_space<vmem>> -> memref<1x50xi32, #tpu.memory_space<vmem>>
      %dma_wait3A_610 = tpu.memref_squeeze %dma_wait3A_609 : memref<1x50xi32, #tpu.memory_space<vmem>> -> memref<50xi32, #tpu.memory_space<vmem>>
      %dma_wait3A_611 = arith.constant 0 : i32
      %dma_wait3A_612 = arith.constant 0 : i32
      %dma_wait3A_613 = tpu.memref_slice %arg3[%dma_wait3A_611, %dma_wait3A_612] : memref<100000x64xf32, #tpu.memory_space<hbm>> -> memref<100000x64xf32, #tpu.memory_space<hbm>>
      tpu.wait_indirect_dma semaphore(%arg7 : memref<!tpu.dma_semaphore, #tpu.memory_space<semaphore_mem>>) src(%dma_wait3A_613 : memref<100000x64xf32, #tpu.memory_space<hbm>>) dst(%dma_wait3A_607 : memref<50x64xf32, #tpu.memory_space<vmem>>)
      %dma_wait3A_614 = arith.constant 0 : i32
      %dma_wait3A_615 = arith.constant 0 : i32
      %dma_wait3A_616 = arith.constant 0 : i32
      %dma_wait3A_617 = arith.constant 0 : i32
      %dma_wait3A_618 = arith.constant 0 : i32
      %dma_wait3A_619 = tpu.memref_slice %arg6[%dma_wait3A_615, %dma_wait3A_616, %dma_wait3A_617, %dma_wait3A_618] : memref<2x8x50x64xf32, #tpu.memory_space<vmem>> -> memref<1x1x50x64xf32, #tpu.memory_space<vmem>>
      %dma_wait3A_620 = tpu.memref_squeeze %dma_wait3A_619 : memref<1x1x50x64xf32, #tpu.memory_space<vmem>> -> memref<50x64xf32, #tpu.memory_space<vmem>>
      %dma_wait3A_621 = arith.constant 0 : i32
      %dma_wait3A_622 = tpu.memref_slice %arg5[%dma_wait3A_614, %dma_wait3A_621] : memref<128x50xi32, #tpu.memory_space<vmem>> -> memref<1x50xi32, #tpu.memory_space<vmem>>
      %dma_wait3A_623 = tpu.memref_squeeze %dma_wait3A_622 : memref<1x50xi32, #tpu.memory_space<vmem>> -> memref<50xi32, #tpu.memory_space<vmem>>
      %dma_wait3A_624 = arith.constant 0 : i32
      %dma_wait3A_625 = arith.constant 0 : i32
      %dma_wait3A_626 = tpu.memref_slice %arg3[%dma_wait3A_624, %dma_wait3A_625] : memref<100000x64xf32, #tpu.memory_space<hbm>> -> memref<100000x64xf32, #tpu.memory_space<hbm>>
      tpu.wait_indirect_dma semaphore(%arg7 : memref<!tpu.dma_semaphore, #tpu.memory_space<semaphore_mem>>) src(%dma_wait3A_626 : memref<100000x64xf32, #tpu.memory_space<hbm>>) dst(%dma_wait3A_620 : memref<50x64xf32, #tpu.memory_space<vmem>>)
      %dma_wait3A_627 = arith.constant 0 : i32
      %dma_wait3A_628 = arith.constant 0 : i32
      %dma_wait3A_629 = arith.constant 0 : i32
      %dma_wait3A_630 = arith.constant 0 : i32
      %dma_wait3A_631 = arith.constant 0 : i32
      %dma_wait3A_632 = tpu.memref_slice %arg6[%dma_wait3A_628, %dma_wait3A_629, %dma_wait3A_630, %dma_wait3A_631] : memref<2x8x50x64xf32, #tpu.memory_space<vmem>> -> memref<1x1x50x64xf32, #tpu.memory_space<vmem>>
      %dma_wait3A_633 = tpu.memref_squeeze %dma_wait3A_632 : memref<1x1x50x64xf32, #tpu.memory_space<vmem>> -> memref<50x64xf32, #tpu.memory_space<vmem>>
      %dma_wait3A_634 = arith.constant 0 : i32
      %dma_wait3A_635 = tpu.memref_slice %arg5[%dma_wait3A_627, %dma_wait3A_634] : memref<128x50xi32, #tpu.memory_space<vmem>> -> memref<1x50xi32, #tpu.memory_space<vmem>>
      %dma_wait3A_636 = tpu.memref_squeeze %dma_wait3A_635 : memref<1x50xi32, #tpu.memory_space<vmem>> -> memref<50xi32, #tpu.memory_space<vmem>>
      %dma_wait3A_637 = arith.constant 0 : i32
      %dma_wait3A_638 = arith.constant 0 : i32
      %dma_wait3A_639 = tpu.memref_slice %arg3[%dma_wait3A_637, %dma_wait3A_638] : memref<100000x64xf32, #tpu.memory_space<hbm>> -> memref<100000x64xf32, #tpu.memory_space<hbm>>
      tpu.wait_indirect_dma semaphore(%arg7 : memref<!tpu.dma_semaphore, #tpu.memory_space<semaphore_mem>>) src(%dma_wait3A_639 : memref<100000x64xf32, #tpu.memory_space<hbm>>) dst(%dma_wait3A_633 : memref<50x64xf32, #tpu.memory_space<vmem>>)
      %dma_wait3A_640 = arith.constant 0 : i32
      %dma_wait3A_641 = arith.constant 0 : i32
      %dma_wait3A_642 = arith.constant 0 : i32
      %dma_wait3A_643 = arith.constant 0 : i32
      %dma_wait3A_644 = arith.constant 0 : i32
      %dma_wait3A_645 = tpu.memref_slice %arg6[%dma_wait3A_641, %dma_wait3A_642, %dma_wait3A_643, %dma_wait3A_644] : memref<2x8x50x64xf32, #tpu.memory_space<vmem>> -> memref<1x1x50x64xf32, #tpu.memory_space<vmem>>
      %dma_wait3A_646 = tpu.memref_squeeze %dma_wait3A_645 : memref<1x1x50x64xf32, #tpu.memory_space<vmem>> -> memref<50x64xf32, #tpu.memory_space<vmem>>
      %dma_wait3A_647 = arith.constant 0 : i32
      %dma_wait3A_648 = tpu.memref_slice %arg5[%dma_wait3A_640, %dma_wait3A_647] : memref<128x50xi32, #tpu.memory_space<vmem>> -> memref<1x50xi32, #tpu.memory_space<vmem>>
      %dma_wait3A_649 = tpu.memref_squeeze %dma_wait3A_648 : memref<1x50xi32, #tpu.memory_space<vmem>> -> memref<50xi32, #tpu.memory_space<vmem>>
      %dma_wait3A_650 = arith.constant 0 : i32
      %dma_wait3A_651 = arith.constant 0 : i32
      %dma_wait3A_652 = tpu.memref_slice %arg3[%dma_wait3A_650, %dma_wait3A_651] : memref<100000x64xf32, #tpu.memory_space<hbm>> -> memref<100000x64xf32, #tpu.memory_space<hbm>>
      tpu.wait_indirect_dma semaphore(%arg7 : memref<!tpu.dma_semaphore, #tpu.memory_space<semaphore_mem>>) src(%dma_wait3A_652 : memref<100000x64xf32, #tpu.memory_space<hbm>>) dst(%dma_wait3A_646 : memref<50x64xf32, #tpu.memory_space<vmem>>)
      %dma_wait3A_653 = arith.constant 0 : i32
      %dma_wait3A_654 = arith.constant 0 : i32
      %dma_wait3A_655 = arith.constant 0 : i32
      %dma_wait3A_656 = arith.constant 0 : i32
      %dma_wait3A_657 = arith.constant 0 : i32
      %dma_wait3A_658 = tpu.memref_slice %arg6[%dma_wait3A_654, %dma_wait3A_655, %dma_wait3A_656, %dma_wait3A_657] : memref<2x8x50x64xf32, #tpu.memory_space<vmem>> -> memref<1x1x50x64xf32, #tpu.memory_space<vmem>>
      %dma_wait3A_659 = tpu.memref_squeeze %dma_wait3A_658 : memref<1x1x50x64xf32, #tpu.memory_space<vmem>> -> memref<50x64xf32, #tpu.memory_space<vmem>>
      %dma_wait3A_660 = arith.constant 0 : i32
      %dma_wait3A_661 = tpu.memref_slice %arg5[%dma_wait3A_653, %dma_wait3A_660] : memref<128x50xi32, #tpu.memory_space<vmem>> -> memref<1x50xi32, #tpu.memory_space<vmem>>
      %dma_wait3A_662 = tpu.memref_squeeze %dma_wait3A_661 : memref<1x50xi32, #tpu.memory_space<vmem>> -> memref<50xi32, #tpu.memory_space<vmem>>
      %dma_wait3A_663 = arith.constant 0 : i32
      %dma_wait3A_664 = arith.constant 0 : i32
      %dma_wait3A_665 = tpu.memref_slice %arg3[%dma_wait3A_663, %dma_wait3A_664] : memref<100000x64xf32, #tpu.memory_space<hbm>> -> memref<100000x64xf32, #tpu.memory_space<hbm>>
      tpu.wait_indirect_dma semaphore(%arg7 : memref<!tpu.dma_semaphore, #tpu.memory_space<semaphore_mem>>) src(%dma_wait3A_665 : memref<100000x64xf32, #tpu.memory_space<hbm>>) dst(%dma_wait3A_659 : memref<50x64xf32, #tpu.memory_space<vmem>>)
      %dma_wait3A_666 = arith.constant 0 : i32
      %dma_wait3A_667 = arith.constant 0 : i32
      %dma_wait3A_668 = arith.constant 0 : i32
      %dma_wait3A_669 = arith.constant 0 : i32
      %dma_wait3A_670 = arith.constant 0 : i32
      %dma_wait3A_671 = tpu.memref_slice %arg6[%dma_wait3A_667, %dma_wait3A_668, %dma_wait3A_669, %dma_wait3A_670] : memref<2x8x50x64xf32, #tpu.memory_space<vmem>> -> memref<1x1x50x64xf32, #tpu.memory_space<vmem>>
      %dma_wait3A_672 = tpu.memref_squeeze %dma_wait3A_671 : memref<1x1x50x64xf32, #tpu.memory_space<vmem>> -> memref<50x64xf32, #tpu.memory_space<vmem>>
      %dma_wait3A_673 = arith.constant 0 : i32
      %dma_wait3A_674 = tpu.memref_slice %arg5[%dma_wait3A_666, %dma_wait3A_673] : memref<128x50xi32, #tpu.memory_space<vmem>> -> memref<1x50xi32, #tpu.memory_space<vmem>>
      %dma_wait3A_675 = tpu.memref_squeeze %dma_wait3A_674 : memref<1x50xi32, #tpu.memory_space<vmem>> -> memref<50xi32, #tpu.memory_space<vmem>>
      %dma_wait3A_676 = arith.constant 0 : i32
      %dma_wait3A_677 = arith.constant 0 : i32
      %dma_wait3A_678 = tpu.memref_slice %arg3[%dma_wait3A_676, %dma_wait3A_677] : memref<100000x64xf32, #tpu.memory_space<hbm>> -> memref<100000x64xf32, #tpu.memory_space<hbm>>
      tpu.wait_indirect_dma semaphore(%arg7 : memref<!tpu.dma_semaphore, #tpu.memory_space<semaphore_mem>>) src(%dma_wait3A_678 : memref<100000x64xf32, #tpu.memory_space<hbm>>) dst(%dma_wait3A_672 : memref<50x64xf32, #tpu.memory_space<vmem>>)
      %mul3A_679 = arith.constant 8 : i32
      %mul3A_680 = arith.muli %add3A_564, %mul3A_679 : i32
      %add3A_681 = arith.addi %mul3A_2, %mul3A_680 : i32
      %add3A_682 = arith.constant 0 : i32
      %add3A_683 = arith.addi %add3A_681, %add3A_682 : i32
      %dma_start3A_684 = arith.constant 1 : i32
      %dma_start3A_685 = arith.constant 0 : i32
      %dma_start3A_686 = arith.constant 0 : i32
      %dma_start3A_687 = arith.constant 0 : i32
      %dma_start3A_688 = tpu.memref_slice %arg6[%dma_start3A_684, %dma_start3A_685, %dma_start3A_686, %dma_start3A_687] : memref<2x8x50x64xf32, #tpu.memory_space<vmem>> -> memref<1x1x50x64xf32, #tpu.memory_space<vmem>>
      %dma_start3A_689 = tpu.memref_squeeze %dma_start3A_688 : memref<1x1x50x64xf32, #tpu.memory_space<vmem>> -> memref<50x64xf32, #tpu.memory_space<vmem>>
      %dma_start3A_690 = arith.constant 0 : i32
      %dma_start3A_691 = arith.constant 0 : i32
      %dma_start3A_692 = tpu.memref_slice %arg4[%add3A_683, %dma_start3A_690, %dma_start3A_691] : memref<4096x56x128xf32, #tpu.memory_space<hbm>> -> memref<1x50x64xf32, #tpu.memory_space<hbm>>
      %dma_start3A_693 = tpu.memref_squeeze %dma_start3A_692 : memref<1x50x64xf32, #tpu.memory_space<hbm>> -> memref<50x64xf32, #tpu.memory_space<hbm>>
      %dma_start3A_694 = arith.constant 0 : i32
      %dma_start3A_695 = arith.constant 0 : i32
      %dma_start3A_696 = tpu.memref_slice %arg4[%add3A_683, %dma_start3A_694, %dma_start3A_695] : memref<4096x56x128xf32, #tpu.memory_space<hbm>> -> memref<1x50x64xf32, #tpu.memory_space<hbm>>
      %dma_start3A_697 = tpu.memref_squeeze %dma_start3A_696 : memref<1x50x64xf32, #tpu.memory_space<hbm>> -> memref<50x64xf32, #tpu.memory_space<hbm>>
      %dma_start3A_698 = arith.constant 0 : i32
      %dma_start3A_699 = arith.constant 0 : i32
      %dma_start3A_700 = tpu.memref_slice %arg6[%dma_start3A_684, %dma_start3A_685, %dma_start3A_698, %dma_start3A_699] : memref<2x8x50x64xf32, #tpu.memory_space<vmem>> -> memref<1x1x50x64xf32, #tpu.memory_space<vmem>>
      %dma_start3A_701 = tpu.memref_squeeze %dma_start3A_700 : memref<1x1x50x64xf32, #tpu.memory_space<vmem>> -> memref<50x64xf32, #tpu.memory_space<vmem>>
      tpu.enqueue_dma source(%dma_start3A_701 : memref<50x64xf32, #tpu.memory_space<vmem>>) target(%dma_start3A_697 : memref<50x64xf32, #tpu.memory_space<hbm>>) target_semaphore(%arg8 : memref<!tpu.dma_semaphore, #tpu.memory_space<semaphore_mem>>)
      %mul3A_702 = arith.constant 8 : i32
      %mul3A_703 = arith.muli %add3A_564, %mul3A_702 : i32
      %add3A_704 = arith.addi %mul3A_2, %mul3A_703 : i32
      %add3A_705 = arith.constant 1 : i32
      %add3A_706 = arith.addi %add3A_704, %add3A_705 : i32
      %dma_start3A_707 = arith.constant 1 : i32
      %dma_start3A_708 = arith.constant 1 : i32
      %dma_start3A_709 = arith.constant 0 : i32
      %dma_start3A_710 = arith.constant 0 : i32
      %dma_start3A_711 = tpu.memref_slice %arg6[%dma_start3A_707, %dma_start3A_708, %dma_start3A_709, %dma_start3A_710] : memref<2x8x50x64xf32, #tpu.memory_space<vmem>> -> memref<1x1x50x64xf32, #tpu.memory_space<vmem>>
      %dma_start3A_712 = tpu.memref_squeeze %dma_start3A_711 : memref<1x1x50x64xf32, #tpu.memory_space<vmem>> -> memref<50x64xf32, #tpu.memory_space<vmem>>
      %dma_start3A_713 = arith.constant 0 : i32
      %dma_start3A_714 = arith.constant 0 : i32
      %dma_start3A_715 = tpu.memref_slice %arg4[%add3A_706, %dma_start3A_713, %dma_start3A_714] : memref<4096x56x128xf32, #tpu.memory_space<hbm>> -> memref<1x50x64xf32, #tpu.memory_space<hbm>>
      %dma_start3A_716 = tpu.memref_squeeze %dma_start3A_715 : memref<1x50x64xf32, #tpu.memory_space<hbm>> -> memref<50x64xf32, #tpu.memory_space<hbm>>
      %dma_start3A_717 = arith.constant 0 : i32
      %dma_start3A_718 = arith.constant 0 : i32
      %dma_start3A_719 = tpu.memref_slice %arg4[%add3A_706, %dma_start3A_717, %dma_start3A_718] : memref<4096x56x128xf32, #tpu.memory_space<hbm>> -> memref<1x50x64xf32, #tpu.memory_space<hbm>>
      %dma_start3A_720 = tpu.memref_squeeze %dma_start3A_719 : memref<1x50x64xf32, #tpu.memory_space<hbm>> -> memref<50x64xf32, #tpu.memory_space<hbm>>
      %dma_start3A_721 = arith.constant 0 : i32
      %dma_start3A_722 = arith.constant 0 : i32
      %dma_start3A_723 = tpu.memref_slice %arg6[%dma_start3A_707, %dma_start3A_708, %dma_start3A_721, %dma_start3A_722] : memref<2x8x50x64xf32, #tpu.memory_space<vmem>> -> memref<1x1x50x64xf32, #tpu.memory_space<vmem>>
      %dma_start3A_724 = tpu.memref_squeeze %dma_start3A_723 : memref<1x1x50x64xf32, #tpu.memory_space<vmem>> -> memref<50x64xf32, #tpu.memory_space<vmem>>
      tpu.enqueue_dma source(%dma_start3A_724 : memref<50x64xf32, #tpu.memory_space<vmem>>) target(%dma_start3A_720 : memref<50x64xf32, #tpu.memory_space<hbm>>) target_semaphore(%arg8 : memref<!tpu.dma_semaphore, #tpu.memory_space<semaphore_mem>>)
      %mul3A_725 = arith.constant 8 : i32
      %mul3A_726 = arith.muli %add3A_564, %mul3A_725 : i32
      %add3A_727 = arith.addi %mul3A_2, %mul3A_726 : i32
      %add3A_728 = arith.constant 2 : i32
      %add3A_729 = arith.addi %add3A_727, %add3A_728 : i32
      %dma_start3A_730 = arith.constant 1 : i32
      %dma_start3A_731 = arith.constant 2 : i32
      %dma_start3A_732 = arith.constant 0 : i32
      %dma_start3A_733 = arith.constant 0 : i32
      %dma_start3A_734 = tpu.memref_slice %arg6[%dma_start3A_730, %dma_start3A_731, %dma_start3A_732, %dma_start3A_733] : memref<2x8x50x64xf32, #tpu.memory_space<vmem>> -> memref<1x1x50x64xf32, #tpu.memory_space<vmem>>
      %dma_start3A_735 = tpu.memref_squeeze %dma_start3A_734 : memref<1x1x50x64xf32, #tpu.memory_space<vmem>> -> memref<50x64xf32, #tpu.memory_space<vmem>>
      %dma_start3A_736 = arith.constant 0 : i32
      %dma_start3A_737 = arith.constant 0 : i32
      %dma_start3A_738 = tpu.memref_slice %arg4[%add3A_729, %dma_start3A_736, %dma_start3A_737] : memref<4096x56x128xf32, #tpu.memory_space<hbm>> -> memref<1x50x64xf32, #tpu.memory_space<hbm>>
      %dma_start3A_739 = tpu.memref_squeeze %dma_start3A_738 : memref<1x50x64xf32, #tpu.memory_space<hbm>> -> memref<50x64xf32, #tpu.memory_space<hbm>>
      %dma_start3A_740 = arith.constant 0 : i32
      %dma_start3A_741 = arith.constant 0 : i32
      %dma_start3A_742 = tpu.memref_slice %arg4[%add3A_729, %dma_start3A_740, %dma_start3A_741] : memref<4096x56x128xf32, #tpu.memory_space<hbm>> -> memref<1x50x64xf32, #tpu.memory_space<hbm>>
      %dma_start3A_743 = tpu.memref_squeeze %dma_start3A_742 : memref<1x50x64xf32, #tpu.memory_space<hbm>> -> memref<50x64xf32, #tpu.memory_space<hbm>>
      %dma_start3A_744 = arith.constant 0 : i32
      %dma_start3A_745 = arith.constant 0 : i32
      %dma_start3A_746 = tpu.memref_slice %arg6[%dma_start3A_730, %dma_start3A_731, %dma_start3A_744, %dma_start3A_745] : memref<2x8x50x64xf32, #tpu.memory_space<vmem>> -> memref<1x1x50x64xf32, #tpu.memory_space<vmem>>
      %dma_start3A_747 = tpu.memref_squeeze %dma_start3A_746 : memref<1x1x50x64xf32, #tpu.memory_space<vmem>> -> memref<50x64xf32, #tpu.memory_space<vmem>>
      tpu.enqueue_dma source(%dma_start3A_747 : memref<50x64xf32, #tpu.memory_space<vmem>>) target(%dma_start3A_743 : memref<50x64xf32, #tpu.memory_space<hbm>>) target_semaphore(%arg8 : memref<!tpu.dma_semaphore, #tpu.memory_space<semaphore_mem>>)
      %mul3A_748 = arith.constant 8 : i32
      %mul3A_749 = arith.muli %add3A_564, %mul3A_748 : i32
      %add3A_750 = arith.addi %mul3A_2, %mul3A_749 : i32
      %add3A_751 = arith.constant 3 : i32
      %add3A_752 = arith.addi %add3A_750, %add3A_751 : i32
      %dma_start3A_753 = arith.constant 1 : i32
      %dma_start3A_754 = arith.constant 3 : i32
      %dma_start3A_755 = arith.constant 0 : i32
      %dma_start3A_756 = arith.constant 0 : i32
      %dma_start3A_757 = tpu.memref_slice %arg6[%dma_start3A_753, %dma_start3A_754, %dma_start3A_755, %dma_start3A_756] : memref<2x8x50x64xf32, #tpu.memory_space<vmem>> -> memref<1x1x50x64xf32, #tpu.memory_space<vmem>>
      %dma_start3A_758 = tpu.memref_squeeze %dma_start3A_757 : memref<1x1x50x64xf32, #tpu.memory_space<vmem>> -> memref<50x64xf32, #tpu.memory_space<vmem>>
      %dma_start3A_759 = arith.constant 0 : i32
      %dma_start3A_760 = arith.constant 0 : i32
      %dma_start3A_761 = tpu.memref_slice %arg4[%add3A_752, %dma_start3A_759, %dma_start3A_760] : memref<4096x56x128xf32, #tpu.memory_space<hbm>> -> memref<1x50x64xf32, #tpu.memory_space<hbm>>
      %dma_start3A_762 = tpu.memref_squeeze %dma_start3A_761 : memref<1x50x64xf32, #tpu.memory_space<hbm>> -> memref<50x64xf32, #tpu.memory_space<hbm>>
      %dma_start3A_763 = arith.constant 0 : i32
      %dma_start3A_764 = arith.constant 0 : i32
      %dma_start3A_765 = tpu.memref_slice %arg4[%add3A_752, %dma_start3A_763, %dma_start3A_764] : memref<4096x56x128xf32, #tpu.memory_space<hbm>> -> memref<1x50x64xf32, #tpu.memory_space<hbm>>
      %dma_start3A_766 = tpu.memref_squeeze %dma_start3A_765 : memref<1x50x64xf32, #tpu.memory_space<hbm>> -> memref<50x64xf32, #tpu.memory_space<hbm>>
      %dma_start3A_767 = arith.constant 0 : i32
      %dma_start3A_768 = arith.constant 0 : i32
      %dma_start3A_769 = tpu.memref_slice %arg6[%dma_start3A_753, %dma_start3A_754, %dma_start3A_767, %dma_start3A_768] : memref<2x8x50x64xf32, #tpu.memory_space<vmem>> -> memref<1x1x50x64xf32, #tpu.memory_space<vmem>>
      %dma_start3A_770 = tpu.memref_squeeze %dma_start3A_769 : memref<1x1x50x64xf32, #tpu.memory_space<vmem>> -> memref<50x64xf32, #tpu.memory_space<vmem>>
      tpu.enqueue_dma source(%dma_start3A_770 : memref<50x64xf32, #tpu.memory_space<vmem>>) target(%dma_start3A_766 : memref<50x64xf32, #tpu.memory_space<hbm>>) target_semaphore(%arg8 : memref<!tpu.dma_semaphore, #tpu.memory_space<semaphore_mem>>)
      %mul3A_771 = arith.constant 8 : i32
      %mul3A_772 = arith.muli %add3A_564, %mul3A_771 : i32
      %add3A_773 = arith.addi %mul3A_2, %mul3A_772 : i32
      %add3A_774 = arith.constant 4 : i32
      %add3A_775 = arith.addi %add3A_773, %add3A_774 : i32
      %dma_start3A_776 = arith.constant 1 : i32
      %dma_start3A_777 = arith.constant 4 : i32
      %dma_start3A_778 = arith.constant 0 : i32
      %dma_start3A_779 = arith.constant 0 : i32
      %dma_start3A_780 = tpu.memref_slice %arg6[%dma_start3A_776, %dma_start3A_777, %dma_start3A_778, %dma_start3A_779] : memref<2x8x50x64xf32, #tpu.memory_space<vmem>> -> memref<1x1x50x64xf32, #tpu.memory_space<vmem>>
      %dma_start3A_781 = tpu.memref_squeeze %dma_start3A_780 : memref<1x1x50x64xf32, #tpu.memory_space<vmem>> -> memref<50x64xf32, #tpu.memory_space<vmem>>
      %dma_start3A_782 = arith.constant 0 : i32
      %dma_start3A_783 = arith.constant 0 : i32
      %dma_start3A_784 = tpu.memref_slice %arg4[%add3A_775, %dma_start3A_782, %dma_start3A_783] : memref<4096x56x128xf32, #tpu.memory_space<hbm>> -> memref<1x50x64xf32, #tpu.memory_space<hbm>>
      %dma_start3A_785 = tpu.memref_squeeze %dma_start3A_784 : memref<1x50x64xf32, #tpu.memory_space<hbm>> -> memref<50x64xf32, #tpu.memory_space<hbm>>
      %dma_start3A_786 = arith.constant 0 : i32
      %dma_start3A_787 = arith.constant 0 : i32
      %dma_start3A_788 = tpu.memref_slice %arg4[%add3A_775, %dma_start3A_786, %dma_start3A_787] : memref<4096x56x128xf32, #tpu.memory_space<hbm>> -> memref<1x50x64xf32, #tpu.memory_space<hbm>>
      %dma_start3A_789 = tpu.memref_squeeze %dma_start3A_788 : memref<1x50x64xf32, #tpu.memory_space<hbm>> -> memref<50x64xf32, #tpu.memory_space<hbm>>
      %dma_start3A_790 = arith.constant 0 : i32
      %dma_start3A_791 = arith.constant 0 : i32
      %dma_start3A_792 = tpu.memref_slice %arg6[%dma_start3A_776, %dma_start3A_777, %dma_start3A_790, %dma_start3A_791] : memref<2x8x50x64xf32, #tpu.memory_space<vmem>> -> memref<1x1x50x64xf32, #tpu.memory_space<vmem>>
      %dma_start3A_793 = tpu.memref_squeeze %dma_start3A_792 : memref<1x1x50x64xf32, #tpu.memory_space<vmem>> -> memref<50x64xf32, #tpu.memory_space<vmem>>
      tpu.enqueue_dma source(%dma_start3A_793 : memref<50x64xf32, #tpu.memory_space<vmem>>) target(%dma_start3A_789 : memref<50x64xf32, #tpu.memory_space<hbm>>) target_semaphore(%arg8 : memref<!tpu.dma_semaphore, #tpu.memory_space<semaphore_mem>>)
      %mul3A_794 = arith.constant 8 : i32
      %mul3A_795 = arith.muli %add3A_564, %mul3A_794 : i32
      %add3A_796 = arith.addi %mul3A_2, %mul3A_795 : i32
      %add3A_797 = arith.constant 5 : i32
      %add3A_798 = arith.addi %add3A_796, %add3A_797 : i32
      %dma_start3A_799 = arith.constant 1 : i32
      %dma_start3A_800 = arith.constant 5 : i32
      %dma_start3A_801 = arith.constant 0 : i32
      %dma_start3A_802 = arith.constant 0 : i32
      %dma_start3A_803 = tpu.memref_slice %arg6[%dma_start3A_799, %dma_start3A_800, %dma_start3A_801, %dma_start3A_802] : memref<2x8x50x64xf32, #tpu.memory_space<vmem>> -> memref<1x1x50x64xf32, #tpu.memory_space<vmem>>
      %dma_start3A_804 = tpu.memref_squeeze %dma_start3A_803 : memref<1x1x50x64xf32, #tpu.memory_space<vmem>> -> memref<50x64xf32, #tpu.memory_space<vmem>>
      %dma_start3A_805 = arith.constant 0 : i32
      %dma_start3A_806 = arith.constant 0 : i32
      %dma_start3A_807 = tpu.memref_slice %arg4[%add3A_798, %dma_start3A_805, %dma_start3A_806] : memref<4096x56x128xf32, #tpu.memory_space<hbm>> -> memref<1x50x64xf32, #tpu.memory_space<hbm>>
      %dma_start3A_808 = tpu.memref_squeeze %dma_start3A_807 : memref<1x50x64xf32, #tpu.memory_space<hbm>> -> memref<50x64xf32, #tpu.memory_space<hbm>>
      %dma_start3A_809 = arith.constant 0 : i32
      %dma_start3A_810 = arith.constant 0 : i32
      %dma_start3A_811 = tpu.memref_slice %arg4[%add3A_798, %dma_start3A_809, %dma_start3A_810] : memref<4096x56x128xf32, #tpu.memory_space<hbm>> -> memref<1x50x64xf32, #tpu.memory_space<hbm>>
      %dma_start3A_812 = tpu.memref_squeeze %dma_start3A_811 : memref<1x50x64xf32, #tpu.memory_space<hbm>> -> memref<50x64xf32, #tpu.memory_space<hbm>>
      %dma_start3A_813 = arith.constant 0 : i32
      %dma_start3A_814 = arith.constant 0 : i32
      %dma_start3A_815 = tpu.memref_slice %arg6[%dma_start3A_799, %dma_start3A_800, %dma_start3A_813, %dma_start3A_814] : memref<2x8x50x64xf32, #tpu.memory_space<vmem>> -> memref<1x1x50x64xf32, #tpu.memory_space<vmem>>
      %dma_start3A_816 = tpu.memref_squeeze %dma_start3A_815 : memref<1x1x50x64xf32, #tpu.memory_space<vmem>> -> memref<50x64xf32, #tpu.memory_space<vmem>>
      tpu.enqueue_dma source(%dma_start3A_816 : memref<50x64xf32, #tpu.memory_space<vmem>>) target(%dma_start3A_812 : memref<50x64xf32, #tpu.memory_space<hbm>>) target_semaphore(%arg8 : memref<!tpu.dma_semaphore, #tpu.memory_space<semaphore_mem>>)
      %mul3A_817 = arith.constant 8 : i32
      %mul3A_818 = arith.muli %add3A_564, %mul3A_817 : i32
      %add3A_819 = arith.addi %mul3A_2, %mul3A_818 : i32
      %add3A_820 = arith.constant 6 : i32
      %add3A_821 = arith.addi %add3A_819, %add3A_820 : i32
      %dma_start3A_822 = arith.constant 1 : i32
      %dma_start3A_823 = arith.constant 6 : i32
      %dma_start3A_824 = arith.constant 0 : i32
      %dma_start3A_825 = arith.constant 0 : i32
      %dma_start3A_826 = tpu.memref_slice %arg6[%dma_start3A_822, %dma_start3A_823, %dma_start3A_824, %dma_start3A_825] : memref<2x8x50x64xf32, #tpu.memory_space<vmem>> -> memref<1x1x50x64xf32, #tpu.memory_space<vmem>>
      %dma_start3A_827 = tpu.memref_squeeze %dma_start3A_826 : memref<1x1x50x64xf32, #tpu.memory_space<vmem>> -> memref<50x64xf32, #tpu.memory_space<vmem>>
      %dma_start3A_828 = arith.constant 0 : i32
      %dma_start3A_829 = arith.constant 0 : i32
      %dma_start3A_830 = tpu.memref_slice %arg4[%add3A_821, %dma_start3A_828, %dma_start3A_829] : memref<4096x56x128xf32, #tpu.memory_space<hbm>> -> memref<1x50x64xf32, #tpu.memory_space<hbm>>
      %dma_start3A_831 = tpu.memref_squeeze %dma_start3A_830 : memref<1x50x64xf32, #tpu.memory_space<hbm>> -> memref<50x64xf32, #tpu.memory_space<hbm>>
      %dma_start3A_832 = arith.constant 0 : i32
      %dma_start3A_833 = arith.constant 0 : i32
      %dma_start3A_834 = tpu.memref_slice %arg4[%add3A_821, %dma_start3A_832, %dma_start3A_833] : memref<4096x56x128xf32, #tpu.memory_space<hbm>> -> memref<1x50x64xf32, #tpu.memory_space<hbm>>
      %dma_start3A_835 = tpu.memref_squeeze %dma_start3A_834 : memref<1x50x64xf32, #tpu.memory_space<hbm>> -> memref<50x64xf32, #tpu.memory_space<hbm>>
      %dma_start3A_836 = arith.constant 0 : i32
      %dma_start3A_837 = arith.constant 0 : i32
      %dma_start3A_838 = tpu.memref_slice %arg6[%dma_start3A_822, %dma_start3A_823, %dma_start3A_836, %dma_start3A_837] : memref<2x8x50x64xf32, #tpu.memory_space<vmem>> -> memref<1x1x50x64xf32, #tpu.memory_space<vmem>>
      %dma_start3A_839 = tpu.memref_squeeze %dma_start3A_838 : memref<1x1x50x64xf32, #tpu.memory_space<vmem>> -> memref<50x64xf32, #tpu.memory_space<vmem>>
      tpu.enqueue_dma source(%dma_start3A_839 : memref<50x64xf32, #tpu.memory_space<vmem>>) target(%dma_start3A_835 : memref<50x64xf32, #tpu.memory_space<hbm>>) target_semaphore(%arg8 : memref<!tpu.dma_semaphore, #tpu.memory_space<semaphore_mem>>)
      %mul3A_840 = arith.constant 8 : i32
      %mul3A_841 = arith.muli %add3A_564, %mul3A_840 : i32
      %add3A_842 = arith.addi %mul3A_2, %mul3A_841 : i32
      %add3A_843 = arith.constant 7 : i32
      %add3A_844 = arith.addi %add3A_842, %add3A_843 : i32
      %dma_start3A_845 = arith.constant 1 : i32
      %dma_start3A_846 = arith.constant 7 : i32
      %dma_start3A_847 = arith.constant 0 : i32
      %dma_start3A_848 = arith.constant 0 : i32
      %dma_start3A_849 = tpu.memref_slice %arg6[%dma_start3A_845, %dma_start3A_846, %dma_start3A_847, %dma_start3A_848] : memref<2x8x50x64xf32, #tpu.memory_space<vmem>> -> memref<1x1x50x64xf32, #tpu.memory_space<vmem>>
      %dma_start3A_850 = tpu.memref_squeeze %dma_start3A_849 : memref<1x1x50x64xf32, #tpu.memory_space<vmem>> -> memref<50x64xf32, #tpu.memory_space<vmem>>
      %dma_start3A_851 = arith.constant 0 : i32
      %dma_start3A_852 = arith.constant 0 : i32
      %dma_start3A_853 = tpu.memref_slice %arg4[%add3A_844, %dma_start3A_851, %dma_start3A_852] : memref<4096x56x128xf32, #tpu.memory_space<hbm>> -> memref<1x50x64xf32, #tpu.memory_space<hbm>>
      %dma_start3A_854 = tpu.memref_squeeze %dma_start3A_853 : memref<1x50x64xf32, #tpu.memory_space<hbm>> -> memref<50x64xf32, #tpu.memory_space<hbm>>
      %dma_start3A_855 = arith.constant 0 : i32
      %dma_start3A_856 = arith.constant 0 : i32
      %dma_start3A_857 = tpu.memref_slice %arg4[%add3A_844, %dma_start3A_855, %dma_start3A_856] : memref<4096x56x128xf32, #tpu.memory_space<hbm>> -> memref<1x50x64xf32, #tpu.memory_space<hbm>>
      %dma_start3A_858 = tpu.memref_squeeze %dma_start3A_857 : memref<1x50x64xf32, #tpu.memory_space<hbm>> -> memref<50x64xf32, #tpu.memory_space<hbm>>
      %dma_start3A_859 = arith.constant 0 : i32
      %dma_start3A_860 = arith.constant 0 : i32
      %dma_start3A_861 = tpu.memref_slice %arg6[%dma_start3A_845, %dma_start3A_846, %dma_start3A_859, %dma_start3A_860] : memref<2x8x50x64xf32, #tpu.memory_space<vmem>> -> memref<1x1x50x64xf32, #tpu.memory_space<vmem>>
      %dma_start3A_862 = tpu.memref_squeeze %dma_start3A_861 : memref<1x1x50x64xf32, #tpu.memory_space<vmem>> -> memref<50x64xf32, #tpu.memory_space<vmem>>
      tpu.enqueue_dma source(%dma_start3A_862 : memref<50x64xf32, #tpu.memory_space<vmem>>) target(%dma_start3A_858 : memref<50x64xf32, #tpu.memory_space<hbm>>) target_semaphore(%arg8 : memref<!tpu.dma_semaphore, #tpu.memory_space<semaphore_mem>>)
    }
    %scan3A_110 = arith.constant 8 : i32
    %dma_wait3A = arith.constant 0 : i32
    %dma_wait3A_111 = arith.constant 0 : i32
    %dma_wait3A_112 = arith.constant 0 : i32
    %dma_wait3A_113 = arith.constant 0 : i32
    %dma_wait3A_114 = arith.constant 0 : i32
    %dma_wait3A_115 = tpu.memref_slice %arg6[%dma_wait3A, %dma_wait3A_111, %dma_wait3A_113, %dma_wait3A_114] : memref<2x8x50x64xf32, #tpu.memory_space<vmem>> -> memref<1x1x50x64xf32, #tpu.memory_space<vmem>>
    %dma_wait3A_116 = tpu.memref_squeeze %dma_wait3A_115 : memref<1x1x50x64xf32, #tpu.memory_space<vmem>> -> memref<50x64xf32, #tpu.memory_space<vmem>>
    %dma_wait3A_117 = arith.constant 0 : i32
    %dma_wait3A_118 = arith.constant 0 : i32
    %dma_wait3A_119 = tpu.memref_slice %arg4[%dma_wait3A_112, %dma_wait3A_117, %dma_wait3A_118] : memref<4096x56x128xf32, #tpu.memory_space<hbm>> -> memref<1x50x64xf32, #tpu.memory_space<hbm>>
    %dma_wait3A_120 = tpu.memref_squeeze %dma_wait3A_119 : memref<1x50x64xf32, #tpu.memory_space<hbm>> -> memref<50x64xf32, #tpu.memory_space<hbm>>
    %dma_wait3A_121 = arith.constant 0 : i32
    %dma_wait3A_122 = arith.constant 0 : i32
    %dma_wait3A_123 = tpu.memref_slice %arg4[%dma_wait3A_112, %dma_wait3A_121, %dma_wait3A_122] : memref<4096x56x128xf32, #tpu.memory_space<hbm>> -> memref<1x50x64xf32, #tpu.memory_space<hbm>>
    %dma_wait3A_124 = tpu.memref_squeeze %dma_wait3A_123 : memref<1x50x64xf32, #tpu.memory_space<hbm>> -> memref<50x64xf32, #tpu.memory_space<hbm>>
    %dma_wait3A_125 = arith.constant 0 : i32
    %dma_wait3A_126 = arith.constant 0 : i32
    %dma_wait3A_127 = tpu.memref_slice %arg6[%dma_wait3A, %dma_wait3A_111, %dma_wait3A_125, %dma_wait3A_126] : memref<2x8x50x64xf32, #tpu.memory_space<vmem>> -> memref<1x1x50x64xf32, #tpu.memory_space<vmem>>
    %dma_wait3A_128 = tpu.memref_squeeze %dma_wait3A_127 : memref<1x1x50x64xf32, #tpu.memory_space<vmem>> -> memref<50x64xf32, #tpu.memory_space<vmem>>
    tpu.wait_dma2 semaphore(%arg8 : memref<!tpu.dma_semaphore, #tpu.memory_space<semaphore_mem>>) src(%dma_wait3A_128 : memref<50x64xf32, #tpu.memory_space<vmem>>) dst(%dma_wait3A_124 : memref<50x64xf32, #tpu.memory_space<hbm>>)
    %dma_wait3A_129 = arith.constant 0 : i32
    %dma_wait3A_130 = arith.constant 0 : i32
    %dma_wait3A_131 = arith.constant 0 : i32
    %dma_wait3A_132 = arith.constant 0 : i32
    %dma_wait3A_133 = arith.constant 0 : i32
    %dma_wait3A_134 = tpu.memref_slice %arg6[%dma_wait3A_129, %dma_wait3A_130, %dma_wait3A_132, %dma_wait3A_133] : memref<2x8x50x64xf32, #tpu.memory_space<vmem>> -> memref<1x1x50x64xf32, #tpu.memory_space<vmem>>
    %dma_wait3A_135 = tpu.memref_squeeze %dma_wait3A_134 : memref<1x1x50x64xf32, #tpu.memory_space<vmem>> -> memref<50x64xf32, #tpu.memory_space<vmem>>
    %dma_wait3A_136 = arith.constant 0 : i32
    %dma_wait3A_137 = arith.constant 0 : i32
    %dma_wait3A_138 = tpu.memref_slice %arg4[%dma_wait3A_131, %dma_wait3A_136, %dma_wait3A_137] : memref<4096x56x128xf32, #tpu.memory_space<hbm>> -> memref<1x50x64xf32, #tpu.memory_space<hbm>>
    %dma_wait3A_139 = tpu.memref_squeeze %dma_wait3A_138 : memref<1x50x64xf32, #tpu.memory_space<hbm>> -> memref<50x64xf32, #tpu.memory_space<hbm>>
    %dma_wait3A_140 = arith.constant 0 : i32
    %dma_wait3A_141 = arith.constant 0 : i32
    %dma_wait3A_142 = tpu.memref_slice %arg4[%dma_wait3A_131, %dma_wait3A_140, %dma_wait3A_141] : memref<4096x56x128xf32, #tpu.memory_space<hbm>> -> memref<1x50x64xf32, #tpu.memory_space<hbm>>
    %dma_wait3A_143 = tpu.memref_squeeze %dma_wait3A_142 : memref<1x50x64xf32, #tpu.memory_space<hbm>> -> memref<50x64xf32, #tpu.memory_space<hbm>>
    %dma_wait3A_144 = arith.constant 0 : i32
    %dma_wait3A_145 = arith.constant 0 : i32
    %dma_wait3A_146 = tpu.memref_slice %arg6[%dma_wait3A_129, %dma_wait3A_130, %dma_wait3A_144, %dma_wait3A_145] : memref<2x8x50x64xf32, #tpu.memory_space<vmem>> -> memref<1x1x50x64xf32, #tpu.memory_space<vmem>>
    %dma_wait3A_147 = tpu.memref_squeeze %dma_wait3A_146 : memref<1x1x50x64xf32, #tpu.memory_space<vmem>> -> memref<50x64xf32, #tpu.memory_space<vmem>>
    tpu.wait_dma2 semaphore(%arg8 : memref<!tpu.dma_semaphore, #tpu.memory_space<semaphore_mem>>) src(%dma_wait3A_147 : memref<50x64xf32, #tpu.memory_space<vmem>>) dst(%dma_wait3A_143 : memref<50x64xf32, #tpu.memory_space<hbm>>)
    %dma_wait3A_148 = arith.constant 0 : i32
    %dma_wait3A_149 = arith.constant 0 : i32
    %dma_wait3A_150 = arith.constant 0 : i32
    %dma_wait3A_151 = arith.constant 0 : i32
    %dma_wait3A_152 = arith.constant 0 : i32
    %dma_wait3A_153 = tpu.memref_slice %arg6[%dma_wait3A_148, %dma_wait3A_149, %dma_wait3A_151, %dma_wait3A_152] : memref<2x8x50x64xf32, #tpu.memory_space<vmem>> -> memref<1x1x50x64xf32, #tpu.memory_space<vmem>>
    %dma_wait3A_154 = tpu.memref_squeeze %dma_wait3A_153 : memref<1x1x50x64xf32, #tpu.memory_space<vmem>> -> memref<50x64xf32, #tpu.memory_space<vmem>>
    %dma_wait3A_155 = arith.constant 0 : i32
    %dma_wait3A_156 = arith.constant 0 : i32
    %dma_wait3A_157 = tpu.memref_slice %arg4[%dma_wait3A_150, %dma_wait3A_155, %dma_wait3A_156] : memref<4096x56x128xf32, #tpu.memory_space<hbm>> -> memref<1x50x64xf32, #tpu.memory_space<hbm>>
    %dma_wait3A_158 = tpu.memref_squeeze %dma_wait3A_157 : memref<1x50x64xf32, #tpu.memory_space<hbm>> -> memref<50x64xf32, #tpu.memory_space<hbm>>
    %dma_wait3A_159 = arith.constant 0 : i32
    %dma_wait3A_160 = arith.constant 0 : i32
    %dma_wait3A_161 = tpu.memref_slice %arg4[%dma_wait3A_150, %dma_wait3A_159, %dma_wait3A_160] : memref<4096x56x128xf32, #tpu.memory_space<hbm>> -> memref<1x50x64xf32, #tpu.memory_space<hbm>>
    %dma_wait3A_162 = tpu.memref_squeeze %dma_wait3A_161 : memref<1x50x64xf32, #tpu.memory_space<hbm>> -> memref<50x64xf32, #tpu.memory_space<hbm>>
    %dma_wait3A_163 = arith.constant 0 : i32
    %dma_wait3A_164 = arith.constant 0 : i32
    %dma_wait3A_165 = tpu.memref_slice %arg6[%dma_wait3A_148, %dma_wait3A_149, %dma_wait3A_163, %dma_wait3A_164] : memref<2x8x50x64xf32, #tpu.memory_space<vmem>> -> memref<1x1x50x64xf32, #tpu.memory_space<vmem>>
    %dma_wait3A_166 = tpu.memref_squeeze %dma_wait3A_165 : memref<1x1x50x64xf32, #tpu.memory_space<vmem>> -> memref<50x64xf32, #tpu.memory_space<vmem>>
    tpu.wait_dma2 semaphore(%arg8 : memref<!tpu.dma_semaphore, #tpu.memory_space<semaphore_mem>>) src(%dma_wait3A_166 : memref<50x64xf32, #tpu.memory_space<vmem>>) dst(%dma_wait3A_162 : memref<50x64xf32, #tpu.memory_space<hbm>>)
    %dma_wait3A_167 = arith.constant 0 : i32
    %dma_wait3A_168 = arith.constant 0 : i32
    %dma_wait3A_169 = arith.constant 0 : i32
    %dma_wait3A_170 = arith.constant 0 : i32
    %dma_wait3A_171 = arith.constant 0 : i32
    %dma_wait3A_172 = tpu.memref_slice %arg6[%dma_wait3A_167, %dma_wait3A_168, %dma_wait3A_170, %dma_wait3A_171] : memref<2x8x50x64xf32, #tpu.memory_space<vmem>> -> memref<1x1x50x64xf32, #tpu.memory_space<vmem>>
    %dma_wait3A_173 = tpu.memref_squeeze %dma_wait3A_172 : memref<1x1x50x64xf32, #tpu.memory_space<vmem>> -> memref<50x64xf32, #tpu.memory_space<vmem>>
    %dma_wait3A_174 = arith.constant 0 : i32
    %dma_wait3A_175 = arith.constant 0 : i32
    %dma_wait3A_176 = tpu.memref_slice %arg4[%dma_wait3A_169, %dma_wait3A_174, %dma_wait3A_175] : memref<4096x56x128xf32, #tpu.memory_space<hbm>> -> memref<1x50x64xf32, #tpu.memory_space<hbm>>
    %dma_wait3A_177 = tpu.memref_squeeze %dma_wait3A_176 : memref<1x50x64xf32, #tpu.memory_space<hbm>> -> memref<50x64xf32, #tpu.memory_space<hbm>>
    %dma_wait3A_178 = arith.constant 0 : i32
    %dma_wait3A_179 = arith.constant 0 : i32
    %dma_wait3A_180 = tpu.memref_slice %arg4[%dma_wait3A_169, %dma_wait3A_178, %dma_wait3A_179] : memref<4096x56x128xf32, #tpu.memory_space<hbm>> -> memref<1x50x64xf32, #tpu.memory_space<hbm>>
    %dma_wait3A_181 = tpu.memref_squeeze %dma_wait3A_180 : memref<1x50x64xf32, #tpu.memory_space<hbm>> -> memref<50x64xf32, #tpu.memory_space<hbm>>
    %dma_wait3A_182 = arith.constant 0 : i32
    %dma_wait3A_183 = arith.constant 0 : i32
    %dma_wait3A_184 = tpu.memref_slice %arg6[%dma_wait3A_167, %dma_wait3A_168, %dma_wait3A_182, %dma_wait3A_183] : memref<2x8x50x64xf32, #tpu.memory_space<vmem>> -> memref<1x1x50x64xf32, #tpu.memory_space<vmem>>
    %dma_wait3A_185 = tpu.memref_squeeze %dma_wait3A_184 : memref<1x1x50x64xf32, #tpu.memory_space<vmem>> -> memref<50x64xf32, #tpu.memory_space<vmem>>
    tpu.wait_dma2 semaphore(%arg8 : memref<!tpu.dma_semaphore, #tpu.memory_space<semaphore_mem>>) src(%dma_wait3A_185 : memref<50x64xf32, #tpu.memory_space<vmem>>) dst(%dma_wait3A_181 : memref<50x64xf32, #tpu.memory_space<hbm>>)
    %dma_wait3A_186 = arith.constant 0 : i32
    %dma_wait3A_187 = arith.constant 0 : i32
    %dma_wait3A_188 = arith.constant 0 : i32
    %dma_wait3A_189 = arith.constant 0 : i32
    %dma_wait3A_190 = arith.constant 0 : i32
    %dma_wait3A_191 = tpu.memref_slice %arg6[%dma_wait3A_186, %dma_wait3A_187, %dma_wait3A_189, %dma_wait3A_190] : memref<2x8x50x64xf32, #tpu.memory_space<vmem>> -> memref<1x1x50x64xf32, #tpu.memory_space<vmem>>
    %dma_wait3A_192 = tpu.memref_squeeze %dma_wait3A_191 : memref<1x1x50x64xf32, #tpu.memory_space<vmem>> -> memref<50x64xf32, #tpu.memory_space<vmem>>
    %dma_wait3A_193 = arith.constant 0 : i32
    %dma_wait3A_194 = arith.constant 0 : i32
    %dma_wait3A_195 = tpu.memref_slice %arg4[%dma_wait3A_188, %dma_wait3A_193, %dma_wait3A_194] : memref<4096x56x128xf32, #tpu.memory_space<hbm>> -> memref<1x50x64xf32, #tpu.memory_space<hbm>>
    %dma_wait3A_196 = tpu.memref_squeeze %dma_wait3A_195 : memref<1x50x64xf32, #tpu.memory_space<hbm>> -> memref<50x64xf32, #tpu.memory_space<hbm>>
    %dma_wait3A_197 = arith.constant 0 : i32
    %dma_wait3A_198 = arith.constant 0 : i32
    %dma_wait3A_199 = tpu.memref_slice %arg4[%dma_wait3A_188, %dma_wait3A_197, %dma_wait3A_198] : memref<4096x56x128xf32, #tpu.memory_space<hbm>> -> memref<1x50x64xf32, #tpu.memory_space<hbm>>
    %dma_wait3A_200 = tpu.memref_squeeze %dma_wait3A_199 : memref<1x50x64xf32, #tpu.memory_space<hbm>> -> memref<50x64xf32, #tpu.memory_space<hbm>>
    %dma_wait3A_201 = arith.constant 0 : i32
    %dma_wait3A_202 = arith.constant 0 : i32
    %dma_wait3A_203 = tpu.memref_slice %arg6[%dma_wait3A_186, %dma_wait3A_187, %dma_wait3A_201, %dma_wait3A_202] : memref<2x8x50x64xf32, #tpu.memory_space<vmem>> -> memref<1x1x50x64xf32, #tpu.memory_space<vmem>>
    %dma_wait3A_204 = tpu.memref_squeeze %dma_wait3A_203 : memref<1x1x50x64xf32, #tpu.memory_space<vmem>> -> memref<50x64xf32, #tpu.memory_space<vmem>>
    tpu.wait_dma2 semaphore(%arg8 : memref<!tpu.dma_semaphore, #tpu.memory_space<semaphore_mem>>) src(%dma_wait3A_204 : memref<50x64xf32, #tpu.memory_space<vmem>>) dst(%dma_wait3A_200 : memref<50x64xf32, #tpu.memory_space<hbm>>)
    %dma_wait3A_205 = arith.constant 0 : i32
    %dma_wait3A_206 = arith.constant 0 : i32
    %dma_wait3A_207 = arith.constant 0 : i32
    %dma_wait3A_208 = arith.constant 0 : i32
    %dma_wait3A_209 = arith.constant 0 : i32
    %dma_wait3A_210 = tpu.memref_slice %arg6[%dma_wait3A_205, %dma_wait3A_206, %dma_wait3A_208, %dma_wait3A_209] : memref<2x8x50x64xf32, #tpu.memory_space<vmem>> -> memref<1x1x50x64xf32, #tpu.memory_space<vmem>>
    %dma_wait3A_211 = tpu.memref_squeeze %dma_wait3A_210 : memref<1x1x50x64xf32, #tpu.memory_space<vmem>> -> memref<50x64xf32, #tpu.memory_space<vmem>>
    %dma_wait3A_212 = arith.constant 0 : i32
    %dma_wait3A_213 = arith.constant 0 : i32
    %dma_wait3A_214 = tpu.memref_slice %arg4[%dma_wait3A_207, %dma_wait3A_212, %dma_wait3A_213] : memref<4096x56x128xf32, #tpu.memory_space<hbm>> -> memref<1x50x64xf32, #tpu.memory_space<hbm>>
    %dma_wait3A_215 = tpu.memref_squeeze %dma_wait3A_214 : memref<1x50x64xf32, #tpu.memory_space<hbm>> -> memref<50x64xf32, #tpu.memory_space<hbm>>
    %dma_wait3A_216 = arith.constant 0 : i32
    %dma_wait3A_217 = arith.constant 0 : i32
    %dma_wait3A_218 = tpu.memref_slice %arg4[%dma_wait3A_207, %dma_wait3A_216, %dma_wait3A_217] : memref<4096x56x128xf32, #tpu.memory_space<hbm>> -> memref<1x50x64xf32, #tpu.memory_space<hbm>>
    %dma_wait3A_219 = tpu.memref_squeeze %dma_wait3A_218 : memref<1x50x64xf32, #tpu.memory_space<hbm>> -> memref<50x64xf32, #tpu.memory_space<hbm>>
    %dma_wait3A_220 = arith.constant 0 : i32
    %dma_wait3A_221 = arith.constant 0 : i32
    %dma_wait3A_222 = tpu.memref_slice %arg6[%dma_wait3A_205, %dma_wait3A_206, %dma_wait3A_220, %dma_wait3A_221] : memref<2x8x50x64xf32, #tpu.memory_space<vmem>> -> memref<1x1x50x64xf32, #tpu.memory_space<vmem>>
    %dma_wait3A_223 = tpu.memref_squeeze %dma_wait3A_222 : memref<1x1x50x64xf32, #tpu.memory_space<vmem>> -> memref<50x64xf32, #tpu.memory_space<vmem>>
    tpu.wait_dma2 semaphore(%arg8 : memref<!tpu.dma_semaphore, #tpu.memory_space<semaphore_mem>>) src(%dma_wait3A_223 : memref<50x64xf32, #tpu.memory_space<vmem>>) dst(%dma_wait3A_219 : memref<50x64xf32, #tpu.memory_space<hbm>>)
    %dma_wait3A_224 = arith.constant 0 : i32
    %dma_wait3A_225 = arith.constant 0 : i32
    %dma_wait3A_226 = arith.constant 0 : i32
    %dma_wait3A_227 = arith.constant 0 : i32
    %dma_wait3A_228 = arith.constant 0 : i32
    %dma_wait3A_229 = tpu.memref_slice %arg6[%dma_wait3A_224, %dma_wait3A_225, %dma_wait3A_227, %dma_wait3A_228] : memref<2x8x50x64xf32, #tpu.memory_space<vmem>> -> memref<1x1x50x64xf32, #tpu.memory_space<vmem>>
    %dma_wait3A_230 = tpu.memref_squeeze %dma_wait3A_229 : memref<1x1x50x64xf32, #tpu.memory_space<vmem>> -> memref<50x64xf32, #tpu.memory_space<vmem>>
    %dma_wait3A_231 = arith.constant 0 : i32
    %dma_wait3A_232 = arith.constant 0 : i32
    %dma_wait3A_233 = tpu.memref_slice %arg4[%dma_wait3A_226, %dma_wait3A_231, %dma_wait3A_232] : memref<4096x56x128xf32, #tpu.memory_space<hbm>> -> memref<1x50x64xf32, #tpu.memory_space<hbm>>
    %dma_wait3A_234 = tpu.memref_squeeze %dma_wait3A_233 : memref<1x50x64xf32, #tpu.memory_space<hbm>> -> memref<50x64xf32, #tpu.memory_space<hbm>>
    %dma_wait3A_235 = arith.constant 0 : i32
    %dma_wait3A_236 = arith.constant 0 : i32
    %dma_wait3A_237 = tpu.memref_slice %arg4[%dma_wait3A_226, %dma_wait3A_235, %dma_wait3A_236] : memref<4096x56x128xf32, #tpu.memory_space<hbm>> -> memref<1x50x64xf32, #tpu.memory_space<hbm>>
    %dma_wait3A_238 = tpu.memref_squeeze %dma_wait3A_237 : memref<1x50x64xf32, #tpu.memory_space<hbm>> -> memref<50x64xf32, #tpu.memory_space<hbm>>
    %dma_wait3A_239 = arith.constant 0 : i32
    %dma_wait3A_240 = arith.constant 0 : i32
    %dma_wait3A_241 = tpu.memref_slice %arg6[%dma_wait3A_224, %dma_wait3A_225, %dma_wait3A_239, %dma_wait3A_240] : memref<2x8x50x64xf32, #tpu.memory_space<vmem>> -> memref<1x1x50x64xf32, #tpu.memory_space<vmem>>
    %dma_wait3A_242 = tpu.memref_squeeze %dma_wait3A_241 : memref<1x1x50x64xf32, #tpu.memory_space<vmem>> -> memref<50x64xf32, #tpu.memory_space<vmem>>
    tpu.wait_dma2 semaphore(%arg8 : memref<!tpu.dma_semaphore, #tpu.memory_space<semaphore_mem>>) src(%dma_wait3A_242 : memref<50x64xf32, #tpu.memory_space<vmem>>) dst(%dma_wait3A_238 : memref<50x64xf32, #tpu.memory_space<hbm>>)
    %dma_wait3A_243 = arith.constant 0 : i32
    %dma_wait3A_244 = arith.constant 0 : i32
    %dma_wait3A_245 = arith.constant 0 : i32
    %dma_wait3A_246 = arith.constant 0 : i32
    %dma_wait3A_247 = arith.constant 0 : i32
    %dma_wait3A_248 = tpu.memref_slice %arg6[%dma_wait3A_243, %dma_wait3A_244, %dma_wait3A_246, %dma_wait3A_247] : memref<2x8x50x64xf32, #tpu.memory_space<vmem>> -> memref<1x1x50x64xf32, #tpu.memory_space<vmem>>
    %dma_wait3A_249 = tpu.memref_squeeze %dma_wait3A_248 : memref<1x1x50x64xf32, #tpu.memory_space<vmem>> -> memref<50x64xf32, #tpu.memory_space<vmem>>
    %dma_wait3A_250 = arith.constant 0 : i32
    %dma_wait3A_251 = arith.constant 0 : i32
    %dma_wait3A_252 = tpu.memref_slice %arg4[%dma_wait3A_245, %dma_wait3A_250, %dma_wait3A_251] : memref<4096x56x128xf32, #tpu.memory_space<hbm>> -> memref<1x50x64xf32, #tpu.memory_space<hbm>>
    %dma_wait3A_253 = tpu.memref_squeeze %dma_wait3A_252 : memref<1x50x64xf32, #tpu.memory_space<hbm>> -> memref<50x64xf32, #tpu.memory_space<hbm>>
    %dma_wait3A_254 = arith.constant 0 : i32
    %dma_wait3A_255 = arith.constant 0 : i32
    %dma_wait3A_256 = tpu.memref_slice %arg4[%dma_wait3A_245, %dma_wait3A_254, %dma_wait3A_255] : memref<4096x56x128xf32, #tpu.memory_space<hbm>> -> memref<1x50x64xf32, #tpu.memory_space<hbm>>
    %dma_wait3A_257 = tpu.memref_squeeze %dma_wait3A_256 : memref<1x50x64xf32, #tpu.memory_space<hbm>> -> memref<50x64xf32, #tpu.memory_space<hbm>>
    %dma_wait3A_258 = arith.constant 0 : i32
    %dma_wait3A_259 = arith.constant 0 : i32
    %dma_wait3A_260 = tpu.memref_slice %arg6[%dma_wait3A_243, %dma_wait3A_244, %dma_wait3A_258, %dma_wait3A_259] : memref<2x8x50x64xf32, #tpu.memory_space<vmem>> -> memref<1x1x50x64xf32, #tpu.memory_space<vmem>>
    %dma_wait3A_261 = tpu.memref_squeeze %dma_wait3A_260 : memref<1x1x50x64xf32, #tpu.memory_space<vmem>> -> memref<50x64xf32, #tpu.memory_space<vmem>>
    tpu.wait_dma2 semaphore(%arg8 : memref<!tpu.dma_semaphore, #tpu.memory_space<semaphore_mem>>) src(%dma_wait3A_261 : memref<50x64xf32, #tpu.memory_space<vmem>>) dst(%dma_wait3A_257 : memref<50x64xf32, #tpu.memory_space<hbm>>)
    return
  }
}

</mosaic_0001>

<sc_bundles>
// kernel: _poi_gather.3.cloned.1.call-start
scs
__scs_entry_jumppad:
0x0: {  	(pc) =	sbr.rel $0x88, $3  }
0x1: {  	(tag) =	ssettag $0x0;
	lr =	simm.s32 $0x1  }
0x2: {  	[smem:$0x3F9F] =	sst lr;
	_ =	strace $0xD0000000  }
0x3: {  	_ = 	snop  }
0x4: {  	_ = 	snop  }
0x5: {  	_ = 	snop  }
0x6: {  	_ = 	snop  }
0x7: {  	_ = 	snop  }
__scs_overlays_trampoline_lowered:
0x8: {  	[smem:$0x3FAE] =	sst s0  }
0x9: {  	[smem:$0x3FAF] =	sst s1  }
0xa: {  	[smem:$0x3FB0] =	sst s2  }
0xb: {  	[smem:$0x3FB1] =	sst s3  }
0xc: {  	[smem:$0x3FB2] =	sst s4  }
0xd: {  	[smem:$0x3FB3] =	sst s5  }
0xe: {  	[smem:$0x3FB4] =	sst s6  }
0xf: {  	[smem:$0x3FB5] =	sst s7  }
0x10: {  	[smem:$0x3FB6] =	sst s8  }
0x11: {  	[smem:$0x3FB7] =	sst s9;
	s0 =	simm.s32 @!p0 $0x0  }
0x12: {  	s1 =	sld [smem:$0x3F9D];
	s0 =	simm.s32 @p0 $0x1  }
0x13: {  	[smem:$0x3FB8] =	sst s0;
	s0 =	simm.s32 @!p1 $0x0  }
0x14: {  	s2 =	sld [smem:$0x3F9C];
	s0 =	simm.s32 @p1 $0x1  }
0x15: {  	[smem:$0x3FB9] =	sst s0;
	s0 =	simm.s32 @!p2 $0x0  }
0x16: {  	s3 =	sld [smem:$0x3FDB];
	s0 =	simm.s32 @p2 $0x1  }
0x17: {  	s4 =	simm.s32 $0x1BF5;
	[smem:$0x3FBB] =	sst s0  }
0x18: {  	s0 =	sld [smem:$0x3F9E];
	_ =	swait.ge [sflag:s4], $0x0  }
0x19: {  	s7 =	sld [smem:$0x3F9F]  }
0x1a: {  	s8 =	sadd.s32 $0xFFFFE003, lr  }
0x1b: {  	s9 =	sadd.s32 $0xFFFFFEF7, lr;
	s5 =	simm.s32 $0xFFFFFFFF;
	p2 =	slt.u32 s8, $0xFFFFF086  }
0x1c: {  	p1 =	slt.u32 s9, $0xF7A;
	s5 =	simm.s32 @!p2 $0x0  }
0x1d: {  	s5 =	simm.s32 @p1 $0x1;
	p0 =	seq.s32 s7, s2  }
0x1e: {  	s7 =	smul.u32 @!p0 $0xF7A, s2;
	p2 =	seq.s32 @!p0 s5, $0x0  }
0x1f: {  	s9 =	smul.u32 $0xF7A, s1;
	s8 =	simm.s32 @!p0 $0x1BF5;
	p2 =	por !p2, p0  }
0x20: {  	[sflag:s8] =	ssyncset.s32 @!p0 $0xFFFFF086;
	s6 =	sadd.s32 @!p0 s3, s7;
	s7 =	simm.s32 @!p0 $0x108  }
0x21: {  	s3 =	sadd.s32 s3, s9;
	s6 =	sadd.s32 @!p0 $0x88, s6;
	s7 =	simm.s32 @p2 $0x1082  }
0x22: {  	[simem:s7], [sflag:s8] =	dma.local @!p0 [hbm:s6], $0xF7A  }
0x23: {  	s9 =	sor.u32 $0xD0000000, s2;
	s6 =	simm.s32 $0x108;
	_ =	swait.ge @!p0 [sflag:s8], $0x0  }
0x24: {  	s3 =	sadd.s32 $0x88, s3;
	s6 =	simm.s32 @!p1 $0x1082;
	[sflag:s4] =	ssyncset.s32 $0xFFFFF086  }
0x25: {  	[simem:s6], [sflag:s4] =	dma.local [hbm:s3], $0xF7A  }
0x26: {  	[smem:$0x3F9F] =	sst s1;
	(tag) =	ssettag s2;
	_ =	strace s9  }
0x27: {  	s1 =	sld [smem:$0x3FAF]  }
0x28: {  	s2 =	sld [smem:$0x3FB0]  }
0x29: {  	s4 =	sld [smem:$0x3FB2]  }
0x2a: {  	p0 =	seq.s32 s5, $0x0;
	s5 =	sld [smem:$0x3FB3]  }
0x2b: {  	s6 =	sld [smem:$0x3FB4]  }
0x2c: {  	s7 =	sld [smem:$0x3FB5]  }
0x2d: {  	s3 =	simm.s32 $0x108;
	s8 =	sld [smem:$0x3FB6]  }
0x2e: {  	s3 =	simm.s32 @!p0 $0x1082;
	s9 =	sld [smem:$0x3FB7]  }
0x2f: {  	lr =	sadd.s32 s0, s3;
	s0 =	sld [smem:$0x3FAE]  }
0x30: {  	s3 =	sld [smem:$0x3FB1]  }
0x31: {  	[smem:$0x3FBA] =	sst s10  }
0x32: {  	s10 =	sld [smem:$0x3FB8];
	_ =	sdelay $0x3  }
0x33: {  	p0 =	seq.s32 s10, $0x1;
	s10 =	sld [smem:$0x3FBA];
	_ =	sdelay $0x3  }
0x34: {  	[smem:$0x3FBA] =	sst s10  }
0x35: {  	s10 =	sld [smem:$0x3FB9];
	_ =	sdelay $0x3  }
0x36: {  	p1 =	seq.s32 s10, $0x1;
	s10 =	sld [smem:$0x3FBA];
	_ =	sdelay $0x3  }
0x37: {  	[smem:$0x3FBA] =	sst s10  }
0x38: {  	s10 =	sld [smem:$0x3FBB]  }
0x39: {  	_ = 	snop;
	(pc) =	sbr.ind lr, $3  }
0x3a: {  	_ = 	snop  }
0x3b: {  	_ = 	snop  }
0x3c: {  	p2 =	seq.s32 s10, $0x1;
	s10 =	sld [smem:$0x3FBA]  }
0x3d: {  	_ =	shalt  }
0x3e: {  	_ =	shalt  }
0x3f: {  	_ =	shalt  }
0x40: {  	_ =	shalt  }
0x41: {  	_ =	shalt  }
0x42: {  	_ =	shalt  }
0x43: {  	_ =	shalt  }
0x44: {  	_ =	shalt  }
0x45: {  	_ =	shalt  }
0x46: {  	_ =	shalt  }
0x47: {  	_ =	shalt  }
0x48: {  	_ =	shalt  }
0x49: {  	_ =	shalt  }
0x4a: {  	_ =	shalt  }
0x4b: {  	_ =	shalt  }
0x4c: {  	_ =	shalt  }
0x4d: {  	_ =	shalt  }
0x4e: {  	_ =	shalt  }
0x4f: {  	_ =	shalt  }
0x50: {  	_ =	shalt  }
0x51: {  	_ =	shalt  }
0x52: {  	_ =	shalt  }
0x53: {  	_ =	shalt  }
0x54: {  	_ =	shalt  }
0x55: {  	_ =	shalt  }
0x56: {  	_ =	shalt  }
0x57: {  	_ =	shalt  }
0x58: {  	_ =	shalt  }
0x59: {  	_ =	shalt  }
0x5a: {  	_ =	shalt  }
0x5b: {  	_ =	shalt  }
0x5c: {  	_ =	shalt  }
0x5d: {  	_ =	shalt  }
0x5e: {  	_ =	shalt  }
0x5f: {  	_ =	shalt  }
0x60: {  	_ =	shalt  }
0x61: {  	_ =	shalt  }
0x62: {  	_ =	shalt  }
0x63: {  	_ =	shalt  }
0x64: {  	_ =	shalt  }
0x65: {  	_ =	shalt  }
0x66: {  	_ =	shalt  }
0x67: {  	_ =	shalt  }
0x68: {  	_ =	shalt  }
0x69: {  	_ =	shalt  }
0x6a: {  	_ =	shalt  }
0x6b: {  	_ =	shalt  }
0x6c: {  	_ =	shalt  }
0x6d: {  	_ =	shalt  }
0x6e: {  	_ =	shalt  }
0x6f: {  	_ =	shalt  }
0x70: {  	_ =	shalt  }
0x71: {  	_ =	shalt  }
0x72: {  	_ =	shalt  }
0x73: {  	_ =	shalt  }
0x74: {  	_ =	shalt  }
0x75: {  	_ =	shalt  }
0x76: {  	_ =	shalt  }
0x77: {  	_ =	shalt  }
0x78: {  	_ =	shalt  }
0x79: {  	_ =	shalt  }
0x7a: {  	_ =	shalt  }
0x7b: {  	_ =	shalt  }
0x7c: {  	_ =	shalt  }
0x7d: {  	_ =	shalt  }
0x7e: {  	_ =	shalt  }
0x7f: {  	_ =	shalt  }
0x80: {  	_ =	shalt  }
0x81: {  	_ =	shalt  }
0x82: {  	_ =	shalt  }
0x83: {  	_ =	shalt  }
0x84: {  	_ =	shalt  }
0x85: {  	_ =	shalt  }
0x86: {  	_ =	shalt  }
0x87: {  	_ =	shalt  }
.Lfunc_end0:
.L_simem_size_0:
called_computation_lowered:
.L_overlay_start_0:
0x88: {  	s2 =	sld [smem:$0x3FD9]  }
0x89: {  	s3 =	sld [smem:$0x3FFE];
	_ =	sdelay $0x1  }
0x8a: {  	s1 =	srdreg.scid  }
0x8b: {  	s0 =	sand.u32 $0x1, s1  }
0x8c: {  	s17 =	sshll.u32 s0, $0xA;
	s2 =	sadd.s32 s3, s2  }
0x8d: {  	s2 =	sadd.s32 s2, s17  }
0x8e: {  	[smem:$0x3FC6] =	sst s2  }
0x8f: {  	_ = 	snop  }
0x90: {  	s2 =	sld [smem:$0x3FD0];
	(tm) =	ssettm $0x1  }
0x91: {  	s18 =	sld [smem:$0x3FFB];
	_ =	sdelay $0x3  }
0x92: {  	_ =	strace s18  }
0x93: {  	s3 =	sld [smem:$0x3FFC];
	_ =	sdelay $0x3  }
0x94: {  	_ =	strace s3  }
0x95: {  	s3 =	sld [smem:$0x3FFD];
	_ =	sdelay $0x3  }
0x96: {  	_ =	strace s3  }
0x97: {  	_ =	strace $0x8FFFFFFF  }
0x98: {  	s19 =	sld [smem:$0x3FDB];
	_ =	sdelay $0x1  }
0x99: {  	s4 =	simm.s32 $_scs_section_size  }
0x9a: {  	s5 =	simm.s32 $_size__tile_overlayer_lowered;
	s6 =	simm.s32 $_tile_overlayer_lowered  }
0x9b: {  	s22 =	simm.s32 $0x1BFF;
	s21 =	sshll.u32 s6, $0x1;
	s3 =	sadd.s32 s4, s19  }
0x9c: {  	s7 =	simm.s32 $0x0;
	s20 =	sshll.u32 s5, $0x1;
	s5 =	sadd.s32 s21, s3  }
0x9d: {  	[timem:s7], [sflag:s22] =	dma.local [hbm:s5], s20  }
0x9e: {  	_ =	swait.ge [sflag:s22], s20  }
0x9f: {  	s4 =	ssub.s32 $0x0, s20;
	[sflag:s22] =	ssyncset.done $0x0  }
0xa0: {  	[sflag:s22] =	ssyncadd.s32 s4;
	_ =	sdelay $0x1  }
0xa1: {  	s23 =	simm.s32 $0x1B8B  }
0xa2: {  	_ =	swait.ge [sflag:s23], $0x1  }
0xa3: {  	[sflag:s23] =	ssyncset.done $0x0  }
0xa4: {  	s25 =	simm.s32 $0x1B8E;
	s24 =	sld [smem:$0x3FFE];
	[sflag:s23] =	ssyncadd.s32 $0xFFFFFFFF  }
0xa5: {  	s26 =	simm.s32 $execute0_lowered;
	[smem:$0x3FD2] =	sst s25  }
0xa6: {  	s5 =	sshll.u32 s26, $0x1;
	_ =	strace $0x80000046;
	[dreg:$0x1] =	wrdreg $0xFFFFFFFF  }
0xa7: {  	s28 =	simm.s32 $_size_execute0_lowered;
	s3 =	sadd.s32 s3, s5;
	[dreg:$0x0] =	wrdreg $0x0  }
0xa8: {  	s5 =	sshll.u32 s28, $0x1;
	[dreg:$0x2] =	wrdreg s3  }
0xa9: {  	[dreg:$0x3] =	wrdreg s5  }
0xaa: {  	[dreg:$0x4] =	wrdreg $0xC0  }
0xab: {  	_ =	task [dreg:s7], $0x5FFFF  }
0xac: {  	[dreg:$0x1] =	wrdreg $0xFFFFFFFF  }
0xad: {  	[dreg:$0x0] =	wrdreg $0x60  }
0xae: {  	[dreg:$0x2] =	wrdreg s24  }
0xaf: {  	[dreg:$0x3] =	wrdreg s2  }
0xb0: {  	[dreg:$0x4] =	wrdreg $0x9  }
0xb1: {  	_ =	task.clear_ibuf [dreg:s7], $0x5FFFF;
	_ =	strace $0x90000046  }
0xb2: {  	s29 =	simm.s32 $0x9;
	_ =	strace $0x80000048  }
0xb3: {  	_ =	swait.ge [sflag:s29], $0x1  }
0xb4: {  	[sflag:s29] =	ssyncadd.s32 $0xFFFFFFFF  }
0xb5: {  	_ =	strace $0x90000048  }
0xb6: {  	_ =	sfence  }
0xb7: {  	s30 =	sld [smem:$0x0];
	_ =	sdelay $0x2  }
0xb8: {  	s31 =	sshll.u32 s1, $0xD;
	s1 =	sshrl.u32 s1, $0x2  }
0xb9: {  	s3 =	sand.u32 $0x4000, s31;
	s1 =	sadd.s32 s1, s30  }
0xba: {  	s0 =	sor.u32 s3, s0;
	s1 =	sshll.u32 s1, $0x11  }
0xbb: {  	s0 =	sor.u32 s1, s0  }
0xbc: {  	s0 =	sadd.s32 $0x8F2B, s0  }
0xbd: {  	[sflag:s0] =	ssyncadd.remote.s32 $0x1  }
0xbe: {  	_ =	sfence.sel $0xFFFF  }
0xbf: {  	[dreg:$0x0] =	wrdreg $0xFFFFFFFF;
	(pc) =	sbr.abs _section_cstart, $3  }
0xc0: {  	[dreg:$0x1] =	wrdreg $0xFFFFFFFF  }
0xc1: {  	_ =	task.clear_ibuf [dreg:s7], $0x2FFFF;
	_ =	strace $0x9FFFFFFF  }
0xc2: {  	(tm) =	ssettm $0x7FFFFFFF  }
0xc3: {  	_ =	shalt  }
tec
execute0_lowered:
.L_overlay_start_1:
0x0: {  	(tag) =	ssettag $0x1  }
0x1: {  	s0 =	srdreg.scid  }
0x2: {  	s1 =	rddreg [dreg:$0x0];
	s9 =	stileid.u32  }
0x3: {  	s5 =	rddreg [dreg:$0x1];
	s6 =	simm.s32 $0x0;
	s28 =	simm.s32 $0xB200  }
0x4: {  	s29 =	simm.s32 $0xBE80;
	s30 =	simm.s32 $0xCB00;
	s31 =	simm.s32 $0xD780  }
0x5: {  	s0 =	sand.u32 $0x1, s0;
	s2 =	sshll.u32 s9, $0x8;
	s4 =	smul.u32 $0x1C0000, s9  }
0x6: {  	[smem:$0x7FF] =	sst s6;
	s9 =	smul.u32 $0x38000, s9;
	s3 =	sshll.u32 s0, $0x7  }
0x7: {  	s17 =	smul.u32 $0xE0000, s0;
	_ =	strace $0x80000047;
	s23 =	ssub.s32 $0x2, s0  }
0x8: {  	s0 =	smul.u32 $0x1C000, s0;
	s2 =	sor.u32 s3, s2;
	s3 =	sadd.s32 $0x7400, s1  }
0x9: {  	s25 =	sshrl.u32 s23, $0x1;
	s10 =	sadd.s32 s9, s5;
	s9 =	simm.s32 $0x80  }
0xa: {  	s2 =	smul.u32 $0x7, s2;
	s4 =	sadd.s32 s17, s4;
	s0 =	sadd.s32 s0, s10  }
0xb: {  	s23 =	ssub.s32 s23, s25;
	s18 =	sor.u32 $0xC400, s4;
	s20 =	sor.u32 $0xA800, s4  }
0xc: {  	s7 =	sor.u32 $0x8C00, s4;
	s26 =	sor.u32 $0x7000, s4;
	s8 =	sor.u32 $0x5400, s4  }
0xd: {  	s11 =	sor.u32 $0x1A400, s4;
	[dreg:$0x8] =	wrdreg s0;
	s13 =	sor.u32 $0x18800, s4  }
0xe: {  	s14 =	sor.u32 $0x16C00, s4;
	s2 =	sadd.s32 s2, s1;
	s19 =	sshrl.u32 s18, $0x3  }
0xf: {  	s6 =	sshrl.u32 s20, $0x3;
	s22 =	sshrl.u32 s7, $0x3;
	s8 =	sshrl.u32 s8, $0x3  }
0x10: {  	s12 =	sshrl.u32 s11, $0x3;
	s16 =	sshrl.u32 s14, $0x3;
	s18 =	sor.u32 $0x15000, s4  }
0x11: {  	s20 =	sor.u32 $0x13400, s4;
	s4 =	sor.u32 $0x11800, s4;
	s7 =	simm.s32 $0x32  }
0x12: {  	s11 =	simm.s32 $0x2;
	s14 =	simm.s32 $0x2880;
	s1 =	sadd.s32 s19, s5  }
0x13: {  	s21 =	sadd.s32 s6, s5;
	s24 =	sadd.s32 s22, s5;
	[dreg:$0x3] =	wrdreg s1  }
0x14: {  	s8 =	sadd.s32 s8, s5;
	s0 =	sadd.s32 s12, s5;
	[dreg:$0x4] =	wrdreg s21  }
0x15: {  	s17 =	sadd.s32 s16, s5;
	s19 =	sshrl.u32 s18, $0x3;
	[dreg:$0x5] =	wrdreg s24  }
0x16: {  	s22 =	sshrl.u32 s4, $0x3;
	s25 =	sadd.s32 $0x400, s2;
	[dreg:$0x7] =	wrdreg s8  }
0x17: {  	s4 =	simm.s32 $0x0;
	s12 =	simm.s32 $0x1C00;
	[dreg:$0x9] =	wrdreg s0  }
0x18: {  	s16 =	simm.s32 $0x3500;
	s18 =	simm.s32 $0x4180;
	[dreg:$0xb] =	wrdreg s17  }
0x19: {  	s1 =	sshrl.u32 s26, $0x3;
	s0 =	sadd.s32 s19, s5;
	[dreg:$0xf] =	wrdreg s25  }
0x1a: {  	s24 =	sadd.s32 s22, s5;
	s26 =	smax.u32 s23, $0x1;
	[dreg:$0xc] =	wrdreg s0  }
0x1b: {  	s23 =	simm.s32 $0x8000;
	s25 =	simm.s32 $0x9900;
	[dreg:$0x10] =	wrdreg s26  }
0x1c: {  	s22 =	simm.s32 $0x5A80;
	s1 =	sadd.s32 s1, s5;
	[dreg:$0xe] =	wrdreg s24  }
0x1d: {  	s24 =	simm.s32 $0x8C80;
	[dreg:$0x6] =	wrdreg s1;
	s1 =	sshrl.u32 s13, $0x3  }
0x1e: {  	s26 =	simm.s32 $0xA580;
	s15 =	sadd.s32 s1, s5;
	s1 =	sshrl.u32 s20, $0x3  }
0x1f: {  	s0 =	simm.s32 $0x40;
	[dreg:$0xa] =	wrdreg s15;
	s21 =	sadd.s32 s1, s5  }
0x20: {  	s20 =	simm.s32 $0x4E00;
	s1 =	simm.s32 $0x1;
	[dreg:$0xd] =	wrdreg s21  }
.LBB2_1:
0x21: {  	[dreg:$0x11] =	wrdreg s4  }
0x22: {  	s2 =	simm.s32 $0x0;
	s8 =	rddreg [dreg:$0xf];
	s10 =	simm.s32 $0x3  }
0x23: {  	[tilespmem:s2], [sflag:$0x3] =	stream.linear.gather [hbm4b:s8+s2], $0x1C00, $0x38;
	[tilespmem:$0xE400] =	vst v63  }
0x24: {  	_ =	swait.ge [sflag:s10], $0x1C00  }
0x25: {  	[sflag:s10] =	ssyncset.done $0x0  }
0x26: {  	s4 =	simm.s32 $0x1C00;
	[sflag:s10] =	ssyncadd.s32 $0xFFFFE400  }
0x27: {  	[tilespmem:s4], [sflag:$0x1] =	stream.indirect.gather [hbm4b:s3+s7], $0x40, s2, s7, $0xb8;
	[tilespmem:$0xE400] =	vst v63  }
0x28: {  	s13 =	simm.s32 $0x38;
	s5 =	simm.s32 $0x2880  }
0x29: {  	[tilespmem:s5], [sflag:$0x1] =	stream.indirect.gather [hbm4b:s3+s7], $0x40, s13, s7, $0xb8;
	[tilespmem:$0xE400] =	vst v63  }
0x2a: {  	s15 =	simm.s32 $0x70;
	s6 =	simm.s32 $0x3500  }
0x2b: {  	[tilespmem:s6], [sflag:$0x1] =	stream.indirect.gather [hbm4b:s3+s7], $0x40, s15, s7, $0xb8;
	[tilespmem:$0xE400] =	vst v63  }
0x2c: {  	s17 =	simm.s32 $0xA8;
	s8 =	simm.s32 $0x4180  }
0x2d: {  	[tilespmem:s8], [sflag:$0x1] =	stream.indirect.gather [hbm4b:s3+s7], $0x40, s17, s7, $0xb8;
	[tilespmem:$0xE400] =	vst v63  }
0x2e: {  	s19 =	simm.s32 $0xE0;
	s10 =	simm.s32 $0x4E00  }
0x2f: {  	[tilespmem:s10], [sflag:$0x1] =	stream.indirect.gather [hbm4b:s3+s7], $0x40, s19, s7, $0xb8;
	[tilespmem:$0xE400] =	vst v63  }
0x30: {  	s21 =	simm.s32 $0x118;
	p0 =	por $0x1, $0x1;
	s13 =	simm.s32 $0x5A80  }
0x31: {  	[tilespmem:s13], [sflag:$0x1] =	stream.indirect.gather [hbm4b:s3+s7], $0x40, s21, s7, $0xb8;
	[tilespmem:$0xE400] =	vst v63  }
0x32: {  	p0 =	por p0, p0;
	s15 =	simm.s32 $0x150;
	s19 =	simm.s32 $0x6700  }
0x33: {  	[tilespmem:s19], [sflag:$0x1] =	stream.indirect.gather [hbm4b:s3+s7], $0x40, s15, s7, $0xb8;
	[tilespmem:$0xE400] =	vst v63  }
0x34: {  	s2 =	simm.s32 @!p0 $0x2;
	s17 =	simm.s32 $0x188;
	s21 =	simm.s32 $0x7380  }
0x35: {  	[tilespmem:s21], [sflag:$0x1] =	stream.indirect.gather [hbm4b:s3+s7], $0x40, s17, s7, $0xb8;
	[tilespmem:$0xE400] =	vst v63  }
0x36: {  	_ =	swait.ge @!p0 [sflag:s2], $0xC80  }
0x37: {  	[sflag:s2] =	ssyncset.done @!p0 $0x0  }
0x38: {  	[sflag:s2] =	ssyncadd.s32 @!p0 $0xFFFFF380  }
0x39: {  	_ =	swait.ge @!p0 [sflag:s2], $0xC80  }
0x3a: {  	[sflag:s2] =	ssyncset.done @!p0 $0x0  }
0x3b: {  	[sflag:s2] =	ssyncadd.s32 @!p0 $0xFFFFF380  }
0x3c: {  	_ =	swait.ge @!p0 [sflag:s2], $0xC80  }
0x3d: {  	[sflag:s2] =	ssyncset.done @!p0 $0x0  }
0x3e: {  	[sflag:s2] =	ssyncadd.s32 @!p0 $0xFFFFF380  }
0x3f: {  	_ =	swait.ge @!p0 [sflag:s2], $0xC80  }
0x40: {  	[sflag:s2] =	ssyncset.done @!p0 $0x0  }
0x41: {  	[sflag:s2] =	ssyncadd.s32 @!p0 $0xFFFFF380  }
0x42: {  	_ =	swait.ge @!p0 [sflag:s2], $0xC80  }
0x43: {  	[sflag:s2] =	ssyncset.done @!p0 $0x0  }
0x44: {  	[sflag:s2] =	ssyncadd.s32 @!p0 $0xFFFFF380  }
0x45: {  	_ =	swait.ge @!p0 [sflag:s2], $0xC80  }
0x46: {  	[sflag:s2] =	ssyncset.done @!p0 $0x0  }
0x47: {  	[sflag:s2] =	ssyncadd.s32 @!p0 $0xFFFFF380  }
0x48: {  	_ =	swait.ge @!p0 [sflag:s2], $0xC80  }
0x49: {  	[sflag:s2] =	ssyncset.done @!p0 $0x0  }
0x4a: {  	[sflag:s2] =	ssyncadd.s32 @!p0 $0xFFFFF380  }
0x4b: {  	_ =	swait.ge @!p0 [sflag:s2], $0xC80  }
0x4c: {  	[sflag:s2] =	ssyncset.done @!p0 $0x0  }
0x4d: {  	s15 =	simm.s32 $0x1C0;
	[sflag:s2] =	ssyncadd.s32 @!p0 $0xFFFFF380  }
0x4e: {  	[tilespmem:s23], [sflag:$0x1] =	stream.indirect.gather [hbm4b:s3+s7], $0x40, s15, s7, $0xb8;
	[tilespmem:$0xE400] =	vst v63  }
0x4f: {  	s17 =	simm.s32 $0x1F8  }
0x50: {  	[tilespmem:s24], [sflag:$0x1] =	stream.indirect.gather [hbm4b:s3+s7], $0x40, s17, s7, $0xb8;
	[tilespmem:$0xE400] =	vst v63  }
0x51: {  	s15 =	simm.s32 $0x230  }
0x52: {  	[tilespmem:s25], [sflag:$0x1] =	stream.indirect.gather [hbm4b:s3+s7], $0x40, s15, s7, $0xb8;
	[tilespmem:$0xE400] =	vst v63  }
0x53: {  	s17 =	simm.s32 $0x268  }
0x54: {  	[tilespmem:s26], [sflag:$0x1] =	stream.indirect.gather [hbm4b:s3+s7], $0x40, s17, s7, $0xb8;
	[tilespmem:$0xE400] =	vst v63  }
0x55: {  	s15 =	simm.s32 $0x2A0  }
0x56: {  	[tilespmem:s28], [sflag:$0x1] =	stream.indirect.gather [hbm4b:s3+s7], $0x40, s15, s7, $0xb8;
	[tilespmem:$0xE400] =	vst v63  }
0x57: {  	s17 =	simm.s32 $0x2D8  }
0x58: {  	[tilespmem:s29], [sflag:$0x1] =	stream.indirect.gather [hbm4b:s3+s7], $0x40, s17, s7, $0xb8;
	[tilespmem:$0xE400] =	vst v63  }
0x59: {  	s15 =	simm.s32 $0x310  }
0x5a: {  	[tilespmem:s30], [sflag:$0x1] =	stream.indirect.gather [hbm4b:s3+s7], $0x40, s15, s7, $0xb8;
	[tilespmem:$0xE400] =	vst v63  }
0x5b: {  	s17 =	simm.s32 $0x348  }
0x5c: {  	[tilespmem:s31], [sflag:$0x1] =	stream.indirect.gather [hbm4b:s3+s7], $0x40, s17, s7, $0xb8;
	[tilespmem:$0xE400] =	vst v63  }
0x5d: {  	_ =	swait.ge [sflag:s1], $0xC80  }
0x5e: {  	[sflag:s1] =	ssyncset.done $0x0  }
0x5f: {  	[sflag:s1] =	ssyncadd.s32 $0xFFFFF380  }
0x60: {  	_ =	swait.ge [sflag:s1], $0xC80  }
0x61: {  	[sflag:s1] =	ssyncset.done $0x0  }
0x62: {  	[sflag:s1] =	ssyncadd.s32 $0xFFFFF380  }
0x63: {  	_ =	swait.ge [sflag:s1], $0xC80  }
0x64: {  	[sflag:s1] =	ssyncset.done $0x0  }
0x65: {  	[sflag:s1] =	ssyncadd.s32 $0xFFFFF380  }
0x66: {  	_ =	swait.ge [sflag:s1], $0xC80  }
0x67: {  	[sflag:s1] =	ssyncset.done $0x0  }
0x68: {  	[sflag:s1] =	ssyncadd.s32 $0xFFFFF380  }
0x69: {  	_ =	swait.ge [sflag:s1], $0xC80  }
0x6a: {  	[sflag:s1] =	ssyncset.done $0x0  }
0x6b: {  	[sflag:s1] =	ssyncadd.s32 $0xFFFFF380  }
0x6c: {  	_ =	swait.ge [sflag:s1], $0xC80  }
0x6d: {  	[sflag:s1] =	ssyncset.done $0x0  }
0x6e: {  	[sflag:s1] =	ssyncadd.s32 $0xFFFFF380  }
0x6f: {  	_ =	swait.ge [sflag:s1], $0xC80  }
0x70: {  	[sflag:s1] =	ssyncset.done $0x0  }
0x71: {  	[sflag:s1] =	ssyncadd.s32 $0xFFFFF380  }
0x72: {  	_ =	swait.ge [sflag:s1], $0xC80  }
0x73: {  	s15 =	rddreg [dreg:$0x8];
	[sflag:s1] =	ssyncset.done $0x0  }
0x74: {  	[sflag:s1] =	ssyncadd.s32 $0xFFFFF380;
	s2 =	sadd.s32 $0x0, s15  }
0x75: {  	[hbm4b:s2+s0] =	stream.strided.scatter [tilespmem:s4], [sflag:$0x2], $0xC80, s9, s0, $0x38;
	[tilespmem:$0xE400] =	vst v63  }
0x76: {  	s17 =	sadd.s32 $0x380, s2  }
0x77: {  	[hbm4b:s17+s0] =	stream.strided.scatter [tilespmem:s5], [sflag:$0x2], $0xC80, s9, s0, $0x38;
	[tilespmem:$0xE400] =	vst v63  }
0x78: {  	s15 =	rddreg [dreg:$0x7];
	s5 =	sadd.s32 $0x700, s2  }
0x79: {  	[hbm4b:s5+s0] =	stream.strided.scatter [tilespmem:s6], [sflag:$0x2], $0xC80, s9, s0, $0x38;
	[tilespmem:$0xE400] =	vst v63  }
0x7a: {  	s17 =	rddreg [dreg:$0x6];
	s5 =	sadd.s32 $0x0, s15  }
0x7b: {  	[hbm4b:s5+s0] =	stream.strided.scatter [tilespmem:s8], [sflag:$0x2], $0xC80, s9, s0, $0x38;
	[tilespmem:$0xE400] =	vst v63  }
0x7c: {  	s17 =	sadd.s32 $0x0, s17;
	s6 =	rddreg [dreg:$0x5]  }
0x7d: {  	[hbm4b:s17+s0] =	stream.strided.scatter [tilespmem:s10], [sflag:$0x2], $0xC80, s9, s0, $0x38;
	[tilespmem:$0xE400] =	vst v63  }
0x7e: {  	s6 =	sadd.s32 $0x0, s6;
	s5 =	rddreg [dreg:$0x4]  }
0x7f: {  	[hbm4b:s6+s0] =	stream.strided.scatter [tilespmem:s13], [sflag:$0x2], $0xC80, s9, s0, $0x38;
	[tilespmem:$0xE400] =	vst v63  }
0x80: {  	s8 =	rddreg [dreg:$0x3];
	s10 =	sadd.s32 $0x0, s5  }
0x81: {  	[hbm4b:s10+s0] =	stream.strided.scatter [tilespmem:s19], [sflag:$0x2], $0xC80, s9, s0, $0x38;
	[tilespmem:$0xE400] =	vst v63  }
0x82: {  	s13 =	sadd.s32 $0x0, s8  }
0x83: {  	[hbm4b:s13+s0] =	stream.strided.scatter [tilespmem:s21], [sflag:$0x2], $0xC80, s9, s0, $0x38;
	[tilespmem:$0xE400] =	vst v63  }
0x84: {  	_ =	swait.ge [sflag:s11], $0xC80  }
0x85: {  	[sflag:s11] =	ssyncset.done $0x0  }
0x86: {  	[sflag:s11] =	ssyncadd.s32 $0xFFFFF380  }
0x87: {  	_ =	swait.ge [sflag:s11], $0xC80  }
0x88: {  	[sflag:s11] =	ssyncset.done $0x0  }
0x89: {  	[sflag:s11] =	ssyncadd.s32 $0xFFFFF380  }
0x8a: {  	_ =	swait.ge [sflag:s11], $0xC80  }
0x8b: {  	[sflag:s11] =	ssyncset.done $0x0  }
0x8c: {  	[sflag:s11] =	ssyncadd.s32 $0xFFFFF380  }
0x8d: {  	_ =	swait.ge [sflag:s11], $0xC80  }
0x8e: {  	[sflag:s11] =	ssyncset.done $0x0  }
0x8f: {  	[sflag:s11] =	ssyncadd.s32 $0xFFFFF380  }
0x90: {  	_ =	swait.ge [sflag:s11], $0xC80  }
0x91: {  	[sflag:s11] =	ssyncset.done $0x0  }
0x92: {  	[sflag:s11] =	ssyncadd.s32 $0xFFFFF380  }
0x93: {  	_ =	swait.ge [sflag:s11], $0xC80  }
0x94: {  	[sflag:s11] =	ssyncset.done $0x0  }
0x95: {  	[sflag:s11] =	ssyncadd.s32 $0xFFFFF380  }
0x96: {  	_ =	swait.ge [sflag:s11], $0xC80  }
0x97: {  	[sflag:s11] =	ssyncset.done $0x0  }
0x98: {  	[sflag:s11] =	ssyncadd.s32 $0xFFFFF380  }
0x99: {  	p0 =	por $0x0, $0x0;
	_ =	swait.ge [sflag:s11], $0xC80  }
0x9a: {  	s4 =	simm.s32 @!p0 $0x380;
	[sflag:s11] =	ssyncset.done $0x0  }
0x9b: {  	s15 =	simm.s32 @!p0 $0x32;
	s17 =	simm.s32 @!p0 $0x1C00;
	[sflag:s11] =	ssyncadd.s32 $0xFFFFF380  }
0x9c: {  	[tilespmem:s17], [sflag:$0x1] =	stream.indirect.gather @!p0 [hbm4b:s3+s15], $0x40, s4, s15, $0xb8;
	[tilespmem:$0xE400] =	vst v63  }
0x9d: {  	s4 =	simm.s32 @!p0 $0x3B8;
	s17 =	simm.s32 @!p0 $0x2880  }
0x9e: {  	[tilespmem:s17], [sflag:$0x1] =	stream.indirect.gather @!p0 [hbm4b:s3+s15], $0x40, s4, s15, $0xb8;
	[tilespmem:$0xE400] =	vst v63  }
0x9f: {  	s4 =	simm.s32 @!p0 $0x3F0;
	s17 =	simm.s32 @!p0 $0x3500  }
0xa0: {  	[tilespmem:s17], [sflag:$0x1] =	stream.indirect.gather @!p0 [hbm4b:s3+s15], $0x40, s4, s15, $0xb8;
	[tilespmem:$0xE400] =	vst v63  }
0xa1: {  	s4 =	simm.s32 @!p0 $0x428;
	s17 =	simm.s32 @!p0 $0x4180  }
0xa2: {  	[tilespmem:s17], [sflag:$0x1] =	stream.indirect.gather @!p0 [hbm4b:s3+s15], $0x40, s4, s15, $0xb8;
	[tilespmem:$0xE400] =	vst v63  }
0xa3: {  	s4 =	simm.s32 @!p0 $0x460;
	s17 =	simm.s32 @!p0 $0x4E00  }
0xa4: {  	[tilespmem:s17], [sflag:$0x1] =	stream.indirect.gather @!p0 [hbm4b:s3+s15], $0x40, s4, s15, $0xb8;
	[tilespmem:$0xE400] =	vst v63  }
0xa5: {  	s4 =	simm.s32 @!p0 $0x498;
	s17 =	simm.s32 @!p0 $0x5A80  }
0xa6: {  	[tilespmem:s17], [sflag:$0x1] =	stream.indirect.gather @!p0 [hbm4b:s3+s15], $0x40, s4, s15, $0xb8;
	[tilespmem:$0xE400] =	vst v63  }
0xa7: {  	s4 =	simm.s32 @!p0 $0x4D0;
	s17 =	simm.s32 @!p0 $0x6700  }
0xa8: {  	[tilespmem:s17], [sflag:$0x1] =	stream.indirect.gather @!p0 [hbm4b:s3+s15], $0x40, s4, s15, $0xb8;
	[tilespmem:$0xE400] =	vst v63  }
0xa9: {  	s4 =	simm.s32 $0x508;
	s17 =	simm.s32 @!p0 $0x7380  }
0xaa: {  	[tilespmem:s17], [sflag:$0x1] =	stream.indirect.gather @!p0 [hbm4b:s3+s15], $0x40, s4, s15, $0xb8;
	[tilespmem:$0xE400] =	vst v63  }
0xab: {  	_ =	swait.ge [sflag:s1], $0xC80  }
0xac: {  	[sflag:s1] =	ssyncset.done $0x0  }
0xad: {  	[sflag:s1] =	ssyncadd.s32 $0xFFFFF380  }
0xae: {  	_ =	swait.ge [sflag:s1], $0xC80  }
0xaf: {  	[sflag:s1] =	ssyncset.done $0x0  }
0xb0: {  	[sflag:s1] =	ssyncadd.s32 $0xFFFFF380  }
0xb1: {  	_ =	swait.ge [sflag:s1], $0xC80  }
0xb2: {  	[sflag:s1] =	ssyncset.done $0x0  }
0xb3: {  	[sflag:s1] =	ssyncadd.s32 $0xFFFFF380  }
0xb4: {  	_ =	swait.ge [sflag:s1], $0xC80  }
0xb5: {  	[sflag:s1] =	ssyncset.done $0x0  }
0xb6: {  	[sflag:s1] =	ssyncadd.s32 $0xFFFFF380  }
0xb7: {  	_ =	swait.ge [sflag:s1], $0xC80  }
0xb8: {  	[sflag:s1] =	ssyncset.done $0x0  }
0xb9: {  	[sflag:s1] =	ssyncadd.s32 $0xFFFFF380  }
0xba: {  	_ =	swait.ge [sflag:s1], $0xC80  }
0xbb: {  	[sflag:s1] =	ssyncset.done $0x0  }
0xbc: {  	[sflag:s1] =	ssyncadd.s32 $0xFFFFF380  }
0xbd: {  	_ =	swait.ge [sflag:s1], $0xC80  }
0xbe: {  	[sflag:s1] =	ssyncset.done $0x0  }
0xbf: {  	[sflag:s1] =	ssyncadd.s32 $0xFFFFF380  }
0xc0: {  	_ =	swait.ge [sflag:s1], $0xC80  }
0xc1: {  	[sflag:s1] =	ssyncset.done $0x0  }
0xc2: {  	s15 =	sadd.s32 $0x1C00, s2;
	s17 =	rddreg [dreg:$0xe];
	[sflag:s1] =	ssyncadd.s32 $0xFFFFF380  }
0xc3: {  	[hbm4b:s15+s0] =	stream.strided.scatter [tilespmem:s23], [sflag:$0x2], $0xC80, s9, s0, $0x38;
	[tilespmem:$0xE400] =	vst v63  }
0xc4: {  	s2 =	sadd.s32 $0x1F80, s2;
	s19 =	rddreg [dreg:$0xd]  }
0xc5: {  	[hbm4b:s2+s0] =	stream.strided.scatter [tilespmem:s24], [sflag:$0x2], $0xC80, s9, s0, $0x38;
	[tilespmem:$0xE400] =	vst v63  }
0xc6: {  	s5 =	rddreg [dreg:$0xc];
	s21 =	sadd.s32 $0x0, s17  }
0xc7: {  	[hbm4b:s21+s0] =	stream.strided.scatter [tilespmem:s25], [sflag:$0x2], $0xC80, s9, s0, $0x38;
	[tilespmem:$0xE400] =	vst v63  }
0xc8: {  	s8 =	rddreg [dreg:$0xb];
	s6 =	sadd.s32 $0x0, s19  }
0xc9: {  	[hbm4b:s6+s0] =	stream.strided.scatter [tilespmem:s26], [sflag:$0x2], $0xC80, s9, s0, $0x38;
	[tilespmem:$0xE400] =	vst v63  }
0xca: {  	p6 =	por $0x0, $0x0;
	s13 =	rddreg [dreg:$0xa];
	s10 =	sadd.s32 $0x0, s5  }
0xcb: {  	[hbm4b:s10+s0] =	stream.strided.scatter [tilespmem:s28], [sflag:$0x2], $0xC80, s9, s0, $0x38;
	[tilespmem:$0xE400] =	vst v63  }
0xcc: {  	p0 =	por p6, p6;
	s17 =	sadd.s32 $0x0, s8;
	s19 =	rddreg [dreg:$0x9]  }
0xcd: {  	[hbm4b:s17+s0] =	stream.strided.scatter [tilespmem:s29], [sflag:$0x2], $0xC80, s9, s0, $0x38;
	[tilespmem:$0xE400] =	vst v63  }
0xce: {  	s15 =	simm.s32 $0x3800;
	s4 =	sadd.s32 $0x0, s19;
	s21 =	sadd.s32 $0x0, s13  }
0xcf: {  	[hbm4b:s21+s0] =	stream.strided.scatter [tilespmem:s30], [sflag:$0x2], $0xC80, s9, s0, $0x38;
	[tilespmem:$0xE400] =	vst v63  }
0xd0: {  	s19 =	simm.s32 $0x3;
	s17 =	simm.s32 $0x888;
	s21 =	simm.s32 $0x7000  }
.LBB2_2:
0xd1: {  	s5 =	simm.s32 @!p0 $0x2  }
0xd2: {  	[hbm4b:s4+s0] =	stream.strided.scatter [tilespmem:s31], [sflag:$0x2], $0xC80, s9, s0, $0x38;
	[tilespmem:$0xE400] =	vst v63  }
0xd3: {  	_ =	swait.ge @!p0 [sflag:s5], $0xC80  }
0xd4: {  	[sflag:s5] =	ssyncset.done @!p0 $0x0  }
0xd5: {  	[sflag:s5] =	ssyncadd.s32 @!p0 $0xFFFFF380  }
0xd6: {  	_ =	swait.ge @!p0 [sflag:s5], $0xC80  }
0xd7: {  	[sflag:s5] =	ssyncset.done @!p0 $0x0  }
0xd8: {  	[sflag:s5] =	ssyncadd.s32 @!p0 $0xFFFFF380  }
0xd9: {  	_ =	swait.ge @!p0 [sflag:s5], $0xC80  }
0xda: {  	[sflag:s5] =	ssyncset.done @!p0 $0x0  }
0xdb: {  	[sflag:s5] =	ssyncadd.s32 @!p0 $0xFFFFF380  }
0xdc: {  	_ =	swait.ge @!p0 [sflag:s5], $0xC80  }
0xdd: {  	[sflag:s5] =	ssyncset.done @!p0 $0x0  }
0xde: {  	[sflag:s5] =	ssyncadd.s32 @!p0 $0xFFFFF380  }
0xdf: {  	_ =	swait.ge @!p0 [sflag:s5], $0xC80  }
0xe0: {  	[sflag:s5] =	ssyncset.done @!p0 $0x0  }
0xe1: {  	[sflag:s5] =	ssyncadd.s32 @!p0 $0xFFFFF380  }
0xe2: {  	_ =	swait.ge @!p0 [sflag:s5], $0xC80  }
0xe3: {  	[sflag:s5] =	ssyncset.done @!p0 $0x0  }
0xe4: {  	[sflag:s5] =	ssyncadd.s32 @!p0 $0xFFFFF380  }
0xe5: {  	_ =	swait.ge @!p0 [sflag:s5], $0xC80  }
0xe6: {  	[sflag:s5] =	ssyncset.done @!p0 $0x0  }
0xe7: {  	[sflag:s5] =	ssyncadd.s32 @!p0 $0xFFFFF380  }
0xe8: {  	_ =	swait.ge @!p0 [sflag:s5], $0xC80  }
0xe9: {  	[sflag:s5] =	ssyncset.done @!p0 $0x0  }
0xea: {  	s10 =	sadd.s32 $0xFFFFFCB8, s17;
	[sflag:s5] =	ssyncadd.s32 @!p0 $0xFFFFF380  }
0xeb: {  	[tilespmem:s23], [sflag:$0x1] =	stream.indirect.gather [hbm4b:s3+s7], $0x40, s10, s7, $0xb8;
	[tilespmem:$0xE400] =	vst v63  }
0xec: {  	s13 =	sadd.s32 $0xFFFFFCF0, s17  }
0xed: {  	[tilespmem:s24], [sflag:$0x1] =	stream.indirect.gather [hbm4b:s3+s7], $0x40, s13, s7, $0xb8;
	[tilespmem:$0xE400] =	vst v63  }
0xee: {  	s5 =	sadd.s32 $0xFFFFFD28, s17  }
0xef: {  	[tilespmem:s25], [sflag:$0x1] =	stream.indirect.gather [hbm4b:s3+s7], $0x40, s5, s7, $0xb8;
	[tilespmem:$0xE400] =	vst v63  }
0xf0: {  	s6 =	sadd.s32 $0xFFFFFD60, s17  }
0xf1: {  	[tilespmem:s26], [sflag:$0x1] =	stream.indirect.gather [hbm4b:s3+s7], $0x40, s6, s7, $0xb8;
	[tilespmem:$0xE400] =	vst v63  }
0xf2: {  	s8 =	sadd.s32 $0xFFFFFD98, s17  }
0xf3: {  	[tilespmem:s28], [sflag:$0x1] =	stream.indirect.gather [hbm4b:s3+s7], $0x40, s8, s7, $0xb8;
	[tilespmem:$0xE400] =	vst v63  }
0xf4: {  	s10 =	sadd.s32 $0xFFFFFDD0, s17  }
0xf5: {  	[tilespmem:s29], [sflag:$0x1] =	stream.indirect.gather [hbm4b:s3+s7], $0x40, s10, s7, $0xb8;
	[tilespmem:$0xE400] =	vst v63  }
0xf6: {  	s13 =	sadd.s32 $0xFFFFFE08, s17  }
0xf7: {  	[tilespmem:s30], [sflag:$0x1] =	stream.indirect.gather [hbm4b:s3+s7], $0x40, s13, s7, $0xb8;
	[tilespmem:$0xE400] =	vst v63  }
0xf8: {  	s5 =	sadd.s32 $0xFFFFFE40, s17  }
0xf9: {  	[tilespmem:s31], [sflag:$0x1] =	stream.indirect.gather [hbm4b:s3+s7], $0x40, s5, s7, $0xb8;
	[tilespmem:$0xE400] =	vst v63  }
0xfa: {  	_ =	swait.ge [sflag:s1], $0xC80  }
0xfb: {  	[sflag:s1] =	ssyncset.done $0x0  }
0xfc: {  	[sflag:s1] =	ssyncadd.s32 $0xFFFFF380  }
0xfd: {  	_ =	swait.ge [sflag:s1], $0xC80  }
0xfe: {  	[sflag:s1] =	ssyncset.done $0x0  }
0xff: {  	[sflag:s1] =	ssyncadd.s32 $0xFFFFF380  }
0x100: {  	_ =	swait.ge [sflag:s1], $0xC80  }
0x101: {  	[sflag:s1] =	ssyncset.done $0x0  }
0x102: {  	[sflag:s1] =	ssyncadd.s32 $0xFFFFF380  }
0x103: {  	_ =	swait.ge [sflag:s1], $0xC80  }
0x104: {  	[sflag:s1] =	ssyncset.done $0x0  }
0x105: {  	[sflag:s1] =	ssyncadd.s32 $0xFFFFF380  }
0x106: {  	_ =	swait.ge [sflag:s1], $0xC80  }
0x107: {  	[sflag:s1] =	ssyncset.done $0x0  }
0x108: {  	[sflag:s1] =	ssyncadd.s32 $0xFFFFF380  }
0x109: {  	_ =	swait.ge [sflag:s1], $0xC80  }
0x10a: {  	[sflag:s1] =	ssyncset.done $0x0  }
0x10b: {  	[sflag:s1] =	ssyncadd.s32 $0xFFFFF380  }
0x10c: {  	_ =	swait.ge [sflag:s1], $0xC80  }
0x10d: {  	[sflag:s1] =	ssyncset.done $0x0  }
0x10e: {  	[sflag:s1] =	ssyncadd.s32 $0xFFFFF380  }
0x10f: {  	_ =	swait.ge [sflag:s1], $0xC80  }
0x110: {  	s2 =	smov.u32 s15;
	s6 =	rddreg [dreg:$0x8];
	[sflag:s1] =	ssyncset.done $0x0  }
0x111: {  	[sflag:s1] =	ssyncadd.s32 $0xFFFFF380;
	s4 =	sadd.s32 s2, s6  }
0x112: {  	[hbm4b:s4+s0] =	stream.strided.scatter [tilespmem:s12], [sflag:$0x2], $0xC80, s9, s0, $0x38;
	[tilespmem:$0xE400] =	vst v63  }
0x113: {  	s8 =	sadd.s32 $0x380, s4  }
0x114: {  	[hbm4b:s8+s0] =	stream.strided.scatter [tilespmem:s14], [sflag:$0x2], $0xC80, s9, s0, $0x38;
	[tilespmem:$0xE400] =	vst v63  }
0x115: {  	s6 =	rddreg [dreg:$0x7];
	s10 =	sadd.s32 $0x700, s4  }
0x116: {  	[hbm4b:s10+s0] =	stream.strided.scatter [tilespmem:s16], [sflag:$0x2], $0xC80, s9, s0, $0x38;
	[tilespmem:$0xE400] =	vst v63  }
0x117: {  	s13 =	rddreg [dreg:$0x6];
	s6 =	sadd.s32 s2, s6  }
0x118: {  	[hbm4b:s6+s0] =	stream.strided.scatter [tilespmem:s18], [sflag:$0x2], $0xC80, s9, s0, $0x38;
	[tilespmem:$0xE400] =	vst v63  }
0x119: {  	s8 =	rddreg [dreg:$0x5];
	s10 =	sadd.s32 s2, s13  }
0x11a: {  	[hbm4b:s10+s0] =	stream.strided.scatter [tilespmem:s20], [sflag:$0x2], $0xC80, s9, s0, $0x38;
	[tilespmem:$0xE400] =	vst v63  }
0x11b: {  	s8 =	sadd.s32 s2, s8;
	s13 =	rddreg [dreg:$0x4]  }
0x11c: {  	[hbm4b:s8+s0] =	stream.strided.scatter [tilespmem:s22], [sflag:$0x2], $0xC80, s9, s0, $0x38;
	[tilespmem:$0xE400] =	vst v63  }
0x11d: {  	s13 =	sadd.s32 s2, s13;
	s10 =	rddreg [dreg:$0x3];
	s8 =	simm.s32 $0x6700  }
0x11e: {  	[hbm4b:s13+s0] =	stream.strided.scatter [tilespmem:s8], [sflag:$0x2], $0xC80, s9, s0, $0x38;
	[tilespmem:$0xE400] =	vst v63  }
0x11f: {  	s10 =	sadd.s32 s2, s10;
	s13 =	simm.s32 $0x7380  }
0x120: {  	[hbm4b:s10+s0] =	stream.strided.scatter [tilespmem:s13], [sflag:$0x2], $0xC80, s9, s0, $0x38;
	[tilespmem:$0xE400] =	vst v63  }
0x121: {  	_ =	swait.ge [sflag:s11], $0xC80  }
0x122: {  	[sflag:s11] =	ssyncset.done $0x0  }
0x123: {  	[sflag:s11] =	ssyncadd.s32 $0xFFFFF380  }
0x124: {  	_ =	swait.ge [sflag:s11], $0xC80  }
0x125: {  	[sflag:s11] =	ssyncset.done $0x0  }
0x126: {  	[sflag:s11] =	ssyncadd.s32 $0xFFFFF380  }
0x127: {  	_ =	swait.ge [sflag:s11], $0xC80  }
0x128: {  	[sflag:s11] =	ssyncset.done $0x0  }
0x129: {  	[sflag:s11] =	ssyncadd.s32 $0xFFFFF380  }
0x12a: {  	_ =	swait.ge [sflag:s11], $0xC80  }
0x12b: {  	[sflag:s11] =	ssyncset.done $0x0  }
0x12c: {  	[sflag:s11] =	ssyncadd.s32 $0xFFFFF380  }
0x12d: {  	_ =	swait.ge [sflag:s11], $0xC80  }
0x12e: {  	[sflag:s11] =	ssyncset.done $0x0  }
0x12f: {  	[sflag:s11] =	ssyncadd.s32 $0xFFFFF380  }
0x130: {  	_ =	swait.ge [sflag:s11], $0xC80  }
0x131: {  	[sflag:s11] =	ssyncset.done $0x0  }
0x132: {  	[sflag:s11] =	ssyncadd.s32 $0xFFFFF380  }
0x133: {  	_ =	swait.ge [sflag:s11], $0xC80  }
0x134: {  	[sflag:s11] =	ssyncset.done $0x0  }
0x135: {  	p2 =	seq.s32 s21, $0x0;
	[sflag:s11] =	ssyncadd.s32 $0xFFFFF380  }
0x136: {  	p0 =	por p2, p2;
	p2 =	sgt.u32 s19, $0xE;
	_ =	swait.ge [sflag:s11], $0xC80  }
0x137: {  	s5 =	sadd.s32 @!p2 $0xFFFFFE78, s17;
	[sflag:s11] =	ssyncset.done $0x0  }
0x138: {  	s6 =	simm.s32 @!p2 $0x32;
	s13 =	simm.s32 @!p2 $0x1C00;
	[sflag:s11] =	ssyncadd.s32 $0xFFFFF380  }
0x139: {  	[tilespmem:s13], [sflag:$0x1] =	stream.indirect.gather @!p2 [hbm4b:s3+s6], $0x40, s5, s6, $0xb8;
	[tilespmem:$0xE400] =	vst v63  }
0x13a: {  	s8 =	sadd.s32 @!p2 $0xFFFFFEB0, s17;
	s10 =	simm.s32 @!p2 $0x2880  }
0x13b: {  	[tilespmem:s10], [sflag:$0x1] =	stream.indirect.gather @!p2 [hbm4b:s3+s6], $0x40, s8, s6, $0xb8;
	[tilespmem:$0xE400] =	vst v63  }
0x13c: {  	s5 =	sadd.s32 @!p2 $0xFFFFFEE8, s17;
	s13 =	simm.s32 @!p2 $0x3500  }
0x13d: {  	[tilespmem:s13], [sflag:$0x1] =	stream.indirect.gather @!p2 [hbm4b:s3+s6], $0x40, s5, s6, $0xb8;
	[tilespmem:$0xE400] =	vst v63  }
0x13e: {  	s8 =	sadd.s32 @!p2 $0xFFFFFF20, s17;
	s10 =	simm.s32 @!p2 $0x4180  }
0x13f: {  	[tilespmem:s10], [sflag:$0x1] =	stream.indirect.gather @!p2 [hbm4b:s3+s6], $0x40, s8, s6, $0xb8;
	[tilespmem:$0xE400] =	vst v63  }
0x140: {  	s5 =	sadd.s32 @!p2 $0xFFFFFF58, s17;
	s13 =	simm.s32 @!p2 $0x4E00  }
0x141: {  	[tilespmem:s13], [sflag:$0x1] =	stream.indirect.gather @!p2 [hbm4b:s3+s6], $0x40, s5, s6, $0xb8;
	[tilespmem:$0xE400] =	vst v63  }
0x142: {  	s8 =	sadd.s32 @!p2 $0xFFFFFF90, s17;
	s10 =	simm.s32 @!p2 $0x5A80  }
0x143: {  	[tilespmem:s10], [sflag:$0x1] =	stream.indirect.gather @!p2 [hbm4b:s3+s6], $0x40, s8, s6, $0xb8;
	[tilespmem:$0xE400] =	vst v63  }
0x144: {  	s5 =	sadd.s32 @!p2 $0xFFFFFFC8, s17;
	s13 =	simm.s32 @!p2 $0x6700  }
0x145: {  	[tilespmem:s13], [sflag:$0x1] =	stream.indirect.gather @!p2 [hbm4b:s3+s6], $0x40, s5, s6, $0xb8;
	[tilespmem:$0xE400] =	vst v63  }
0x146: {  	s8 =	simm.s32 @!p2 $0x7380  }
0x147: {  	[tilespmem:s8], [sflag:$0x1] =	stream.indirect.gather @!p2 [hbm4b:s3+s6], $0x40, s17, s6, $0xb8;
	[tilespmem:$0xE400] =	vst v63  }
0x148: {  	_ =	swait.ge [sflag:s1], $0xC80  }
0x149: {  	[sflag:s1] =	ssyncset.done $0x0  }
0x14a: {  	[sflag:s1] =	ssyncadd.s32 $0xFFFFF380  }
0x14b: {  	_ =	swait.ge [sflag:s1], $0xC80  }
0x14c: {  	[sflag:s1] =	ssyncset.done $0x0  }
0x14d: {  	[sflag:s1] =	ssyncadd.s32 $0xFFFFF380  }
0x14e: {  	_ =	swait.ge [sflag:s1], $0xC80  }
0x14f: {  	[sflag:s1] =	ssyncset.done $0x0  }
0x150: {  	[sflag:s1] =	ssyncadd.s32 $0xFFFFF380  }
0x151: {  	_ =	swait.ge [sflag:s1], $0xC80  }
0x152: {  	[sflag:s1] =	ssyncset.done $0x0  }
0x153: {  	[sflag:s1] =	ssyncadd.s32 $0xFFFFF380  }
0x154: {  	_ =	swait.ge [sflag:s1], $0xC80  }
0x155: {  	[sflag:s1] =	ssyncset.done $0x0  }
0x156: {  	[sflag:s1] =	ssyncadd.s32 $0xFFFFF380  }
0x157: {  	_ =	swait.ge [sflag:s1], $0xC80  }
0x158: {  	[sflag:s1] =	ssyncset.done $0x0  }
0x159: {  	[sflag:s1] =	ssyncadd.s32 $0xFFFFF380  }
0x15a: {  	_ =	swait.ge [sflag:s1], $0xC80  }
0x15b: {  	[sflag:s1] =	ssyncset.done $0x0  }
0x15c: {  	[sflag:s1] =	ssyncadd.s32 $0xFFFFF380  }
0x15d: {  	_ =	swait.ge [sflag:s1], $0xC80  }
0x15e: {  	[sflag:s1] =	ssyncset.done $0x0  }
0x15f: {  	s6 =	sadd.s32 $0x1C00, s4;
	[sflag:s1] =	ssyncadd.s32 $0xFFFFF380  }
0x160: {  	[hbm4b:s6+s0] =	stream.strided.scatter [tilespmem:s23], [sflag:$0x2], $0xC80, s9, s0, $0x38;
	[tilespmem:$0xE400] =	vst v63  }
0x161: {  	s4 =	sadd.s32 $0x1F80, s4;
	s8 =	rddreg [dreg:$0xe]  }
0x162: {  	[hbm4b:s4+s0] =	stream.strided.scatter [tilespmem:s24], [sflag:$0x2], $0xC80, s9, s0, $0x38;
	[tilespmem:$0xE400] =	vst v63  }
0x163: {  	s15 =	smov.u32 s21;
	s10 =	rddreg [dreg:$0xd];
	s6 =	sadd.s32 s2, s8  }
0x164: {  	[hbm4b:s6+s0] =	stream.strided.scatter [tilespmem:s25], [sflag:$0x2], $0xC80, s9, s0, $0x38;
	[tilespmem:$0xE400] =	vst v63  }
0x165: {  	s21 =	sadd.s32 $0x3800, s21;
	s13 =	rddreg [dreg:$0xc];
	s8 =	sadd.s32 s2, s10  }
0x166: {  	[hbm4b:s8+s0] =	stream.strided.scatter [tilespmem:s26], [sflag:$0x2], $0xC80, s9, s0, $0x38;
	[tilespmem:$0xE400] =	vst v63  }
0x167: {  	p1 =	sne.s32 s21, $0x1C000;
	s10 =	rddreg [dreg:$0xb];
	s6 =	sadd.s32 s2, s13  }
0x168: {  	[hbm4b:s6+s0] =	stream.strided.scatter [tilespmem:s28], [sflag:$0x2], $0xC80, s9, s0, $0x38;
	[tilespmem:$0xE400] =	vst v63  }
.Ltmp0:
0x169: {  	s13 =	rddreg [dreg:$0xa];
	(pc) =	sbr.rel @p1 .LBB2_2-.Ltmp0, $4  }
0x16a: {  	s19 =	sadd.s32 $0x2, s19;
	s8 =	sadd.s32 s2, s10;
	s10 =	rddreg [dreg:$0x9]  }
0x16b: {  	[hbm4b:s8+s0] =	stream.strided.scatter [tilespmem:s29], [sflag:$0x2], $0xC80, s9, s0, $0x38;
	[tilespmem:$0xE400] =	vst v63  }
0x16c: {  	s17 =	sadd.s32 $0x380, s17;
	s13 =	sadd.s32 s2, s13;
	s4 =	sadd.s32 s2, s10  }
0x16d: {  	[hbm4b:s13+s0] =	stream.strided.scatter [tilespmem:s30], [sflag:$0x2], $0xC80, s9, s0, $0x38;
	[tilespmem:$0xE400] =	vst v63  }
0x16e: {  	s2 =	simm.s32 @!p0 $0x2  }
0x16f: {  	[hbm4b:s4+s0] =	stream.strided.scatter [tilespmem:s31], [sflag:$0x2], $0xC80, s9, s0, $0x38;
	[tilespmem:$0xE400] =	vst v63  }
0x170: {  	_ =	swait.ge @!p0 [sflag:s2], $0xC80  }
0x171: {  	[sflag:s2] =	ssyncset.done @!p0 $0x0  }
0x172: {  	[sflag:s2] =	ssyncadd.s32 @!p0 $0xFFFFF380  }
0x173: {  	_ =	swait.ge @!p0 [sflag:s2], $0xC80  }
0x174: {  	[sflag:s2] =	ssyncset.done @!p0 $0x0  }
0x175: {  	[sflag:s2] =	ssyncadd.s32 @!p0 $0xFFFFF380  }
0x176: {  	_ =	swait.ge @!p0 [sflag:s2], $0xC80  }
0x177: {  	[sflag:s2] =	ssyncset.done @!p0 $0x0  }
0x178: {  	[sflag:s2] =	ssyncadd.s32 @!p0 $0xFFFFF380  }
0x179: {  	_ =	swait.ge @!p0 [sflag:s2], $0xC80  }
0x17a: {  	[sflag:s2] =	ssyncset.done @!p0 $0x0  }
0x17b: {  	[sflag:s2] =	ssyncadd.s32 @!p0 $0xFFFFF380  }
0x17c: {  	_ =	swait.ge @!p0 [sflag:s2], $0xC80  }
0x17d: {  	[sflag:s2] =	ssyncset.done @!p0 $0x0  }
0x17e: {  	[sflag:s2] =	ssyncadd.s32 @!p0 $0xFFFFF380  }
0x17f: {  	_ =	swait.ge @!p0 [sflag:s2], $0xC80  }
0x180: {  	[sflag:s2] =	ssyncset.done @!p0 $0x0  }
0x181: {  	[sflag:s2] =	ssyncadd.s32 @!p0 $0xFFFFF380  }
0x182: {  	_ =	swait.ge @!p0 [sflag:s2], $0xC80  }
0x183: {  	[sflag:s2] =	ssyncset.done @!p0 $0x0  }
0x184: {  	[sflag:s2] =	ssyncadd.s32 @!p0 $0xFFFFF380  }
0x185: {  	_ =	swait.ge @!p0 [sflag:s2], $0xC80  }
0x186: {  	[sflag:s2] =	ssyncset.done @!p0 $0x0  }
0x187: {  	s5 =	sadd.s32 $0xFFFFFCB8, s17;
	[sflag:s2] =	ssyncadd.s32 @!p0 $0xFFFFF380  }
0x188: {  	[tilespmem:s23], [sflag:$0x1] =	stream.indirect.gather [hbm4b:s3+s7], $0x40, s5, s7, $0xb8;
	[tilespmem:$0xE400] =	vst v63  }
0x189: {  	s6 =	sadd.s32 $0xFFFFFCF0, s17  }
0x18a: {  	[tilespmem:s24], [sflag:$0x1] =	stream.indirect.gather [hbm4b:s3+s7], $0x40, s6, s7, $0xb8;
	[tilespmem:$0xE400] =	vst v63  }
0x18b: {  	s8 =	sadd.s32 $0xFFFFFD28, s17  }
0x18c: {  	[tilespmem:s25], [sflag:$0x1] =	stream.indirect.gather [hbm4b:s3+s7], $0x40, s8, s7, $0xb8;
	[tilespmem:$0xE400] =	vst v63  }
0x18d: {  	s10 =	sadd.s32 $0xFFFFFD60, s17  }
0x18e: {  	[tilespmem:s26], [sflag:$0x1] =	stream.indirect.gather [hbm4b:s3+s7], $0x40, s10, s7, $0xb8;
	[tilespmem:$0xE400] =	vst v63  }
0x18f: {  	s13 =	sadd.s32 $0xFFFFFD98, s17  }
0x190: {  	[tilespmem:s28], [sflag:$0x1] =	stream.indirect.gather [hbm4b:s3+s7], $0x40, s13, s7, $0xb8;
	[tilespmem:$0xE400] =	vst v63  }
0x191: {  	s21 =	sadd.s32 $0xFFFFFDD0, s17  }
0x192: {  	[tilespmem:s29], [sflag:$0x1] =	stream.indirect.gather [hbm4b:s3+s7], $0x40, s21, s7, $0xb8;
	[tilespmem:$0xE400] =	vst v63  }
0x193: {  	s4 =	sadd.s32 $0xFFFFFE08, s17  }
0x194: {  	[tilespmem:s30], [sflag:$0x1] =	stream.indirect.gather [hbm4b:s3+s7], $0x40, s4, s7, $0xb8;
	[tilespmem:$0xE400] =	vst v63  }
0x195: {  	s5 =	sadd.s32 $0xFFFFFE40, s17  }
0x196: {  	[tilespmem:s31], [sflag:$0x1] =	stream.indirect.gather [hbm4b:s3+s7], $0x40, s5, s7, $0xb8;
	[tilespmem:$0xE400] =	vst v63  }
0x197: {  	_ =	swait.ge [sflag:s1], $0xC80  }
0x198: {  	[sflag:s1] =	ssyncset.done $0x0  }
0x199: {  	[sflag:s1] =	ssyncadd.s32 $0xFFFFF380  }
0x19a: {  	_ =	swait.ge [sflag:s1], $0xC80  }
0x19b: {  	[sflag:s1] =	ssyncset.done $0x0  }
0x19c: {  	[sflag:s1] =	ssyncadd.s32 $0xFFFFF380  }
0x19d: {  	_ =	swait.ge [sflag:s1], $0xC80  }
0x19e: {  	[sflag:s1] =	ssyncset.done $0x0  }
0x19f: {  	[sflag:s1] =	ssyncadd.s32 $0xFFFFF380  }
0x1a0: {  	_ =	swait.ge [sflag:s1], $0xC80  }
0x1a1: {  	[sflag:s1] =	ssyncset.done $0x0  }
0x1a2: {  	[sflag:s1] =	ssyncadd.s32 $0xFFFFF380  }
0x1a3: {  	_ =	swait.ge [sflag:s1], $0xC80  }
0x1a4: {  	[sflag:s1] =	ssyncset.done $0x0  }
0x1a5: {  	[sflag:s1] =	ssyncadd.s32 $0xFFFFF380  }
0x1a6: {  	_ =	swait.ge [sflag:s1], $0xC80  }
0x1a7: {  	[sflag:s1] =	ssyncset.done $0x0  }
0x1a8: {  	[sflag:s1] =	ssyncadd.s32 $0xFFFFF380  }
0x1a9: {  	_ =	swait.ge [sflag:s1], $0xC80  }
0x1aa: {  	[sflag:s1] =	ssyncset.done $0x0  }
0x1ab: {  	[sflag:s1] =	ssyncadd.s32 $0xFFFFF380  }
0x1ac: {  	_ =	swait.ge [sflag:s1], $0xC80  }
0x1ad: {  	s6 =	rddreg [dreg:$0x8];
	[sflag:s1] =	ssyncset.done $0x0  }
0x1ae: {  	[sflag:s1] =	ssyncadd.s32 $0xFFFFF380;
	s2 =	sadd.s32 s15, s6  }
0x1af: {  	[hbm4b:s2+s0] =	stream.strided.scatter [tilespmem:s12], [sflag:$0x2], $0xC80, s9, s0, $0x38;
	[tilespmem:$0xE400] =	vst v63  }
0x1b0: {  	s8 =	sadd.s32 $0x380, s2  }
0x1b1: {  	[hbm4b:s8+s0] =	stream.strided.scatter [tilespmem:s14], [sflag:$0x2], $0xC80, s9, s0, $0x38;
	[tilespmem:$0xE400] =	vst v63  }
0x1b2: {  	s5 =	rddreg [dreg:$0x7];
	s10 =	sadd.s32 $0x700, s2  }
0x1b3: {  	[hbm4b:s10+s0] =	stream.strided.scatter [tilespmem:s16], [sflag:$0x2], $0xC80, s9, s0, $0x38;
	[tilespmem:$0xE400] =	vst v63  }
0x1b4: {  	s13 =	rddreg [dreg:$0x6];
	s5 =	sadd.s32 s15, s5  }
0x1b5: {  	[hbm4b:s5+s0] =	stream.strided.scatter [tilespmem:s18], [sflag:$0x2], $0xC80, s9, s0, $0x38;
	[tilespmem:$0xE400] =	vst v63  }
0x1b6: {  	s21 =	rddreg [dreg:$0x5];
	s4 =	sadd.s32 s15, s13  }
0x1b7: {  	[hbm4b:s4+s0] =	stream.strided.scatter [tilespmem:s20], [sflag:$0x2], $0xC80, s9, s0, $0x38;
	[tilespmem:$0xE400] =	vst v63  }
0x1b8: {  	s6 =	rddreg [dreg:$0x4];
	s5 =	sadd.s32 s15, s21  }
0x1b9: {  	[hbm4b:s5+s0] =	stream.strided.scatter [tilespmem:s22], [sflag:$0x2], $0xC80, s9, s0, $0x38;
	[tilespmem:$0xE400] =	vst v63  }
0x1ba: {  	s8 =	rddreg [dreg:$0x3];
	s4 =	sadd.s32 s15, s6;
	s6 =	simm.s32 $0x6700  }
0x1bb: {  	[hbm4b:s4+s0] =	stream.strided.scatter [tilespmem:s6], [sflag:$0x2], $0xC80, s9, s0, $0x38;
	[tilespmem:$0xE400] =	vst v63  }
0x1bc: {  	s13 =	simm.s32 $0x7380;
	s10 =	sadd.s32 s15, s8  }
0x1bd: {  	[hbm4b:s10+s0] =	stream.strided.scatter [tilespmem:s13], [sflag:$0x2], $0xC80, s9, s0, $0x38;
	[tilespmem:$0xE400] =	vst v63  }
0x1be: {  	_ =	swait.ge [sflag:s11], $0xC80  }
0x1bf: {  	[sflag:s11] =	ssyncset.done $0x0  }
0x1c0: {  	[sflag:s11] =	ssyncadd.s32 $0xFFFFF380  }
0x1c1: {  	_ =	swait.ge [sflag:s11], $0xC80  }
0x1c2: {  	[sflag:s11] =	ssyncset.done $0x0  }
0x1c3: {  	[sflag:s11] =	ssyncadd.s32 $0xFFFFF380  }
0x1c4: {  	_ =	swait.ge [sflag:s11], $0xC80  }
0x1c5: {  	[sflag:s11] =	ssyncset.done $0x0  }
0x1c6: {  	[sflag:s11] =	ssyncadd.s32 $0xFFFFF380  }
0x1c7: {  	_ =	swait.ge [sflag:s11], $0xC80  }
0x1c8: {  	[sflag:s11] =	ssyncset.done $0x0  }
0x1c9: {  	[sflag:s11] =	ssyncadd.s32 $0xFFFFF380  }
0x1ca: {  	_ =	swait.ge [sflag:s11], $0xC80  }
0x1cb: {  	[sflag:s11] =	ssyncset.done $0x0  }
0x1cc: {  	[sflag:s11] =	ssyncadd.s32 $0xFFFFF380  }
0x1cd: {  	_ =	swait.ge [sflag:s11], $0xC80  }
0x1ce: {  	[sflag:s11] =	ssyncset.done $0x0  }
0x1cf: {  	[sflag:s11] =	ssyncadd.s32 $0xFFFFF380  }
0x1d0: {  	_ =	swait.ge [sflag:s11], $0xC80  }
0x1d1: {  	[sflag:s11] =	ssyncset.done $0x0  }
0x1d2: {  	[sflag:s11] =	ssyncadd.s32 $0xFFFFF380  }
0x1d3: {  	p0 =	sgt.u32 s19, $0xE;
	_ =	swait.ge [sflag:s11], $0xC80  }
0x1d4: {  	s5 =	simm.s32 @!p0 $0x32;
	[sflag:s11] =	ssyncset.done $0x0  }
0x1d5: {  	s4 =	sadd.s32 @!p0 $0xFFFFFE78, s17;
	s6 =	simm.s32 @!p0 $0x1C00;
	[sflag:s11] =	ssyncadd.s32 $0xFFFFF380  }
0x1d6: {  	[tilespmem:s6], [sflag:$0x1] =	stream.indirect.gather @!p0 [hbm4b:s3+s5], $0x40, s4, s5, $0xb8;
	[tilespmem:$0xE400] =	vst v63  }
0x1d7: {  	s4 =	sadd.s32 @!p0 $0xFFFFFEB0, s17;
	s6 =	simm.s32 @!p0 $0x2880  }
0x1d8: {  	[tilespmem:s6], [sflag:$0x1] =	stream.indirect.gather @!p0 [hbm4b:s3+s5], $0x40, s4, s5, $0xb8;
	[tilespmem:$0xE400] =	vst v63  }
0x1d9: {  	s4 =	sadd.s32 @!p0 $0xFFFFFEE8, s17;
	s6 =	simm.s32 @!p0 $0x3500  }
0x1da: {  	[tilespmem:s6], [sflag:$0x1] =	stream.indirect.gather @!p0 [hbm4b:s3+s5], $0x40, s4, s5, $0xb8;
	[tilespmem:$0xE400] =	vst v63  }
0x1db: {  	s4 =	sadd.s32 @!p0 $0xFFFFFF20, s17;
	s6 =	simm.s32 @!p0 $0x4180  }
0x1dc: {  	[tilespmem:s6], [sflag:$0x1] =	stream.indirect.gather @!p0 [hbm4b:s3+s5], $0x40, s4, s5, $0xb8;
	[tilespmem:$0xE400] =	vst v63  }
0x1dd: {  	s4 =	sadd.s32 @!p0 $0xFFFFFF58, s17;
	s6 =	simm.s32 @!p0 $0x4E00  }
0x1de: {  	[tilespmem:s6], [sflag:$0x1] =	stream.indirect.gather @!p0 [hbm4b:s3+s5], $0x40, s4, s5, $0xb8;
	[tilespmem:$0xE400] =	vst v63  }
0x1df: {  	s4 =	sadd.s32 @!p0 $0xFFFFFF90, s17;
	s6 =	simm.s32 @!p0 $0x5A80  }
0x1e0: {  	[tilespmem:s6], [sflag:$0x1] =	stream.indirect.gather @!p0 [hbm4b:s3+s5], $0x40, s4, s5, $0xb8;
	[tilespmem:$0xE400] =	vst v63  }
0x1e1: {  	s4 =	sadd.s32 @!p0 $0xFFFFFFC8, s17;
	s6 =	simm.s32 @!p0 $0x6700  }
0x1e2: {  	[tilespmem:s6], [sflag:$0x1] =	stream.indirect.gather @!p0 [hbm4b:s3+s5], $0x40, s4, s5, $0xb8;
	[tilespmem:$0xE400] =	vst v63  }
0x1e3: {  	s4 =	simm.s32 @!p0 $0x7380  }
0x1e4: {  	[tilespmem:s4], [sflag:$0x1] =	stream.indirect.gather @!p0 [hbm4b:s3+s5], $0x40, s17, s5, $0xb8;
	[tilespmem:$0xE400] =	vst v63  }
0x1e5: {  	_ =	swait.ge [sflag:s1], $0xC80  }
0x1e6: {  	[sflag:s1] =	ssyncset.done $0x0  }
0x1e7: {  	[sflag:s1] =	ssyncadd.s32 $0xFFFFF380  }
0x1e8: {  	_ =	swait.ge [sflag:s1], $0xC80  }
0x1e9: {  	[sflag:s1] =	ssyncset.done $0x0  }
0x1ea: {  	[sflag:s1] =	ssyncadd.s32 $0xFFFFF380  }
0x1eb: {  	_ =	swait.ge [sflag:s1], $0xC80  }
0x1ec: {  	[sflag:s1] =	ssyncset.done $0x0  }
0x1ed: {  	[sflag:s1] =	ssyncadd.s32 $0xFFFFF380  }
0x1ee: {  	_ =	swait.ge [sflag:s1], $0xC80  }
0x1ef: {  	[sflag:s1] =	ssyncset.done $0x0  }
0x1f0: {  	[sflag:s1] =	ssyncadd.s32 $0xFFFFF380  }
0x1f1: {  	_ =	swait.ge [sflag:s1], $0xC80  }
0x1f2: {  	[sflag:s1] =	ssyncset.done $0x0  }
0x1f3: {  	[sflag:s1] =	ssyncadd.s32 $0xFFFFF380  }
0x1f4: {  	_ =	swait.ge [sflag:s1], $0xC80  }
0x1f5: {  	[sflag:s1] =	ssyncset.done $0x0  }
0x1f6: {  	[sflag:s1] =	ssyncadd.s32 $0xFFFFF380  }
0x1f7: {  	_ =	swait.ge [sflag:s1], $0xC80  }
0x1f8: {  	[sflag:s1] =	ssyncset.done $0x0  }
0x1f9: {  	[sflag:s1] =	ssyncadd.s32 $0xFFFFF380  }
0x1fa: {  	_ =	swait.ge [sflag:s1], $0xC80  }
0x1fb: {  	[sflag:s1] =	ssyncset.done $0x0  }
0x1fc: {  	s21 =	sadd.s32 $0x1C00, s2;
	[sflag:s1] =	ssyncadd.s32 $0xFFFFF380  }
0x1fd: {  	[hbm4b:s21+s0] =	stream.strided.scatter [tilespmem:s23], [sflag:$0x2], $0xC80, s9, s0, $0x38;
	[tilespmem:$0xE400] =	vst v63  }
0x1fe: {  	s2 =	sadd.s32 $0x1F80, s2;
	s5 =	rddreg [dreg:$0xe]  }
0x1ff: {  	[hbm4b:s2+s0] =	stream.strided.scatter [tilespmem:s24], [sflag:$0x2], $0xC80, s9, s0, $0x38;
	[tilespmem:$0xE400] =	vst v63  }
0x200: {  	s6 =	rddreg [dreg:$0xd];
	s4 =	sadd.s32 s15, s5  }
0x201: {  	[hbm4b:s4+s0] =	stream.strided.scatter [tilespmem:s25], [sflag:$0x2], $0xC80, s9, s0, $0x38;
	[tilespmem:$0xE400] =	vst v63  }
0x202: {  	s8 =	rddreg [dreg:$0xc];
	s2 =	sadd.s32 s15, s6  }
0x203: {  	[hbm4b:s2+s0] =	stream.strided.scatter [tilespmem:s26], [sflag:$0x2], $0xC80, s9, s0, $0x38;
	[tilespmem:$0xE400] =	vst v63  }
0x204: {  	s10 =	rddreg [dreg:$0xb];
	s4 =	sadd.s32 s15, s8  }
0x205: {  	[hbm4b:s4+s0] =	stream.strided.scatter [tilespmem:s28], [sflag:$0x2], $0xC80, s9, s0, $0x38;
	[tilespmem:$0xE400] =	vst v63  }
0x206: {  	s13 =	rddreg [dreg:$0xa];
	s2 =	sadd.s32 s15, s10  }
0x207: {  	[hbm4b:s2+s0] =	stream.strided.scatter [tilespmem:s29], [sflag:$0x2], $0xC80, s9, s0, $0x38;
	[tilespmem:$0xE400] =	vst v63  }
0x208: {  	s17 =	rddreg [dreg:$0x9];
	s4 =	sadd.s32 s15, s13  }
0x209: {  	[hbm4b:s4+s0] =	stream.strided.scatter [tilespmem:s30], [sflag:$0x2], $0xC80, s9, s0, $0x38;
	[tilespmem:$0xE400] =	vst v63  }
0x20a: {  	s2 =	sadd.s32 s15, s17  }
0x20b: {  	[hbm4b:s2+s0] =	stream.strided.scatter [tilespmem:s31], [sflag:$0x2], $0xC80, s9, s0, $0x38;
	[tilespmem:$0xE400] =	vst v63  }
0x20c: {  	_ =	swait.ge [sflag:s11], $0xC80  }
0x20d: {  	[sflag:s11] =	ssyncset.done $0x0  }
0x20e: {  	[sflag:s11] =	ssyncadd.s32 $0xFFFFF380  }
0x20f: {  	_ =	swait.ge [sflag:s11], $0xC80  }
0x210: {  	[sflag:s11] =	ssyncset.done $0x0  }
0x211: {  	[sflag:s11] =	ssyncadd.s32 $0xFFFFF380  }
0x212: {  	_ =	swait.ge [sflag:s11], $0xC80  }
0x213: {  	[sflag:s11] =	ssyncset.done $0x0  }
0x214: {  	[sflag:s11] =	ssyncadd.s32 $0xFFFFF380  }
0x215: {  	_ =	swait.ge [sflag:s11], $0xC80  }
0x216: {  	[sflag:s11] =	ssyncset.done $0x0  }
0x217: {  	[sflag:s11] =	ssyncadd.s32 $0xFFFFF380  }
0x218: {  	_ =	swait.ge [sflag:s11], $0xC80  }
0x219: {  	[sflag:s11] =	ssyncset.done $0x0  }
0x21a: {  	[sflag:s11] =	ssyncadd.s32 $0xFFFFF380  }
0x21b: {  	_ =	swait.ge [sflag:s11], $0xC80  }
0x21c: {  	[sflag:s11] =	ssyncset.done $0x0  }
0x21d: {  	[sflag:s11] =	ssyncadd.s32 $0xFFFFF380  }
0x21e: {  	_ =	swait.ge [sflag:s11], $0xC80  }
0x21f: {  	[sflag:s11] =	ssyncset.done $0x0  }
0x220: {  	[sflag:s11] =	ssyncadd.s32 $0xFFFFF380  }
0x221: {  	_ =	swait.ge [sflag:s11], $0xC80  }
0x222: {  	s19 =	rddreg [dreg:$0x11]  }
0x223: {  	s21 =	rddreg [dreg:$0x10];
	s4 =	sadd.s32 $0x1, s19  }
0x224: {  	p0 =	sne.s32 s4, s21  }
.Ltmp1:
0x225: {  	_ = 	snop;
	(pc) =	sbr.rel @p0 .LBB2_1-.Ltmp1, $3  }
0x226: {  	_ =	sdelay $0x1  }
0x227: {  	[sflag:s11] =	ssyncset.done $0x0  }
0x228: {  	[sflag:s11] =	ssyncadd.s32 $0xFFFFF380  }
0x229: {  	_ =	sfence.sel $0x180000  }
0x22a: {  	[bflag:$0x0] =	sbarrier.arrive $0xFFFF  }
0x22b: {  	_ =	strace $0x90000047  }
0x22c: {  	s0 =	stileid.u32;
	[bflag:$0x2] =	sbarrier.arrive $0xFFFF  }
0x22d: {  	p0 =	sne.s32 s0, $0x0;
	s0 =	rddreg [dreg:$0x2]  }
0x22e: {  	s0 =	sadd.s32 @!p0 $0x100000, s0  }
0x22f: {  	[sflag:s0] =	ssyncadd.tile.s32 @!p0 $0x1;
	_ =	shalt  }
.Lfunc_end2:
_tile_overlayer_lowered:
.L_overlay_start_2:
0x230: {  	(tag) =	ssettag $0x2  }
0x231: {  	s0 =	rddreg [dreg:$0x0];
	s2 =	stileid.u32  }
0x232: {  	s1 =	rddreg [dreg:$0x1];
	p0 =	sne.s32 s2, $0x0  }
0x233: {  	s3 =	rddreg [dreg:$0x2];
	[bflag:$0x3] =	sbarrier.arrive $0xFFFF;
	s2 =	simm.s32 @!p0 $0x1C03  }
0x234: {  	[timem:s3], [sflag:s2] =	dma.local @!p0 [hbm:s0], s1  }
0x235: {  	s0 =	simm.s32 @!p0 $0x3  }
0x236: {  	_ =	swait.ge @!p0 [sflag:s0], s1  }
0x237: {  	s1 =	ssub.s32 @!p0 $0x0, s1;
	[sflag:s0] =	ssyncset.done @!p0 $0x0  }
0x238: {  	[sflag:s0] =	ssyncadd.s32 @!p0 s1  }
0x239: {  	[bflag:$0x3] =	sbarrier.arrive $0xFFFF  }
0x23a: {  	_ =	shalt  }

</sc_bundles>
